<compile_context>
chip_gen: v7x
topology: tpu7x:2x2x1
jax: 0.10.2.dev20260603
libtpu: 0.0.44.dev20260713+nightly
codegen_flags: <defaults>
</compile_context>

<pallas_src>
import functools

import jax
import jax.numpy as jnp
from jax import lax
from jax.experimental import pallas as pl
from jax.experimental.pallas import tpu as pltpu
from jax.experimental.pallas import tpu_sc as plsc

_NC = 2
_NS = 16
_NW = _NC * _NS

_CONTEXT = 200
_EMBED = 128
_HIDDEN = 128
_VOCAB = 100000

_KB = 6400
_NK = (_CONTEXT * _EMBED) // _KB
_RPC = _KB // _EMBED

_CW = 768
_SV = _NW * _CW
_V0 = _VOCAB - _SV
_VB = 8192
_NV = -(-_V0 // _VB)
_OB = 16


def _phase1_body(idx_ref, emb_hbm, w1_ref, b1_ref, h_ref, e_ref, sems):
    i = pl.program_id(0)

    def _row_copy(r, chunk):
        return pltpu.make_async_copy(
            emb_hbm.at[pl.ds(idx_ref[r], 1), :],
            e_ref.at[:, pl.ds(r * _EMBED, _EMBED)],
            sems.at[chunk])

    @pl.when(i == 0)
    def _():
        h_ref[...] = jnp.zeros_like(h_ref)

        def issue(r, c):
            _row_copy(r, r // _RPC).start()
            return c
        lax.fori_loop(0, _CONTEXT, issue, 0)

    def drain(r, c):
        _row_copy(r, i).wait()
        return c
    lax.fori_loop(i * _RPC, (i + 1) * _RPC, drain, 0)
    acc = h_ref[...] + jnp.dot(
        e_ref[:, pl.ds(i * _KB, _KB)].astype(jnp.bfloat16),
        w1_ref[...].astype(jnp.bfloat16),
        preferred_element_type=jnp.float32)
    h_ref[...] = jnp.where(i == _NK - 1,
                           jnp.maximum(acc + b1_ref[...], 0.0), acc)


def _phase1(idx, emb, W1, b1_row):
    return pl.pallas_call(
        _phase1_body,
        grid_spec=pltpu.PrefetchScalarGridSpec(
            num_scalar_prefetch=1,
            grid=(_NK,),
            in_specs=[
                pl.BlockSpec(memory_space=pltpu.MemorySpace.HBM),
                pl.BlockSpec((_KB, _HIDDEN), lambda i, idx: (i, 0)),
                pl.BlockSpec((1, _HIDDEN), lambda i, idx: (0, 0)),
            ],
            out_specs=pl.BlockSpec((1, _HIDDEN), lambda i, idx: (0, 0)),
            scratch_shapes=[
                pltpu.VMEM((1, _CONTEXT * _EMBED), jnp.float32),
                pltpu.SemaphoreType.DMA((_NK,)),
            ],
        ),
        out_shape=jax.ShapeDtypeStruct((1, _HIDDEN), jnp.float32),
    )(idx, emb, W1, b1_row)


def _phase2_tc_body(h_ref, w2t_ref, b2_ref, out_ref):
    h = h_ref[...]
    out_ref[...] = lax.dot_general(
        h.astype(jnp.bfloat16), w2t_ref[...].astype(jnp.bfloat16),
        (((1,), (1,)), ((), ())),
        preferred_element_type=jnp.float32) + b2_ref[...]


def _phase2_tc(h_row, W2T, b2_row):
    return pl.pallas_call(
        _phase2_tc_body,
        grid=(_NV,),
        in_specs=[
            pl.BlockSpec((1, _HIDDEN), lambda i: (0, 0)),
            pl.BlockSpec((_VB, _HIDDEN), lambda i: (i, 0)),
            pl.BlockSpec((1, _VB), lambda i: (0, i)),
        ],
        out_specs=pl.BlockSpec((1, _VB), lambda i: (0, i)),
        out_shape=jax.ShapeDtypeStruct((1, _V0), jnp.float32),
    )(h_row, W2T, b2_row)


def _phase2_sc(h_flat, W2T, b2):
    mesh = plsc.VectorSubcoreMesh(core_axis_name="c", subcore_axis_name="s")

    @functools.partial(
        pl.kernel,
        mesh=mesh,
        out_type=jax.ShapeDtypeStruct((_SV,), jnp.float32),
        scratch_types=[
            pltpu.VMEM((_CW, _HIDDEN), jnp.float32),
            pltpu.VMEM((_HIDDEN,), jnp.float32),
            pltpu.VMEM((_CW,), jnp.float32),
            pltpu.VMEM((_CW,), jnp.float32),
        ],
    )
    def k(w2t_hbm, h_hbm, b2_hbm, out_hbm, w2_v, h_v, b2_v, out_v):
        wid = lax.axis_index("s") * _NC + lax.axis_index("c")
        row0 = _V0 + wid * _CW
        pltpu.sync_copy(h_hbm, h_v)
        pltpu.sync_copy(b2_hbm.at[pl.ds(row0, _CW)], b2_v)
        pltpu.sync_copy(w2t_hbm.at[pl.ds(row0, _CW)], w2_v)
        lanes = lax.iota(jnp.int32, 16)
        h_segs = [h_v[pl.ds(c * 16, 16)] for c in range(_HIDDEN // 16)]
        perms = [jnp.bitwise_xor(lanes, jnp.int32(st)) for st in (8, 4, 2, 1)]

        def group(g, c):
            base = g * 16
            tot = jnp.zeros((16,), jnp.float32)
            for m in range(16):
                row = pl.ds((base + m) * _HIDDEN, _HIDDEN)
                p = jnp.zeros((16,), jnp.float32)
                for seg in range(_HIDDEN // 16):
                    w = w2_v[base + m, pl.ds(seg * 16, 16)]
                    p = p + w * h_segs[seg]
                for pm in perms:
                    p = p + p[pm]
                tot = jnp.where(lanes == m, p, tot)
            sl = pl.ds(base, 16)
            out_v[sl] = tot + b2_v[sl]
            return c
        lax.fori_loop(0, _CW // 16, group, 0)
        pltpu.sync_copy(out_v, out_hbm.at[pl.ds(wid * _CW, _CW)])

    return k(W2T, h_flat, b2)


def kernel(inputs, emb, W1, b1, W2, b2):
    W2T = W2.T
    h_row = _phase1(inputs.astype(jnp.int32), emb, W1, b1.reshape(1, _HIDDEN))
    out_sc = _phase2_sc(h_row.reshape(_HIDDEN), W2T, b2)
    out_tc = _phase2_tc(h_row, W2T, b2.reshape(1, _VOCAB))
    return jnp.concatenate([out_tc, out_sc.reshape(1, _SV)], axis=1)

# --- scband reference (transcript-rebuilt; emitter-appended) ---
"""Pipeline reference for scband-next-word-predictor-52759378264602 (READ-ONLY COPY).

The authoritative reference and input builder live on the scoring server;
editing this copy changes nothing except your own understanding.
"""

import jax, jax.numpy as jnp
import numpy as np

VOCAB = 100000
EMBED_DIM = 128
CONTEXT = 200
HIDDEN = 128

def setup_inputs(seed: int = 0) -> dict:
    key = jax.random.key(seed)
    k1, k2, k3, k4, k5, k6 = jax.random.split(key, 6)
    inputs = jax.random.randint(k1, (CONTEXT,), 0, VOCAB, dtype=jnp.int64 if jax.config.jax_enable_x64 else jnp.int32)
    emb = jax.random.normal(k2, (VOCAB, EMBED_DIM), dtype=jnp.float32)
    W1 = jax.random.normal(k3, (CONTEXT * EMBED_DIM, HIDDEN), dtype=jnp.float32) * (1.0 / np.sqrt(CONTEXT * EMBED_DIM))
    b1 = jax.random.normal(k4, (HIDDEN,), dtype=jnp.float32) * 0.01
    W2 = jax.random.normal(k5, (HIDDEN, VOCAB), dtype=jnp.float32) * (1.0 / np.sqrt(HIDDEN))
    b2 = jax.random.normal(k6, (VOCAB,), dtype=jnp.float32) * 0.01
    return {"inputs": inputs, "emb": emb, "W1": W1, "b1": b1, "W2": W2, "b2": b2}

def reference(inputs, emb, W1, b1, W2, b2):
    # embeds = self.embeddings(inputs).view(1, -1)
    embeds = jnp.take(emb, inputs, axis=0).reshape(1, -1)
    # out = self.linear1(embeds); out = relu(out)
    out = embeds @ W1 + b1
    out = jnp.maximum(out, 0.0)
    # out = self.linear2(out)
    out = out @ W2 + b2
    return out

if __name__ == "__main__":
    import jax
    _d = setup_inputs()
    print(jax.jit(kernel)(*tuple(_d.values())))

</pallas_src>

<mosaic_0001>
#map = affine_map<(d0, d1) -> (0, 0)>
#map1 = affine_map<(d0, d1) -> (0)>
module attributes {stable_mosaic.version = 14 : i64} {
  func.func @k(%arg0: i32, %arg1: i32, %arg2: memref<100000x128xf32, #tpu.memory_space<hbm>>, %arg3: memref<128xf32, #tpu.memory_space<hbm>>, %arg4: memref<100000xf32, #tpu.memory_space<hbm>>, %arg5: memref<24576xf32, #tpu.memory_space<hbm>>, %arg6: memref<768x128xf32, #tpu.memory_space<vmem>>, %arg7: memref<128xf32, #tpu.memory_space<vmem>>, %arg8: memref<768xf32, #tpu.memory_space<vmem>>, %arg9: memref<768xf32, #tpu.memory_space<vmem>>) attributes {dimension_semantics = [#tpu.dimension_semantics<core_parallel>, #tpu.dimension_semantics<subcore_parallel>], iteration_bounds = array<i64: 2, 16>, scalar_prefetch = 0 : i64, scratch_operands = 4 : i64, tpu.core_type = #tpu.core_type<sc_vector_subcore>, window_params = [{transform_indices = #map}, {transform_indices = #map1}, {transform_indices = #map1}, {transform_indices = #map1}]} {
    %mul3A = arith.constant 2 : i32
    %mul3A_0 = arith.muli %arg1, %mul3A : i32
    %add3A = arith.addi %mul3A_0, %arg0 : i32
    %mul3A_1 = arith.constant 768 : i32
    %mul3A_2 = arith.muli %add3A, %mul3A_1 : i32
    %add3A_3 = arith.constant 75424 : i32
    %add3A_4 = arith.addi %add3A_3, %mul3A_2 : i32
    "tpu.region"() ({
      %run_scoped3A = tpu.sem_alloc : memref<!tpu.dma_semaphore, #tpu.memory_space<semaphore_mem>>
      tpu.enqueue_dma source(%arg3 : memref<128xf32, #tpu.memory_space<hbm>>) target(%arg7 : memref<128xf32, #tpu.memory_space<vmem>>) target_semaphore(%run_scoped3A : memref<!tpu.dma_semaphore, #tpu.memory_space<semaphore_mem>>)
      tpu.wait_dma2 semaphore(%run_scoped3A : memref<!tpu.dma_semaphore, #tpu.memory_space<semaphore_mem>>) src(%arg3 : memref<128xf32, #tpu.memory_space<hbm>>) dst(%arg7 : memref<128xf32, #tpu.memory_space<vmem>>)
      tpu.yield
    }) : () -> ()
    "tpu.region"() ({
      %run_scoped3A = tpu.sem_alloc : memref<!tpu.dma_semaphore, #tpu.memory_space<semaphore_mem>>
      %dma_start3A = tpu.memref_slice %arg4[%add3A_4] : memref<100000xf32, #tpu.memory_space<hbm>> -> memref<768xf32, #tpu.memory_space<hbm>>
      %dma_start3A_46 = tpu.memref_slice %arg4[%add3A_4] : memref<100000xf32, #tpu.memory_space<hbm>> -> memref<768xf32, #tpu.memory_space<hbm>>
      tpu.enqueue_dma source(%dma_start3A_46 : memref<768xf32, #tpu.memory_space<hbm>>) target(%arg8 : memref<768xf32, #tpu.memory_space<vmem>>) target_semaphore(%run_scoped3A : memref<!tpu.dma_semaphore, #tpu.memory_space<semaphore_mem>>)
      %dma_wait3A = tpu.memref_slice %arg4[%add3A_4] : memref<100000xf32, #tpu.memory_space<hbm>> -> memref<768xf32, #tpu.memory_space<hbm>>
      %dma_wait3A_47 = tpu.memref_slice %arg4[%add3A_4] : memref<100000xf32, #tpu.memory_space<hbm>> -> memref<768xf32, #tpu.memory_space<hbm>>
      tpu.wait_dma2 semaphore(%run_scoped3A : memref<!tpu.dma_semaphore, #tpu.memory_space<semaphore_mem>>) src(%dma_wait3A_47 : memref<768xf32, #tpu.memory_space<hbm>>) dst(%arg8 : memref<768xf32, #tpu.memory_space<vmem>>)
      tpu.yield
    }) : () -> ()
    "tpu.region"() ({
      %run_scoped3A = tpu.sem_alloc : memref<!tpu.dma_semaphore, #tpu.memory_space<semaphore_mem>>
      %dma_start3A = arith.constant 0 : i32
      %dma_start3A_46 = tpu.memref_slice %arg2[%add3A_4, %dma_start3A] : memref<100000x128xf32, #tpu.memory_space<hbm>> -> memref<768x128xf32, #tpu.memory_space<hbm>>
      %dma_start3A_47 = arith.constant 0 : i32
      %dma_start3A_48 = tpu.memref_slice %arg2[%add3A_4, %dma_start3A_47] : memref<100000x128xf32, #tpu.memory_space<hbm>> -> memref<768x128xf32, #tpu.memory_space<hbm>>
      tpu.enqueue_dma source(%dma_start3A_48 : memref<768x128xf32, #tpu.memory_space<hbm>>) target(%arg6 : memref<768x128xf32, #tpu.memory_space<vmem>>) target_semaphore(%run_scoped3A : memref<!tpu.dma_semaphore, #tpu.memory_space<semaphore_mem>>)
      %dma_wait3A = arith.constant 0 : i32
      %dma_wait3A_49 = tpu.memref_slice %arg2[%add3A_4, %dma_wait3A] : memref<100000x128xf32, #tpu.memory_space<hbm>> -> memref<768x128xf32, #tpu.memory_space<hbm>>
      %dma_wait3A_50 = arith.constant 0 : i32
      %dma_wait3A_51 = tpu.memref_slice %arg2[%add3A_4, %dma_wait3A_50] : memref<100000x128xf32, #tpu.memory_space<hbm>> -> memref<768x128xf32, #tpu.memory_space<hbm>>
      tpu.wait_dma2 semaphore(%run_scoped3A : memref<!tpu.dma_semaphore, #tpu.memory_space<semaphore_mem>>) src(%dma_wait3A_51 : memref<768x128xf32, #tpu.memory_space<hbm>>) dst(%arg6 : memref<768x128xf32, #tpu.memory_space<vmem>>)
      tpu.yield
    }) : () -> ()
    %iota3A = tpu.iota {dimensions = array<i32: 0>} : vector<16xi32>
    %get3A = arith.constant 0 : index
    %get3A_5 = tpu.vector_load %arg7[%get3A] {strides = array<i32>} : memref<128xf32, #tpu.memory_space<vmem>>, vector<16xf32>,
    %get3A_6 = vector.shape_cast %get3A_5 : vector<16xf32> to vector<16xf32>
    %get3A_7 = arith.constant 16 : index
    %get3A_8 = tpu.vector_load %arg7[%get3A_7] {strides = array<i32>} : memref<128xf32, #tpu.memory_space<vmem>>, vector<16xf32>,
    %get3A_9 = vector.shape_cast %get3A_8 : vector<16xf32> to vector<16xf32>
    %get3A_10 = arith.constant 32 : index
    %get3A_11 = tpu.vector_load %arg7[%get3A_10] {strides = array<i32>} : memref<128xf32, #tpu.memory_space<vmem>>, vector<16xf32>,
    %get3A_12 = vector.shape_cast %get3A_11 : vector<16xf32> to vector<16xf32>
    %get3A_13 = arith.constant 48 : index
    %get3A_14 = tpu.vector_load %arg7[%get3A_13] {strides = array<i32>} : memref<128xf32, #tpu.memory_space<vmem>>, vector<16xf32>,
    %get3A_15 = vector.shape_cast %get3A_14 : vector<16xf32> to vector<16xf32>
    %get3A_16 = arith.constant 64 : index
    %get3A_17 = tpu.vector_load %arg7[%get3A_16] {strides = array<i32>} : memref<128xf32, #tpu.memory_space<vmem>>, vector<16xf32>,
    %get3A_18 = vector.shape_cast %get3A_17 : vector<16xf32> to vector<16xf32>
    %get3A_19 = arith.constant 80 : index
    %get3A_20 = tpu.vector_load %arg7[%get3A_19] {strides = array<i32>} : memref<128xf32, #tpu.memory_space<vmem>>, vector<16xf32>,
    %get3A_21 = vector.shape_cast %get3A_20 : vector<16xf32> to vector<16xf32>
    %get3A_22 = arith.constant 96 : index
    %get3A_23 = tpu.vector_load %arg7[%get3A_22] {strides = array<i32>} : memref<128xf32, #tpu.memory_space<vmem>>, vector<16xf32>,
    %get3A_24 = vector.shape_cast %get3A_23 : vector<16xf32> to vector<16xf32>
    %get3A_25 = arith.constant 112 : index
    %get3A_26 = tpu.vector_load %arg7[%get3A_25] {strides = array<i32>} : memref<128xf32, #tpu.memory_space<vmem>>, vector<16xf32>,
    %get3A_27 = vector.shape_cast %get3A_26 : vector<16xf32> to vector<16xf32>
    %xor3A = arith.constant 8 : i32
    %xor3A_28 = vector.broadcast %xor3A : i32 to vector<16xi32>
    %xor3A_29 = arith.xori %iota3A, %xor3A_28 : vector<16xi32>
    %xor3A_30 = arith.constant 4 : i32
    %xor3A_31 = vector.broadcast %xor3A_30 : i32 to vector<16xi32>
    %xor3A_32 = arith.xori %iota3A, %xor3A_31 : vector<16xi32>
    %xor3A_33 = arith.constant 2 : i32
    %xor3A_34 = vector.broadcast %xor3A_33 : i32 to vector<16xi32>
    %xor3A_35 = arith.xori %iota3A, %xor3A_34 : vector<16xi32>
    %xor3A_36 = arith.constant 1 : i32
    %xor3A_37 = vector.broadcast %xor3A_36 : i32 to vector<16xi32>
    %xor3A_38 = arith.xori %iota3A, %xor3A_37 : vector<16xi32>
    %scan3A = arith.constant 0 : i32
    %scan3A_39 = arith.constant 0 : i32
    %scan3A_40 = arith.constant 48 : i32
    %scan3A_41 = arith.addi %scan3A_39, %scan3A_40 : i32
    %scan3A_42 = arith.constant 1 : i32
    scf.for %scan3A_46 = %scan3A_39 to %scan3A_41 step %scan3A_42  : i32 {
      %mul3A_47 = arith.constant 16 : i32
      %mul3A_48 = arith.muli %scan3A_46, %mul3A_47 : i32
      %broadcast_in_dim3A = arith.constant 0.000000e+00 : f32
      %broadcast_in_dim3A_49 = vector.broadcast %broadcast_in_dim3A : f32 to vector<16xf32>
      %add3A_50 = arith.constant 0 : i32
      %add3A_51 = arith.addi %mul3A_48, %add3A_50 : i32
      %mul3A_52 = arith.constant 128 : i32
      %mul3A_53 = arith.muli %add3A_51, %mul3A_52 : i32
      %broadcast_in_dim3A_54 = arith.constant 0.000000e+00 : f32
      %broadcast_in_dim3A_55 = vector.broadcast %broadcast_in_dim3A_54 : f32 to vector<16xf32>
      %add3A_56 = arith.constant 0 : i32
      %add3A_57 = arith.addi %mul3A_48, %add3A_56 : i32
      %get3A_58 = arith.index_cast %add3A_57 : i32 to index
      %get3A_59 = arith.constant 0 : index
      %get3A_60 = tpu.vector_load %arg6[%get3A_58, %get3A_59] {strides = array<i32>} : memref<768x128xf32, #tpu.memory_space<vmem>>, vector<1x16xf32>,
      %get3A_61 = vector.shape_cast %get3A_60 : vector<1x16xf32> to vector<16xf32>
      %mul3A_62 = arith.mulf %get3A_61, %get3A_6 : vector<16xf32>
      %add3A_63 = arith.addf %broadcast_in_dim3A_55, %mul3A_62 : vector<16xf32>
      %add3A_64 = arith.constant 0 : i32
      %add3A_65 = arith.addi %mul3A_48, %add3A_64 : i32
      %get3A_66 = arith.index_cast %add3A_65 : i32 to index
      %get3A_67 = arith.constant 16 : index
      %get3A_68 = tpu.vector_load %arg6[%get3A_66, %get3A_67] {strides = array<i32>} : memref<768x128xf32, #tpu.memory_space<vmem>>, vector<1x16xf32>,
      %get3A_69 = vector.shape_cast %get3A_68 : vector<1x16xf32> to vector<16xf32>
      %mul3A_70 = arith.mulf %get3A_69, %get3A_9 : vector<16xf32>
      %add3A_71 = arith.addf %add3A_63, %mul3A_70 : vector<16xf32>
      %add3A_72 = arith.constant 0 : i32
      %add3A_73 = arith.addi %mul3A_48, %add3A_72 : i32
      %get3A_74 = arith.index_cast %add3A_73 : i32 to index
      %get3A_75 = arith.constant 32 : index
      %get3A_76 = tpu.vector_load %arg6[%get3A_74, %get3A_75] {strides = array<i32>} : memref<768x128xf32, #tpu.memory_space<vmem>>, vector<1x16xf32>,
      %get3A_77 = vector.shape_cast %get3A_76 : vector<1x16xf32> to vector<16xf32>
      %mul3A_78 = arith.mulf %get3A_77, %get3A_12 : vector<16xf32>
      %add3A_79 = arith.addf %add3A_71, %mul3A_78 : vector<16xf32>
      %add3A_80 = arith.constant 0 : i32
      %add3A_81 = arith.addi %mul3A_48, %add3A_80 : i32
      %get3A_82 = arith.index_cast %add3A_81 : i32 to index
      %get3A_83 = arith.constant 48 : index
      %get3A_84 = tpu.vector_load %arg6[%get3A_82, %get3A_83] {strides = array<i32>} : memref<768x128xf32, #tpu.memory_space<vmem>>, vector<1x16xf32>,
      %get3A_85 = vector.shape_cast %get3A_84 : vector<1x16xf32> to vector<16xf32>
      %mul3A_86 = arith.mulf %get3A_85, %get3A_15 : vector<16xf32>
      %add3A_87 = arith.addf %add3A_79, %mul3A_86 : vector<16xf32>
      %add3A_88 = arith.constant 0 : i32
      %add3A_89 = arith.addi %mul3A_48, %add3A_88 : i32
      %get3A_90 = arith.index_cast %add3A_89 : i32 to index
      %get3A_91 = arith.constant 64 : index
      %get3A_92 = tpu.vector_load %arg6[%get3A_90, %get3A_91] {strides = array<i32>} : memref<768x128xf32, #tpu.memory_space<vmem>>, vector<1x16xf32>,
      %get3A_93 = vector.shape_cast %get3A_92 : vector<1x16xf32> to vector<16xf32>
      %mul3A_94 = arith.mulf %get3A_93, %get3A_18 : vector<16xf32>
      %add3A_95 = arith.addf %add3A_87, %mul3A_94 : vector<16xf32>
      %add3A_96 = arith.constant 0 : i32
      %add3A_97 = arith.addi %mul3A_48, %add3A_96 : i32
      %get3A_98 = arith.index_cast %add3A_97 : i32 to index
      %get3A_99 = arith.constant 80 : index
      %get3A_100 = tpu.vector_load %arg6[%get3A_98, %get3A_99] {strides = array<i32>} : memref<768x128xf32, #tpu.memory_space<vmem>>, vector<1x16xf32>,
      %get3A_101 = vector.shape_cast %get3A_100 : vector<1x16xf32> to vector<16xf32>
      %mul3A_102 = arith.mulf %get3A_101, %get3A_21 : vector<16xf32>
      %add3A_103 = arith.addf %add3A_95, %mul3A_102 : vector<16xf32>
      %add3A_104 = arith.constant 0 : i32
      %add3A_105 = arith.addi %mul3A_48, %add3A_104 : i32
      %get3A_106 = arith.index_cast %add3A_105 : i32 to index
      %get3A_107 = arith.constant 96 : index
      %get3A_108 = tpu.vector_load %arg6[%get3A_106, %get3A_107] {strides = array<i32>} : memref<768x128xf32, #tpu.memory_space<vmem>>, vector<1x16xf32>,
      %get3A_109 = vector.shape_cast %get3A_108 : vector<1x16xf32> to vector<16xf32>
      %mul3A_110 = arith.mulf %get3A_109, %get3A_24 : vector<16xf32>
      %add3A_111 = arith.addf %add3A_103, %mul3A_110 : vector<16xf32>
      %add3A_112 = arith.constant 0 : i32
      %add3A_113 = arith.addi %mul3A_48, %add3A_112 : i32
      %get3A_114 = arith.index_cast %add3A_113 : i32 to index
      %get3A_115 = arith.constant 112 : index
      %get3A_116 = tpu.vector_load %arg6[%get3A_114, %get3A_115] {strides = array<i32>} : memref<768x128xf32, #tpu.memory_space<vmem>>, vector<1x16xf32>,
      %get3A_117 = vector.shape_cast %get3A_116 : vector<1x16xf32> to vector<16xf32>
      %mul3A_118 = arith.mulf %get3A_117, %get3A_27 : vector<16xf32>
      %add3A_119 = arith.addf %add3A_111, %mul3A_118 : vector<16xf32>
      %lt3A = arith.constant 0 : i32
      %lt3A_120 = vector.broadcast %lt3A : i32 to vector<16xi32>
      %lt3A_121 = arith.cmpi slt, %xor3A_29, %lt3A_120 : vector<16xi32>
      %add3A_122 = arith.constant 16 : i32
      %add3A_123 = vector.broadcast %add3A_122 : i32 to vector<16xi32>
      %add3A_124 = arith.addi %xor3A_29, %add3A_123 : vector<16xi32>
      %select_n3A = arith.select %lt3A_121, %add3A_124, %xor3A_29 : vector<16xi1>, vector<16xi32>
      %broadcast_in_dim3A_125 = vector.shape_cast %select_n3A : vector<16xi32> to vector<16x1xi32>
      %gather3A = vector.shape_cast %broadcast_in_dim3A_125 : vector<16x1xi32> to vector<16xi32>
      %gather3A_126 = tpu.dynamic_gather %add3A_119[%gather3A] in [0] : vector<16xf32>, vector<16xi32> -> vector<16xf32>
      %add3A_127 = arith.addf %add3A_119, %gather3A_126 : vector<16xf32>
      %lt3A_128 = arith.constant 0 : i32
      %lt3A_129 = vector.broadcast %lt3A_128 : i32 to vector<16xi32>
      %lt3A_130 = arith.cmpi slt, %xor3A_32, %lt3A_129 : vector<16xi32>
      %add3A_131 = arith.constant 16 : i32
      %add3A_132 = vector.broadcast %add3A_131 : i32 to vector<16xi32>
      %add3A_133 = arith.addi %xor3A_32, %add3A_132 : vector<16xi32>
      %select_n3A_134 = arith.select %lt3A_130, %add3A_133, %xor3A_32 : vector<16xi1>, vector<16xi32>
      %broadcast_in_dim3A_135 = vector.shape_cast %select_n3A_134 : vector<16xi32> to vector<16x1xi32>
      %gather3A_136 = vector.shape_cast %broadcast_in_dim3A_135 : vector<16x1xi32> to vector<16xi32>
      %gather3A_137 = tpu.dynamic_gather %add3A_127[%gather3A_136] in [0] : vector<16xf32>, vector<16xi32> -> vector<16xf32>
      %add3A_138 = arith.addf %add3A_127, %gather3A_137 : vector<16xf32>
      %lt3A_139 = arith.constant 0 : i32
      %lt3A_140 = vector.broadcast %lt3A_139 : i32 to vector<16xi32>
      %lt3A_141 = arith.cmpi slt, %xor3A_35, %lt3A_140 : vector<16xi32>
      %add3A_142 = arith.constant 16 : i32
      %add3A_143 = vector.broadcast %add3A_142 : i32 to vector<16xi32>
      %add3A_144 = arith.addi %xor3A_35, %add3A_143 : vector<16xi32>
      %select_n3A_145 = arith.select %lt3A_141, %add3A_144, %xor3A_35 : vector<16xi1>, vector<16xi32>
      %broadcast_in_dim3A_146 = vector.shape_cast %select_n3A_145 : vector<16xi32> to vector<16x1xi32>
      %gather3A_147 = vector.shape_cast %broadcast_in_dim3A_146 : vector<16x1xi32> to vector<16xi32>
      %gather3A_148 = tpu.dynamic_gather %add3A_138[%gather3A_147] in [0] : vector<16xf32>, vector<16xi32> -> vector<16xf32>
      %add3A_149 = arith.addf %add3A_138, %gather3A_148 : vector<16xf32>
      %lt3A_150 = arith.constant 0 : i32
      %lt3A_151 = vector.broadcast %lt3A_150 : i32 to vector<16xi32>
      %lt3A_152 = arith.cmpi slt, %xor3A_38, %lt3A_151 : vector<16xi32>
      %add3A_153 = arith.constant 16 : i32
      %add3A_154 = vector.broadcast %add3A_153 : i32 to vector<16xi32>
      %add3A_155 = arith.addi %xor3A_38, %add3A_154 : vector<16xi32>
      %select_n3A_156 = arith.select %lt3A_152, %add3A_155, %xor3A_38 : vector<16xi1>, vector<16xi32>
      %broadcast_in_dim3A_157 = vector.shape_cast %select_n3A_156 : vector<16xi32> to vector<16x1xi32>
      %gather3A_158 = vector.shape_cast %broadcast_in_dim3A_157 : vector<16x1xi32> to vector<16xi32>
      %gather3A_159 = tpu.dynamic_gather %add3A_149[%gather3A_158] in [0] : vector<16xf32>, vector<16xi32> -> vector<16xf32>
      %add3A_160 = arith.addf %add3A_149, %gather3A_159 : vector<16xf32>
      %eq3A = arith.constant 0 : i32
      %eq3A_161 = vector.broadcast %eq3A : i32 to vector<16xi32>
      %eq3A_162 = arith.cmpi eq, %iota3A, %eq3A_161 : vector<16xi32>
      %select_n3A_163 = arith.select %eq3A_162, %add3A_160, %broadcast_in_dim3A_49 : vector<16xi1>, vector<16xf32>
      %add3A_164 = arith.constant 1 : i32
      %add3A_165 = arith.addi %mul3A_48, %add3A_164 : i32
      %mul3A_166 = arith.constant 128 : i32
      %mul3A_167 = arith.muli %add3A_165, %mul3A_166 : i32
      %broadcast_in_dim3A_168 = arith.constant 0.000000e+00 : f32
      %broadcast_in_dim3A_169 = vector.broadcast %broadcast_in_dim3A_168 : f32 to vector<16xf32>
      %add3A_170 = arith.constant 1 : i32
      %add3A_171 = arith.addi %mul3A_48, %add3A_170 : i32
      %get3A_172 = arith.index_cast %add3A_171 : i32 to index
      %get3A_173 = arith.constant 0 : index
      %get3A_174 = tpu.vector_load %arg6[%get3A_172, %get3A_173] {strides = array<i32>} : memref<768x128xf32, #tpu.memory_space<vmem>>, vector<1x16xf32>,
      %get3A_175 = vector.shape_cast %get3A_174 : vector<1x16xf32> to vector<16xf32>
      %mul3A_176 = arith.mulf %get3A_175, %get3A_6 : vector<16xf32>
      %add3A_177 = arith.addf %broadcast_in_dim3A_169, %mul3A_176 : vector<16xf32>
      %add3A_178 = arith.constant 1 : i32
      %add3A_179 = arith.addi %mul3A_48, %add3A_178 : i32
      %get3A_180 = arith.index_cast %add3A_179 : i32 to index
      %get3A_181 = arith.constant 16 : index
      %get3A_182 = tpu.vector_load %arg6[%get3A_180, %get3A_181] {strides = array<i32>} : memref<768x128xf32, #tpu.memory_space<vmem>>, vector<1x16xf32>,
      %get3A_183 = vector.shape_cast %get3A_182 : vector<1x16xf32> to vector<16xf32>
      %mul3A_184 = arith.mulf %get3A_183, %get3A_9 : vector<16xf32>
      %add3A_185 = arith.addf %add3A_177, %mul3A_184 : vector<16xf32>
      %add3A_186 = arith.constant 1 : i32
      %add3A_187 = arith.addi %mul3A_48, %add3A_186 : i32
      %get3A_188 = arith.index_cast %add3A_187 : i32 to index
      %get3A_189 = arith.constant 32 : index
      %get3A_190 = tpu.vector_load %arg6[%get3A_188, %get3A_189] {strides = array<i32>} : memref<768x128xf32, #tpu.memory_space<vmem>>, vector<1x16xf32>,
      %get3A_191 = vector.shape_cast %get3A_190 : vector<1x16xf32> to vector<16xf32>
      %mul3A_192 = arith.mulf %get3A_191, %get3A_12 : vector<16xf32>
      %add3A_193 = arith.addf %add3A_185, %mul3A_192 : vector<16xf32>
      %add3A_194 = arith.constant 1 : i32
      %add3A_195 = arith.addi %mul3A_48, %add3A_194 : i32
      %get3A_196 = arith.index_cast %add3A_195 : i32 to index
      %get3A_197 = arith.constant 48 : index
      %get3A_198 = tpu.vector_load %arg6[%get3A_196, %get3A_197] {strides = array<i32>} : memref<768x128xf32, #tpu.memory_space<vmem>>, vector<1x16xf32>,
      %get3A_199 = vector.shape_cast %get3A_198 : vector<1x16xf32> to vector<16xf32>
      %mul3A_200 = arith.mulf %get3A_199, %get3A_15 : vector<16xf32>
      %add3A_201 = arith.addf %add3A_193, %mul3A_200 : vector<16xf32>
      %add3A_202 = arith.constant 1 : i32
      %add3A_203 = arith.addi %mul3A_48, %add3A_202 : i32
      %get3A_204 = arith.index_cast %add3A_203 : i32 to index
      %get3A_205 = arith.constant 64 : index
      %get3A_206 = tpu.vector_load %arg6[%get3A_204, %get3A_205] {strides = array<i32>} : memref<768x128xf32, #tpu.memory_space<vmem>>, vector<1x16xf32>,
      %get3A_207 = vector.shape_cast %get3A_206 : vector<1x16xf32> to vector<16xf32>
      %mul3A_208 = arith.mulf %get3A_207, %get3A_18 : vector<16xf32>
      %add3A_209 = arith.addf %add3A_201, %mul3A_208 : vector<16xf32>
      %add3A_210 = arith.constant 1 : i32
      %add3A_211 = arith.addi %mul3A_48, %add3A_210 : i32
      %get3A_212 = arith.index_cast %add3A_211 : i32 to index
      %get3A_213 = arith.constant 80 : index
      %get3A_214 = tpu.vector_load %arg6[%get3A_212, %get3A_213] {strides = array<i32>} : memref<768x128xf32, #tpu.memory_space<vmem>>, vector<1x16xf32>,
      %get3A_215 = vector.shape_cast %get3A_214 : vector<1x16xf32> to vector<16xf32>
      %mul3A_216 = arith.mulf %get3A_215, %get3A_21 : vector<16xf32>
      %add3A_217 = arith.addf %add3A_209, %mul3A_216 : vector<16xf32>
      %add3A_218 = arith.constant 1 : i32
      %add3A_219 = arith.addi %mul3A_48, %add3A_218 : i32
      %get3A_220 = arith.index_cast %add3A_219 : i32 to index
      %get3A_221 = arith.constant 96 : index
      %get3A_222 = tpu.vector_load %arg6[%get3A_220, %get3A_221] {strides = array<i32>} : memref<768x128xf32, #tpu.memory_space<vmem>>, vector<1x16xf32>,
      %get3A_223 = vector.shape_cast %get3A_222 : vector<1x16xf32> to vector<16xf32>
      %mul3A_224 = arith.mulf %get3A_223, %get3A_24 : vector<16xf32>
      %add3A_225 = arith.addf %add3A_217, %mul3A_224 : vector<16xf32>
      %add3A_226 = arith.constant 1 : i32
      %add3A_227 = arith.addi %mul3A_48, %add3A_226 : i32
      %get3A_228 = arith.index_cast %add3A_227 : i32 to index
      %get3A_229 = arith.constant 112 : index
      %get3A_230 = tpu.vector_load %arg6[%get3A_228, %get3A_229] {strides = array<i32>} : memref<768x128xf32, #tpu.memory_space<vmem>>, vector<1x16xf32>,
      %get3A_231 = vector.shape_cast %get3A_230 : vector<1x16xf32> to vector<16xf32>
      %mul3A_232 = arith.mulf %get3A_231, %get3A_27 : vector<16xf32>
      %add3A_233 = arith.addf %add3A_225, %mul3A_232 : vector<16xf32>
      %lt3A_234 = arith.constant 0 : i32
      %lt3A_235 = vector.broadcast %lt3A_234 : i32 to vector<16xi32>
      %lt3A_236 = arith.cmpi slt, %xor3A_29, %lt3A_235 : vector<16xi32>
      %add3A_237 = arith.constant 16 : i32
      %add3A_238 = vector.broadcast %add3A_237 : i32 to vector<16xi32>
      %add3A_239 = arith.addi %xor3A_29, %add3A_238 : vector<16xi32>
      %select_n3A_240 = arith.select %lt3A_236, %add3A_239, %xor3A_29 : vector<16xi1>, vector<16xi32>
      %broadcast_in_dim3A_241 = vector.shape_cast %select_n3A_240 : vector<16xi32> to vector<16x1xi32>
      %gather3A_242 = vector.shape_cast %broadcast_in_dim3A_241 : vector<16x1xi32> to vector<16xi32>
      %gather3A_243 = tpu.dynamic_gather %add3A_233[%gather3A_242] in [0] : vector<16xf32>, vector<16xi32> -> vector<16xf32>
      %add3A_244 = arith.addf %add3A_233, %gather3A_243 : vector<16xf32>
      %lt3A_245 = arith.constant 0 : i32
      %lt3A_246 = vector.broadcast %lt3A_245 : i32 to vector<16xi32>
      %lt3A_247 = arith.cmpi slt, %xor3A_32, %lt3A_246 : vector<16xi32>
      %add3A_248 = arith.constant 16 : i32
      %add3A_249 = vector.broadcast %add3A_248 : i32 to vector<16xi32>
      %add3A_250 = arith.addi %xor3A_32, %add3A_249 : vector<16xi32>
      %select_n3A_251 = arith.select %lt3A_247, %add3A_250, %xor3A_32 : vector<16xi1>, vector<16xi32>
      %broadcast_in_dim3A_252 = vector.shape_cast %select_n3A_251 : vector<16xi32> to vector<16x1xi32>
      %gather3A_253 = vector.shape_cast %broadcast_in_dim3A_252 : vector<16x1xi32> to vector<16xi32>
      %gather3A_254 = tpu.dynamic_gather %add3A_244[%gather3A_253] in [0] : vector<16xf32>, vector<16xi32> -> vector<16xf32>
      %add3A_255 = arith.addf %add3A_244, %gather3A_254 : vector<16xf32>
      %lt3A_256 = arith.constant 0 : i32
      %lt3A_257 = vector.broadcast %lt3A_256 : i32 to vector<16xi32>
      %lt3A_258 = arith.cmpi slt, %xor3A_35, %lt3A_257 : vector<16xi32>
      %add3A_259 = arith.constant 16 : i32
      %add3A_260 = vector.broadcast %add3A_259 : i32 to vector<16xi32>
      %add3A_261 = arith.addi %xor3A_35, %add3A_260 : vector<16xi32>
      %select_n3A_262 = arith.select %lt3A_258, %add3A_261, %xor3A_35 : vector<16xi1>, vector<16xi32>
      %broadcast_in_dim3A_263 = vector.shape_cast %select_n3A_262 : vector<16xi32> to vector<16x1xi32>
      %gather3A_264 = vector.shape_cast %broadcast_in_dim3A_263 : vector<16x1xi32> to vector<16xi32>
      %gather3A_265 = tpu.dynamic_gather %add3A_255[%gather3A_264] in [0] : vector<16xf32>, vector<16xi32> -> vector<16xf32>
      %add3A_266 = arith.addf %add3A_255, %gather3A_265 : vector<16xf32>
      %lt3A_267 = arith.constant 0 : i32
      %lt3A_268 = vector.broadcast %lt3A_267 : i32 to vector<16xi32>
      %lt3A_269 = arith.cmpi slt, %xor3A_38, %lt3A_268 : vector<16xi32>
      %add3A_270 = arith.constant 16 : i32
      %add3A_271 = vector.broadcast %add3A_270 : i32 to vector<16xi32>
      %add3A_272 = arith.addi %xor3A_38, %add3A_271 : vector<16xi32>
      %select_n3A_273 = arith.select %lt3A_269, %add3A_272, %xor3A_38 : vector<16xi1>, vector<16xi32>
      %broadcast_in_dim3A_274 = vector.shape_cast %select_n3A_273 : vector<16xi32> to vector<16x1xi32>
      %gather3A_275 = vector.shape_cast %broadcast_in_dim3A_274 : vector<16x1xi32> to vector<16xi32>
      %gather3A_276 = tpu.dynamic_gather %add3A_266[%gather3A_275] in [0] : vector<16xf32>, vector<16xi32> -> vector<16xf32>
      %add3A_277 = arith.addf %add3A_266, %gather3A_276 : vector<16xf32>
      %eq3A_278 = arith.constant 1 : i32
      %eq3A_279 = vector.broadcast %eq3A_278 : i32 to vector<16xi32>
      %eq3A_280 = arith.cmpi eq, %iota3A, %eq3A_279 : vector<16xi32>
      %select_n3A_281 = arith.select %eq3A_280, %add3A_277, %select_n3A_163 : vector<16xi1>, vector<16xf32>
      %add3A_282 = arith.constant 2 : i32
      %add3A_283 = arith.addi %mul3A_48, %add3A_282 : i32
      %mul3A_284 = arith.constant 128 : i32
      %mul3A_285 = arith.muli %add3A_283, %mul3A_284 : i32
      %broadcast_in_dim3A_286 = arith.constant 0.000000e+00 : f32
      %broadcast_in_dim3A_287 = vector.broadcast %broadcast_in_dim3A_286 : f32 to vector<16xf32>
      %add3A_288 = arith.constant 2 : i32
      %add3A_289 = arith.addi %mul3A_48, %add3A_288 : i32
      %get3A_290 = arith.index_cast %add3A_289 : i32 to index
      %get3A_291 = arith.constant 0 : index
      %get3A_292 = tpu.vector_load %arg6[%get3A_290, %get3A_291] {strides = array<i32>} : memref<768x128xf32, #tpu.memory_space<vmem>>, vector<1x16xf32>,
      %get3A_293 = vector.shape_cast %get3A_292 : vector<1x16xf32> to vector<16xf32>
      %mul3A_294 = arith.mulf %get3A_293, %get3A_6 : vector<16xf32>
      %add3A_295 = arith.addf %broadcast_in_dim3A_287, %mul3A_294 : vector<16xf32>
      %add3A_296 = arith.constant 2 : i32
      %add3A_297 = arith.addi %mul3A_48, %add3A_296 : i32
      %get3A_298 = arith.index_cast %add3A_297 : i32 to index
      %get3A_299 = arith.constant 16 : index
      %get3A_300 = tpu.vector_load %arg6[%get3A_298, %get3A_299] {strides = array<i32>} : memref<768x128xf32, #tpu.memory_space<vmem>>, vector<1x16xf32>,
      %get3A_301 = vector.shape_cast %get3A_300 : vector<1x16xf32> to vector<16xf32>
      %mul3A_302 = arith.mulf %get3A_301, %get3A_9 : vector<16xf32>
      %add3A_303 = arith.addf %add3A_295, %mul3A_302 : vector<16xf32>
      %add3A_304 = arith.constant 2 : i32
      %add3A_305 = arith.addi %mul3A_48, %add3A_304 : i32
      %get3A_306 = arith.index_cast %add3A_305 : i32 to index
      %get3A_307 = arith.constant 32 : index
      %get3A_308 = tpu.vector_load %arg6[%get3A_306, %get3A_307] {strides = array<i32>} : memref<768x128xf32, #tpu.memory_space<vmem>>, vector<1x16xf32>,
      %get3A_309 = vector.shape_cast %get3A_308 : vector<1x16xf32> to vector<16xf32>
      %mul3A_310 = arith.mulf %get3A_309, %get3A_12 : vector<16xf32>
      %add3A_311 = arith.addf %add3A_303, %mul3A_310 : vector<16xf32>
      %add3A_312 = arith.constant 2 : i32
      %add3A_313 = arith.addi %mul3A_48, %add3A_312 : i32
      %get3A_314 = arith.index_cast %add3A_313 : i32 to index
      %get3A_315 = arith.constant 48 : index
      %get3A_316 = tpu.vector_load %arg6[%get3A_314, %get3A_315] {strides = array<i32>} : memref<768x128xf32, #tpu.memory_space<vmem>>, vector<1x16xf32>,
      %get3A_317 = vector.shape_cast %get3A_316 : vector<1x16xf32> to vector<16xf32>
      %mul3A_318 = arith.mulf %get3A_317, %get3A_15 : vector<16xf32>
      %add3A_319 = arith.addf %add3A_311, %mul3A_318 : vector<16xf32>
      %add3A_320 = arith.constant 2 : i32
      %add3A_321 = arith.addi %mul3A_48, %add3A_320 : i32
      %get3A_322 = arith.index_cast %add3A_321 : i32 to index
      %get3A_323 = arith.constant 64 : index
      %get3A_324 = tpu.vector_load %arg6[%get3A_322, %get3A_323] {strides = array<i32>} : memref<768x128xf32, #tpu.memory_space<vmem>>, vector<1x16xf32>,
      %get3A_325 = vector.shape_cast %get3A_324 : vector<1x16xf32> to vector<16xf32>
      %mul3A_326 = arith.mulf %get3A_325, %get3A_18 : vector<16xf32>
      %add3A_327 = arith.addf %add3A_319, %mul3A_326 : vector<16xf32>
      %add3A_328 = arith.constant 2 : i32
      %add3A_329 = arith.addi %mul3A_48, %add3A_328 : i32
      %get3A_330 = arith.index_cast %add3A_329 : i32 to index
      %get3A_331 = arith.constant 80 : index
      %get3A_332 = tpu.vector_load %arg6[%get3A_330, %get3A_331] {strides = array<i32>} : memref<768x128xf32, #tpu.memory_space<vmem>>, vector<1x16xf32>,
      %get3A_333 = vector.shape_cast %get3A_332 : vector<1x16xf32> to vector<16xf32>
      %mul3A_334 = arith.mulf %get3A_333, %get3A_21 : vector<16xf32>
      %add3A_335 = arith.addf %add3A_327, %mul3A_334 : vector<16xf32>
      %add3A_336 = arith.constant 2 : i32
      %add3A_337 = arith.addi %mul3A_48, %add3A_336 : i32
      %get3A_338 = arith.index_cast %add3A_337 : i32 to index
      %get3A_339 = arith.constant 96 : index
      %get3A_340 = tpu.vector_load %arg6[%get3A_338, %get3A_339] {strides = array<i32>} : memref<768x128xf32, #tpu.memory_space<vmem>>, vector<1x16xf32>,
      %get3A_341 = vector.shape_cast %get3A_340 : vector<1x16xf32> to vector<16xf32>
      %mul3A_342 = arith.mulf %get3A_341, %get3A_24 : vector<16xf32>
      %add3A_343 = arith.addf %add3A_335, %mul3A_342 : vector<16xf32>
      %add3A_344 = arith.constant 2 : i32
      %add3A_345 = arith.addi %mul3A_48, %add3A_344 : i32
      %get3A_346 = arith.index_cast %add3A_345 : i32 to index
      %get3A_347 = arith.constant 112 : index
      %get3A_348 = tpu.vector_load %arg6[%get3A_346, %get3A_347] {strides = array<i32>} : memref<768x128xf32, #tpu.memory_space<vmem>>, vector<1x16xf32>,
      %get3A_349 = vector.shape_cast %get3A_348 : vector<1x16xf32> to vector<16xf32>
      %mul3A_350 = arith.mulf %get3A_349, %get3A_27 : vector<16xf32>
      %add3A_351 = arith.addf %add3A_343, %mul3A_350 : vector<16xf32>
      %lt3A_352 = arith.constant 0 : i32
      %lt3A_353 = vector.broadcast %lt3A_352 : i32 to vector<16xi32>
      %lt3A_354 = arith.cmpi slt, %xor3A_29, %lt3A_353 : vector<16xi32>
      %add3A_355 = arith.constant 16 : i32
      %add3A_356 = vector.broadcast %add3A_355 : i32 to vector<16xi32>
      %add3A_357 = arith.addi %xor3A_29, %add3A_356 : vector<16xi32>
      %select_n3A_358 = arith.select %lt3A_354, %add3A_357, %xor3A_29 : vector<16xi1>, vector<16xi32>
      %broadcast_in_dim3A_359 = vector.shape_cast %select_n3A_358 : vector<16xi32> to vector<16x1xi32>
      %gather3A_360 = vector.shape_cast %broadcast_in_dim3A_359 : vector<16x1xi32> to vector<16xi32>
      %gather3A_361 = tpu.dynamic_gather %add3A_351[%gather3A_360] in [0] : vector<16xf32>, vector<16xi32> -> vector<16xf32>
      %add3A_362 = arith.addf %add3A_351, %gather3A_361 : vector<16xf32>
      %lt3A_363 = arith.constant 0 : i32
      %lt3A_364 = vector.broadcast %lt3A_363 : i32 to vector<16xi32>
      %lt3A_365 = arith.cmpi slt, %xor3A_32, %lt3A_364 : vector<16xi32>
      %add3A_366 = arith.constant 16 : i32
      %add3A_367 = vector.broadcast %add3A_366 : i32 to vector<16xi32>
      %add3A_368 = arith.addi %xor3A_32, %add3A_367 : vector<16xi32>
      %select_n3A_369 = arith.select %lt3A_365, %add3A_368, %xor3A_32 : vector<16xi1>, vector<16xi32>
      %broadcast_in_dim3A_370 = vector.shape_cast %select_n3A_369 : vector<16xi32> to vector<16x1xi32>
      %gather3A_371 = vector.shape_cast %broadcast_in_dim3A_370 : vector<16x1xi32> to vector<16xi32>
      %gather3A_372 = tpu.dynamic_gather %add3A_362[%gather3A_371] in [0] : vector<16xf32>, vector<16xi32> -> vector<16xf32>
      %add3A_373 = arith.addf %add3A_362, %gather3A_372 : vector<16xf32>
      %lt3A_374 = arith.constant 0 : i32
      %lt3A_375 = vector.broadcast %lt3A_374 : i32 to vector<16xi32>
      %lt3A_376 = arith.cmpi slt, %xor3A_35, %lt3A_375 : vector<16xi32>
      %add3A_377 = arith.constant 16 : i32
      %add3A_378 = vector.broadcast %add3A_377 : i32 to vector<16xi32>
      %add3A_379 = arith.addi %xor3A_35, %add3A_378 : vector<16xi32>
      %select_n3A_380 = arith.select %lt3A_376, %add3A_379, %xor3A_35 : vector<16xi1>, vector<16xi32>
      %broadcast_in_dim3A_381 = vector.shape_cast %select_n3A_380 : vector<16xi32> to vector<16x1xi32>
      %gather3A_382 = vector.shape_cast %broadcast_in_dim3A_381 : vector<16x1xi32> to vector<16xi32>
      %gather3A_383 = tpu.dynamic_gather %add3A_373[%gather3A_382] in [0] : vector<16xf32>, vector<16xi32> -> vector<16xf32>
      %add3A_384 = arith.addf %add3A_373, %gather3A_383 : vector<16xf32>
      %lt3A_385 = arith.constant 0 : i32
      %lt3A_386 = vector.broadcast %lt3A_385 : i32 to vector<16xi32>
      %lt3A_387 = arith.cmpi slt, %xor3A_38, %lt3A_386 : vector<16xi32>
      %add3A_388 = arith.constant 16 : i32
      %add3A_389 = vector.broadcast %add3A_388 : i32 to vector<16xi32>
      %add3A_390 = arith.addi %xor3A_38, %add3A_389 : vector<16xi32>
      %select_n3A_391 = arith.select %lt3A_387, %add3A_390, %xor3A_38 : vector<16xi1>, vector<16xi32>
      %broadcast_in_dim3A_392 = vector.shape_cast %select_n3A_391 : vector<16xi32> to vector<16x1xi32>
      %gather3A_393 = vector.shape_cast %broadcast_in_dim3A_392 : vector<16x1xi32> to vector<16xi32>
      %gather3A_394 = tpu.dynamic_gather %add3A_384[%gather3A_393] in [0] : vector<16xf32>, vector<16xi32> -> vector<16xf32>
      %add3A_395 = arith.addf %add3A_384, %gather3A_394 : vector<16xf32>
      %eq3A_396 = arith.constant 2 : i32
      %eq3A_397 = vector.broadcast %eq3A_396 : i32 to vector<16xi32>
      %eq3A_398 = arith.cmpi eq, %iota3A, %eq3A_397 : vector<16xi32>
      %select_n3A_399 = arith.select %eq3A_398, %add3A_395, %select_n3A_281 : vector<16xi1>, vector<16xf32>
      %add3A_400 = arith.constant 3 : i32
      %add3A_401 = arith.addi %mul3A_48, %add3A_400 : i32
      %mul3A_402 = arith.constant 128 : i32
      %mul3A_403 = arith.muli %add3A_401, %mul3A_402 : i32
      %broadcast_in_dim3A_404 = arith.constant 0.000000e+00 : f32
      %broadcast_in_dim3A_405 = vector.broadcast %broadcast_in_dim3A_404 : f32 to vector<16xf32>
      %add3A_406 = arith.constant 3 : i32
      %add3A_407 = arith.addi %mul3A_48, %add3A_406 : i32
      %get3A_408 = arith.index_cast %add3A_407 : i32 to index
      %get3A_409 = arith.constant 0 : index
      %get3A_410 = tpu.vector_load %arg6[%get3A_408, %get3A_409] {strides = array<i32>} : memref<768x128xf32, #tpu.memory_space<vmem>>, vector<1x16xf32>,
      %get3A_411 = vector.shape_cast %get3A_410 : vector<1x16xf32> to vector<16xf32>
      %mul3A_412 = arith.mulf %get3A_411, %get3A_6 : vector<16xf32>
      %add3A_413 = arith.addf %broadcast_in_dim3A_405, %mul3A_412 : vector<16xf32>
      %add3A_414 = arith.constant 3 : i32
      %add3A_415 = arith.addi %mul3A_48, %add3A_414 : i32
      %get3A_416 = arith.index_cast %add3A_415 : i32 to index
      %get3A_417 = arith.constant 16 : index
      %get3A_418 = tpu.vector_load %arg6[%get3A_416, %get3A_417] {strides = array<i32>} : memref<768x128xf32, #tpu.memory_space<vmem>>, vector<1x16xf32>,
      %get3A_419 = vector.shape_cast %get3A_418 : vector<1x16xf32> to vector<16xf32>
      %mul3A_420 = arith.mulf %get3A_419, %get3A_9 : vector<16xf32>
      %add3A_421 = arith.addf %add3A_413, %mul3A_420 : vector<16xf32>
      %add3A_422 = arith.constant 3 : i32
      %add3A_423 = arith.addi %mul3A_48, %add3A_422 : i32
      %get3A_424 = arith.index_cast %add3A_423 : i32 to index
      %get3A_425 = arith.constant 32 : index
      %get3A_426 = tpu.vector_load %arg6[%get3A_424, %get3A_425] {strides = array<i32>} : memref<768x128xf32, #tpu.memory_space<vmem>>, vector<1x16xf32>,
      %get3A_427 = vector.shape_cast %get3A_426 : vector<1x16xf32> to vector<16xf32>
      %mul3A_428 = arith.mulf %get3A_427, %get3A_12 : vector<16xf32>
      %add3A_429 = arith.addf %add3A_421, %mul3A_428 : vector<16xf32>
      %add3A_430 = arith.constant 3 : i32
      %add3A_431 = arith.addi %mul3A_48, %add3A_430 : i32
      %get3A_432 = arith.index_cast %add3A_431 : i32 to index
      %get3A_433 = arith.constant 48 : index
      %get3A_434 = tpu.vector_load %arg6[%get3A_432, %get3A_433] {strides = array<i32>} : memref<768x128xf32, #tpu.memory_space<vmem>>, vector<1x16xf32>,
      %get3A_435 = vector.shape_cast %get3A_434 : vector<1x16xf32> to vector<16xf32>
      %mul3A_436 = arith.mulf %get3A_435, %get3A_15 : vector<16xf32>
      %add3A_437 = arith.addf %add3A_429, %mul3A_436 : vector<16xf32>
      %add3A_438 = arith.constant 3 : i32
      %add3A_439 = arith.addi %mul3A_48, %add3A_438 : i32
      %get3A_440 = arith.index_cast %add3A_439 : i32 to index
      %get3A_441 = arith.constant 64 : index
      %get3A_442 = tpu.vector_load %arg6[%get3A_440, %get3A_441] {strides = array<i32>} : memref<768x128xf32, #tpu.memory_space<vmem>>, vector<1x16xf32>,
      %get3A_443 = vector.shape_cast %get3A_442 : vector<1x16xf32> to vector<16xf32>
      %mul3A_444 = arith.mulf %get3A_443, %get3A_18 : vector<16xf32>
      %add3A_445 = arith.addf %add3A_437, %mul3A_444 : vector<16xf32>
      %add3A_446 = arith.constant 3 : i32
      %add3A_447 = arith.addi %mul3A_48, %add3A_446 : i32
      %get3A_448 = arith.index_cast %add3A_447 : i32 to index
      %get3A_449 = arith.constant 80 : index
      %get3A_450 = tpu.vector_load %arg6[%get3A_448, %get3A_449] {strides = array<i32>} : memref<768x128xf32, #tpu.memory_space<vmem>>, vector<1x16xf32>,
      %get3A_451 = vector.shape_cast %get3A_450 : vector<1x16xf32> to vector<16xf32>
      %mul3A_452 = arith.mulf %get3A_451, %get3A_21 : vector<16xf32>
      %add3A_453 = arith.addf %add3A_445, %mul3A_452 : vector<16xf32>
      %add3A_454 = arith.constant 3 : i32
      %add3A_455 = arith.addi %mul3A_48, %add3A_454 : i32
      %get3A_456 = arith.index_cast %add3A_455 : i32 to index
      %get3A_457 = arith.constant 96 : index
      %get3A_458 = tpu.vector_load %arg6[%get3A_456, %get3A_457] {strides = array<i32>} : memref<768x128xf32, #tpu.memory_space<vmem>>, vector<1x16xf32>,
      %get3A_459 = vector.shape_cast %get3A_458 : vector<1x16xf32> to vector<16xf32>
      %mul3A_460 = arith.mulf %get3A_459, %get3A_24 : vector<16xf32>
      %add3A_461 = arith.addf %add3A_453, %mul3A_460 : vector<16xf32>
      %add3A_462 = arith.constant 3 : i32
      %add3A_463 = arith.addi %mul3A_48, %add3A_462 : i32
      %get3A_464 = arith.index_cast %add3A_463 : i32 to index
      %get3A_465 = arith.constant 112 : index
      %get3A_466 = tpu.vector_load %arg6[%get3A_464, %get3A_465] {strides = array<i32>} : memref<768x128xf32, #tpu.memory_space<vmem>>, vector<1x16xf32>,
      %get3A_467 = vector.shape_cast %get3A_466 : vector<1x16xf32> to vector<16xf32>
      %mul3A_468 = arith.mulf %get3A_467, %get3A_27 : vector<16xf32>
      %add3A_469 = arith.addf %add3A_461, %mul3A_468 : vector<16xf32>
      %lt3A_470 = arith.constant 0 : i32
      %lt3A_471 = vector.broadcast %lt3A_470 : i32 to vector<16xi32>
      %lt3A_472 = arith.cmpi slt, %xor3A_29, %lt3A_471 : vector<16xi32>
      %add3A_473 = arith.constant 16 : i32
      %add3A_474 = vector.broadcast %add3A_473 : i32 to vector<16xi32>
      %add3A_475 = arith.addi %xor3A_29, %add3A_474 : vector<16xi32>
      %select_n3A_476 = arith.select %lt3A_472, %add3A_475, %xor3A_29 : vector<16xi1>, vector<16xi32>
      %broadcast_in_dim3A_477 = vector.shape_cast %select_n3A_476 : vector<16xi32> to vector<16x1xi32>
      %gather3A_478 = vector.shape_cast %broadcast_in_dim3A_477 : vector<16x1xi32> to vector<16xi32>
      %gather3A_479 = tpu.dynamic_gather %add3A_469[%gather3A_478] in [0] : vector<16xf32>, vector<16xi32> -> vector<16xf32>
      %add3A_480 = arith.addf %add3A_469, %gather3A_479 : vector<16xf32>
      %lt3A_481 = arith.constant 0 : i32
      %lt3A_482 = vector.broadcast %lt3A_481 : i32 to vector<16xi32>
      %lt3A_483 = arith.cmpi slt, %xor3A_32, %lt3A_482 : vector<16xi32>
      %add3A_484 = arith.constant 16 : i32
      %add3A_485 = vector.broadcast %add3A_484 : i32 to vector<16xi32>
      %add3A_486 = arith.addi %xor3A_32, %add3A_485 : vector<16xi32>
      %select_n3A_487 = arith.select %lt3A_483, %add3A_486, %xor3A_32 : vector<16xi1>, vector<16xi32>
      %broadcast_in_dim3A_488 = vector.shape_cast %select_n3A_487 : vector<16xi32> to vector<16x1xi32>
      %gather3A_489 = vector.shape_cast %broadcast_in_dim3A_488 : vector<16x1xi32> to vector<16xi32>
      %gather3A_490 = tpu.dynamic_gather %add3A_480[%gather3A_489] in [0] : vector<16xf32>, vector<16xi32> -> vector<16xf32>
      %add3A_491 = arith.addf %add3A_480, %gather3A_490 : vector<16xf32>
      %lt3A_492 = arith.constant 0 : i32
      %lt3A_493 = vector.broadcast %lt3A_492 : i32 to vector<16xi32>
      %lt3A_494 = arith.cmpi slt, %xor3A_35, %lt3A_493 : vector<16xi32>
      %add3A_495 = arith.constant 16 : i32
      %add3A_496 = vector.broadcast %add3A_495 : i32 to vector<16xi32>
      %add3A_497 = arith.addi %xor3A_35, %add3A_496 : vector<16xi32>
      %select_n3A_498 = arith.select %lt3A_494, %add3A_497, %xor3A_35 : vector<16xi1>, vector<16xi32>
      %broadcast_in_dim3A_499 = vector.shape_cast %select_n3A_498 : vector<16xi32> to vector<16x1xi32>
      %gather3A_500 = vector.shape_cast %broadcast_in_dim3A_499 : vector<16x1xi32> to vector<16xi32>
      %gather3A_501 = tpu.dynamic_gather %add3A_491[%gather3A_500] in [0] : vector<16xf32>, vector<16xi32> -> vector<16xf32>
      %add3A_502 = arith.addf %add3A_491, %gather3A_501 : vector<16xf32>
      %lt3A_503 = arith.constant 0 : i32
      %lt3A_504 = vector.broadcast %lt3A_503 : i32 to vector<16xi32>
      %lt3A_505 = arith.cmpi slt, %xor3A_38, %lt3A_504 : vector<16xi32>
      %add3A_506 = arith.constant 16 : i32
      %add3A_507 = vector.broadcast %add3A_506 : i32 to vector<16xi32>
      %add3A_508 = arith.addi %xor3A_38, %add3A_507 : vector<16xi32>
      %select_n3A_509 = arith.select %lt3A_505, %add3A_508, %xor3A_38 : vector<16xi1>, vector<16xi32>
      %broadcast_in_dim3A_510 = vector.shape_cast %select_n3A_509 : vector<16xi32> to vector<16x1xi32>
      %gather3A_511 = vector.shape_cast %broadcast_in_dim3A_510 : vector<16x1xi32> to vector<16xi32>
      %gather3A_512 = tpu.dynamic_gather %add3A_502[%gather3A_511] in [0] : vector<16xf32>, vector<16xi32> -> vector<16xf32>
      %add3A_513 = arith.addf %add3A_502, %gather3A_512 : vector<16xf32>
      %eq3A_514 = arith.constant 3 : i32
      %eq3A_515 = vector.broadcast %eq3A_514 : i32 to vector<16xi32>
      %eq3A_516 = arith.cmpi eq, %iota3A, %eq3A_515 : vector<16xi32>
      %select_n3A_517 = arith.select %eq3A_516, %add3A_513, %select_n3A_399 : vector<16xi1>, vector<16xf32>
      %add3A_518 = arith.constant 4 : i32
      %add3A_519 = arith.addi %mul3A_48, %add3A_518 : i32
      %mul3A_520 = arith.constant 128 : i32
      %mul3A_521 = arith.muli %add3A_519, %mul3A_520 : i32
      %broadcast_in_dim3A_522 = arith.constant 0.000000e+00 : f32
      %broadcast_in_dim3A_523 = vector.broadcast %broadcast_in_dim3A_522 : f32 to vector<16xf32>
      %add3A_524 = arith.constant 4 : i32
      %add3A_525 = arith.addi %mul3A_48, %add3A_524 : i32
      %get3A_526 = arith.index_cast %add3A_525 : i32 to index
      %get3A_527 = arith.constant 0 : index
      %get3A_528 = tpu.vector_load %arg6[%get3A_526, %get3A_527] {strides = array<i32>} : memref<768x128xf32, #tpu.memory_space<vmem>>, vector<1x16xf32>,
      %get3A_529 = vector.shape_cast %get3A_528 : vector<1x16xf32> to vector<16xf32>
      %mul3A_530 = arith.mulf %get3A_529, %get3A_6 : vector<16xf32>
      %add3A_531 = arith.addf %broadcast_in_dim3A_523, %mul3A_530 : vector<16xf32>
      %add3A_532 = arith.constant 4 : i32
      %add3A_533 = arith.addi %mul3A_48, %add3A_532 : i32
      %get3A_534 = arith.index_cast %add3A_533 : i32 to index
      %get3A_535 = arith.constant 16 : index
      %get3A_536 = tpu.vector_load %arg6[%get3A_534, %get3A_535] {strides = array<i32>} : memref<768x128xf32, #tpu.memory_space<vmem>>, vector<1x16xf32>,
      %get3A_537 = vector.shape_cast %get3A_536 : vector<1x16xf32> to vector<16xf32>
      %mul3A_538 = arith.mulf %get3A_537, %get3A_9 : vector<16xf32>
      %add3A_539 = arith.addf %add3A_531, %mul3A_538 : vector<16xf32>
      %add3A_540 = arith.constant 4 : i32
      %add3A_541 = arith.addi %mul3A_48, %add3A_540 : i32
      %get3A_542 = arith.index_cast %add3A_541 : i32 to index
      %get3A_543 = arith.constant 32 : index
      %get3A_544 = tpu.vector_load %arg6[%get3A_542, %get3A_543] {strides = array<i32>} : memref<768x128xf32, #tpu.memory_space<vmem>>, vector<1x16xf32>,
      %get3A_545 = vector.shape_cast %get3A_544 : vector<1x16xf32> to vector<16xf32>
      %mul3A_546 = arith.mulf %get3A_545, %get3A_12 : vector<16xf32>
      %add3A_547 = arith.addf %add3A_539, %mul3A_546 : vector<16xf32>
      %add3A_548 = arith.constant 4 : i32
      %add3A_549 = arith.addi %mul3A_48, %add3A_548 : i32
      %get3A_550 = arith.index_cast %add3A_549 : i32 to index
      %get3A_551 = arith.constant 48 : index
      %get3A_552 = tpu.vector_load %arg6[%get3A_550, %get3A_551] {strides = array<i32>} : memref<768x128xf32, #tpu.memory_space<vmem>>, vector<1x16xf32>,
      %get3A_553 = vector.shape_cast %get3A_552 : vector<1x16xf32> to vector<16xf32>
      %mul3A_554 = arith.mulf %get3A_553, %get3A_15 : vector<16xf32>
      %add3A_555 = arith.addf %add3A_547, %mul3A_554 : vector<16xf32>
      %add3A_556 = arith.constant 4 : i32
      %add3A_557 = arith.addi %mul3A_48, %add3A_556 : i32
      %get3A_558 = arith.index_cast %add3A_557 : i32 to index
      %get3A_559 = arith.constant 64 : index
      %get3A_560 = tpu.vector_load %arg6[%get3A_558, %get3A_559] {strides = array<i32>} : memref<768x128xf32, #tpu.memory_space<vmem>>, vector<1x16xf32>,
      %get3A_561 = vector.shape_cast %get3A_560 : vector<1x16xf32> to vector<16xf32>
      %mul3A_562 = arith.mulf %get3A_561, %get3A_18 : vector<16xf32>
      %add3A_563 = arith.addf %add3A_555, %mul3A_562 : vector<16xf32>
      %add3A_564 = arith.constant 4 : i32
      %add3A_565 = arith.addi %mul3A_48, %add3A_564 : i32
      %get3A_566 = arith.index_cast %add3A_565 : i32 to index
      %get3A_567 = arith.constant 80 : index
      %get3A_568 = tpu.vector_load %arg6[%get3A_566, %get3A_567] {strides = array<i32>} : memref<768x128xf32, #tpu.memory_space<vmem>>, vector<1x16xf32>,
      %get3A_569 = vector.shape_cast %get3A_568 : vector<1x16xf32> to vector<16xf32>
      %mul3A_570 = arith.mulf %get3A_569, %get3A_21 : vector<16xf32>
      %add3A_571 = arith.addf %add3A_563, %mul3A_570 : vector<16xf32>
      %add3A_572 = arith.constant 4 : i32
      %add3A_573 = arith.addi %mul3A_48, %add3A_572 : i32
      %get3A_574 = arith.index_cast %add3A_573 : i32 to index
      %get3A_575 = arith.constant 96 : index
      %get3A_576 = tpu.vector_load %arg6[%get3A_574, %get3A_575] {strides = array<i32>} : memref<768x128xf32, #tpu.memory_space<vmem>>, vector<1x16xf32>,
      %get3A_577 = vector.shape_cast %get3A_576 : vector<1x16xf32> to vector<16xf32>
      %mul3A_578 = arith.mulf %get3A_577, %get3A_24 : vector<16xf32>
      %add3A_579 = arith.addf %add3A_571, %mul3A_578 : vector<16xf32>
      %add3A_580 = arith.constant 4 : i32
      %add3A_581 = arith.addi %mul3A_48, %add3A_580 : i32
      %get3A_582 = arith.index_cast %add3A_581 : i32 to index
      %get3A_583 = arith.constant 112 : index
      %get3A_584 = tpu.vector_load %arg6[%get3A_582, %get3A_583] {strides = array<i32>} : memref<768x128xf32, #tpu.memory_space<vmem>>, vector<1x16xf32>,
      %get3A_585 = vector.shape_cast %get3A_584 : vector<1x16xf32> to vector<16xf32>
      %mul3A_586 = arith.mulf %get3A_585, %get3A_27 : vector<16xf32>
      %add3A_587 = arith.addf %add3A_579, %mul3A_586 : vector<16xf32>
      %lt3A_588 = arith.constant 0 : i32
      %lt3A_589 = vector.broadcast %lt3A_588 : i32 to vector<16xi32>
      %lt3A_590 = arith.cmpi slt, %xor3A_29, %lt3A_589 : vector<16xi32>
      %add3A_591 = arith.constant 16 : i32
      %add3A_592 = vector.broadcast %add3A_591 : i32 to vector<16xi32>
      %add3A_593 = arith.addi %xor3A_29, %add3A_592 : vector<16xi32>
      %select_n3A_594 = arith.select %lt3A_590, %add3A_593, %xor3A_29 : vector<16xi1>, vector<16xi32>
      %broadcast_in_dim3A_595 = vector.shape_cast %select_n3A_594 : vector<16xi32> to vector<16x1xi32>
      %gather3A_596 = vector.shape_cast %broadcast_in_dim3A_595 : vector<16x1xi32> to vector<16xi32>
      %gather3A_597 = tpu.dynamic_gather %add3A_587[%gather3A_596] in [0] : vector<16xf32>, vector<16xi32> -> vector<16xf32>
      %add3A_598 = arith.addf %add3A_587, %gather3A_597 : vector<16xf32>
      %lt3A_599 = arith.constant 0 : i32
      %lt3A_600 = vector.broadcast %lt3A_599 : i32 to vector<16xi32>
      %lt3A_601 = arith.cmpi slt, %xor3A_32, %lt3A_600 : vector<16xi32>
      %add3A_602 = arith.constant 16 : i32
      %add3A_603 = vector.broadcast %add3A_602 : i32 to vector<16xi32>
      %add3A_604 = arith.addi %xor3A_32, %add3A_603 : vector<16xi32>
      %select_n3A_605 = arith.select %lt3A_601, %add3A_604, %xor3A_32 : vector<16xi1>, vector<16xi32>
      %broadcast_in_dim3A_606 = vector.shape_cast %select_n3A_605 : vector<16xi32> to vector<16x1xi32>
      %gather3A_607 = vector.shape_cast %broadcast_in_dim3A_606 : vector<16x1xi32> to vector<16xi32>
      %gather3A_608 = tpu.dynamic_gather %add3A_598[%gather3A_607] in [0] : vector<16xf32>, vector<16xi32> -> vector<16xf32>
      %add3A_609 = arith.addf %add3A_598, %gather3A_608 : vector<16xf32>
      %lt3A_610 = arith.constant 0 : i32
      %lt3A_611 = vector.broadcast %lt3A_610 : i32 to vector<16xi32>
      %lt3A_612 = arith.cmpi slt, %xor3A_35, %lt3A_611 : vector<16xi32>
      %add3A_613 = arith.constant 16 : i32
      %add3A_614 = vector.broadcast %add3A_613 : i32 to vector<16xi32>
      %add3A_615 = arith.addi %xor3A_35, %add3A_614 : vector<16xi32>
      %select_n3A_616 = arith.select %lt3A_612, %add3A_615, %xor3A_35 : vector<16xi1>, vector<16xi32>
      %broadcast_in_dim3A_617 = vector.shape_cast %select_n3A_616 : vector<16xi32> to vector<16x1xi32>
      %gather3A_618 = vector.shape_cast %broadcast_in_dim3A_617 : vector<16x1xi32> to vector<16xi32>
      %gather3A_619 = tpu.dynamic_gather %add3A_609[%gather3A_618] in [0] : vector<16xf32>, vector<16xi32> -> vector<16xf32>
      %add3A_620 = arith.addf %add3A_609, %gather3A_619 : vector<16xf32>
      %lt3A_621 = arith.constant 0 : i32
      %lt3A_622 = vector.broadcast %lt3A_621 : i32 to vector<16xi32>
      %lt3A_623 = arith.cmpi slt, %xor3A_38, %lt3A_622 : vector<16xi32>
      %add3A_624 = arith.constant 16 : i32
      %add3A_625 = vector.broadcast %add3A_624 : i32 to vector<16xi32>
      %add3A_626 = arith.addi %xor3A_38, %add3A_625 : vector<16xi32>
      %select_n3A_627 = arith.select %lt3A_623, %add3A_626, %xor3A_38 : vector<16xi1>, vector<16xi32>
      %broadcast_in_dim3A_628 = vector.shape_cast %select_n3A_627 : vector<16xi32> to vector<16x1xi32>
      %gather3A_629 = vector.shape_cast %broadcast_in_dim3A_628 : vector<16x1xi32> to vector<16xi32>
      %gather3A_630 = tpu.dynamic_gather %add3A_620[%gather3A_629] in [0] : vector<16xf32>, vector<16xi32> -> vector<16xf32>
      %add3A_631 = arith.addf %add3A_620, %gather3A_630 : vector<16xf32>
      %eq3A_632 = arith.constant 4 : i32
      %eq3A_633 = vector.broadcast %eq3A_632 : i32 to vector<16xi32>
      %eq3A_634 = arith.cmpi eq, %iota3A, %eq3A_633 : vector<16xi32>
      %select_n3A_635 = arith.select %eq3A_634, %add3A_631, %select_n3A_517 : vector<16xi1>, vector<16xf32>
      %add3A_636 = arith.constant 5 : i32
      %add3A_637 = arith.addi %mul3A_48, %add3A_636 : i32
      %mul3A_638 = arith.constant 128 : i32
      %mul3A_639 = arith.muli %add3A_637, %mul3A_638 : i32
      %broadcast_in_dim3A_640 = arith.constant 0.000000e+00 : f32
      %broadcast_in_dim3A_641 = vector.broadcast %broadcast_in_dim3A_640 : f32 to vector<16xf32>
      %add3A_642 = arith.constant 5 : i32
      %add3A_643 = arith.addi %mul3A_48, %add3A_642 : i32
      %get3A_644 = arith.index_cast %add3A_643 : i32 to index
      %get3A_645 = arith.constant 0 : index
      %get3A_646 = tpu.vector_load %arg6[%get3A_644, %get3A_645] {strides = array<i32>} : memref<768x128xf32, #tpu.memory_space<vmem>>, vector<1x16xf32>,
      %get3A_647 = vector.shape_cast %get3A_646 : vector<1x16xf32> to vector<16xf32>
      %mul3A_648 = arith.mulf %get3A_647, %get3A_6 : vector<16xf32>
      %add3A_649 = arith.addf %broadcast_in_dim3A_641, %mul3A_648 : vector<16xf32>
      %add3A_650 = arith.constant 5 : i32
      %add3A_651 = arith.addi %mul3A_48, %add3A_650 : i32
      %get3A_652 = arith.index_cast %add3A_651 : i32 to index
      %get3A_653 = arith.constant 16 : index
      %get3A_654 = tpu.vector_load %arg6[%get3A_652, %get3A_653] {strides = array<i32>} : memref<768x128xf32, #tpu.memory_space<vmem>>, vector<1x16xf32>,
      %get3A_655 = vector.shape_cast %get3A_654 : vector<1x16xf32> to vector<16xf32>
      %mul3A_656 = arith.mulf %get3A_655, %get3A_9 : vector<16xf32>
      %add3A_657 = arith.addf %add3A_649, %mul3A_656 : vector<16xf32>
      %add3A_658 = arith.constant 5 : i32
      %add3A_659 = arith.addi %mul3A_48, %add3A_658 : i32
      %get3A_660 = arith.index_cast %add3A_659 : i32 to index
      %get3A_661 = arith.constant 32 : index
      %get3A_662 = tpu.vector_load %arg6[%get3A_660, %get3A_661] {strides = array<i32>} : memref<768x128xf32, #tpu.memory_space<vmem>>, vector<1x16xf32>,
      %get3A_663 = vector.shape_cast %get3A_662 : vector<1x16xf32> to vector<16xf32>
      %mul3A_664 = arith.mulf %get3A_663, %get3A_12 : vector<16xf32>
      %add3A_665 = arith.addf %add3A_657, %mul3A_664 : vector<16xf32>
      %add3A_666 = arith.constant 5 : i32
      %add3A_667 = arith.addi %mul3A_48, %add3A_666 : i32
      %get3A_668 = arith.index_cast %add3A_667 : i32 to index
      %get3A_669 = arith.constant 48 : index
      %get3A_670 = tpu.vector_load %arg6[%get3A_668, %get3A_669] {strides = array<i32>} : memref<768x128xf32, #tpu.memory_space<vmem>>, vector<1x16xf32>,
      %get3A_671 = vector.shape_cast %get3A_670 : vector<1x16xf32> to vector<16xf32>
      %mul3A_672 = arith.mulf %get3A_671, %get3A_15 : vector<16xf32>
      %add3A_673 = arith.addf %add3A_665, %mul3A_672 : vector<16xf32>
      %add3A_674 = arith.constant 5 : i32
      %add3A_675 = arith.addi %mul3A_48, %add3A_674 : i32
      %get3A_676 = arith.index_cast %add3A_675 : i32 to index
      %get3A_677 = arith.constant 64 : index
      %get3A_678 = tpu.vector_load %arg6[%get3A_676, %get3A_677] {strides = array<i32>} : memref<768x128xf32, #tpu.memory_space<vmem>>, vector<1x16xf32>,
      %get3A_679 = vector.shape_cast %get3A_678 : vector<1x16xf32> to vector<16xf32>
      %mul3A_680 = arith.mulf %get3A_679, %get3A_18 : vector<16xf32>
      %add3A_681 = arith.addf %add3A_673, %mul3A_680 : vector<16xf32>
      %add3A_682 = arith.constant 5 : i32
      %add3A_683 = arith.addi %mul3A_48, %add3A_682 : i32
      %get3A_684 = arith.index_cast %add3A_683 : i32 to index
      %get3A_685 = arith.constant 80 : index
      %get3A_686 = tpu.vector_load %arg6[%get3A_684, %get3A_685] {strides = array<i32>} : memref<768x128xf32, #tpu.memory_space<vmem>>, vector<1x16xf32>,
      %get3A_687 = vector.shape_cast %get3A_686 : vector<1x16xf32> to vector<16xf32>
      %mul3A_688 = arith.mulf %get3A_687, %get3A_21 : vector<16xf32>
      %add3A_689 = arith.addf %add3A_681, %mul3A_688 : vector<16xf32>
      %add3A_690 = arith.constant 5 : i32
      %add3A_691 = arith.addi %mul3A_48, %add3A_690 : i32
      %get3A_692 = arith.index_cast %add3A_691 : i32 to index
      %get3A_693 = arith.constant 96 : index
      %get3A_694 = tpu.vector_load %arg6[%get3A_692, %get3A_693] {strides = array<i32>} : memref<768x128xf32, #tpu.memory_space<vmem>>, vector<1x16xf32>,
      %get3A_695 = vector.shape_cast %get3A_694 : vector<1x16xf32> to vector<16xf32>
      %mul3A_696 = arith.mulf %get3A_695, %get3A_24 : vector<16xf32>
      %add3A_697 = arith.addf %add3A_689, %mul3A_696 : vector<16xf32>
      %add3A_698 = arith.constant 5 : i32
      %add3A_699 = arith.addi %mul3A_48, %add3A_698 : i32
      %get3A_700 = arith.index_cast %add3A_699 : i32 to index
      %get3A_701 = arith.constant 112 : index
      %get3A_702 = tpu.vector_load %arg6[%get3A_700, %get3A_701] {strides = array<i32>} : memref<768x128xf32, #tpu.memory_space<vmem>>, vector<1x16xf32>,
      %get3A_703 = vector.shape_cast %get3A_702 : vector<1x16xf32> to vector<16xf32>
      %mul3A_704 = arith.mulf %get3A_703, %get3A_27 : vector<16xf32>
      %add3A_705 = arith.addf %add3A_697, %mul3A_704 : vector<16xf32>
      %lt3A_706 = arith.constant 0 : i32
      %lt3A_707 = vector.broadcast %lt3A_706 : i32 to vector<16xi32>
      %lt3A_708 = arith.cmpi slt, %xor3A_29, %lt3A_707 : vector<16xi32>
      %add3A_709 = arith.constant 16 : i32
      %add3A_710 = vector.broadcast %add3A_709 : i32 to vector<16xi32>
      %add3A_711 = arith.addi %xor3A_29, %add3A_710 : vector<16xi32>
      %select_n3A_712 = arith.select %lt3A_708, %add3A_711, %xor3A_29 : vector<16xi1>, vector<16xi32>
      %broadcast_in_dim3A_713 = vector.shape_cast %select_n3A_712 : vector<16xi32> to vector<16x1xi32>
      %gather3A_714 = vector.shape_cast %broadcast_in_dim3A_713 : vector<16x1xi32> to vector<16xi32>
      %gather3A_715 = tpu.dynamic_gather %add3A_705[%gather3A_714] in [0] : vector<16xf32>, vector<16xi32> -> vector<16xf32>
      %add3A_716 = arith.addf %add3A_705, %gather3A_715 : vector<16xf32>
      %lt3A_717 = arith.constant 0 : i32
      %lt3A_718 = vector.broadcast %lt3A_717 : i32 to vector<16xi32>
      %lt3A_719 = arith.cmpi slt, %xor3A_32, %lt3A_718 : vector<16xi32>
      %add3A_720 = arith.constant 16 : i32
      %add3A_721 = vector.broadcast %add3A_720 : i32 to vector<16xi32>
      %add3A_722 = arith.addi %xor3A_32, %add3A_721 : vector<16xi32>
      %select_n3A_723 = arith.select %lt3A_719, %add3A_722, %xor3A_32 : vector<16xi1>, vector<16xi32>
      %broadcast_in_dim3A_724 = vector.shape_cast %select_n3A_723 : vector<16xi32> to vector<16x1xi32>
      %gather3A_725 = vector.shape_cast %broadcast_in_dim3A_724 : vector<16x1xi32> to vector<16xi32>
      %gather3A_726 = tpu.dynamic_gather %add3A_716[%gather3A_725] in [0] : vector<16xf32>, vector<16xi32> -> vector<16xf32>
      %add3A_727 = arith.addf %add3A_716, %gather3A_726 : vector<16xf32>
      %lt3A_728 = arith.constant 0 : i32
      %lt3A_729 = vector.broadcast %lt3A_728 : i32 to vector<16xi32>
      %lt3A_730 = arith.cmpi slt, %xor3A_35, %lt3A_729 : vector<16xi32>
      %add3A_731 = arith.constant 16 : i32
      %add3A_732 = vector.broadcast %add3A_731 : i32 to vector<16xi32>
      %add3A_733 = arith.addi %xor3A_35, %add3A_732 : vector<16xi32>
      %select_n3A_734 = arith.select %lt3A_730, %add3A_733, %xor3A_35 : vector<16xi1>, vector<16xi32>
      %broadcast_in_dim3A_735 = vector.shape_cast %select_n3A_734 : vector<16xi32> to vector<16x1xi32>
      %gather3A_736 = vector.shape_cast %broadcast_in_dim3A_735 : vector<16x1xi32> to vector<16xi32>
      %gather3A_737 = tpu.dynamic_gather %add3A_727[%gather3A_736] in [0] : vector<16xf32>, vector<16xi32> -> vector<16xf32>
      %add3A_738 = arith.addf %add3A_727, %gather3A_737 : vector<16xf32>
      %lt3A_739 = arith.constant 0 : i32
      %lt3A_740 = vector.broadcast %lt3A_739 : i32 to vector<16xi32>
      %lt3A_741 = arith.cmpi slt, %xor3A_38, %lt3A_740 : vector<16xi32>
      %add3A_742 = arith.constant 16 : i32
      %add3A_743 = vector.broadcast %add3A_742 : i32 to vector<16xi32>
      %add3A_744 = arith.addi %xor3A_38, %add3A_743 : vector<16xi32>
      %select_n3A_745 = arith.select %lt3A_741, %add3A_744, %xor3A_38 : vector<16xi1>, vector<16xi32>
      %broadcast_in_dim3A_746 = vector.shape_cast %select_n3A_745 : vector<16xi32> to vector<16x1xi32>
      %gather3A_747 = vector.shape_cast %broadcast_in_dim3A_746 : vector<16x1xi32> to vector<16xi32>
      %gather3A_748 = tpu.dynamic_gather %add3A_738[%gather3A_747] in [0] : vector<16xf32>, vector<16xi32> -> vector<16xf32>
      %add3A_749 = arith.addf %add3A_738, %gather3A_748 : vector<16xf32>
      %eq3A_750 = arith.constant 5 : i32
      %eq3A_751 = vector.broadcast %eq3A_750 : i32 to vector<16xi32>
      %eq3A_752 = arith.cmpi eq, %iota3A, %eq3A_751 : vector<16xi32>
      %select_n3A_753 = arith.select %eq3A_752, %add3A_749, %select_n3A_635 : vector<16xi1>, vector<16xf32>
      %add3A_754 = arith.constant 6 : i32
      %add3A_755 = arith.addi %mul3A_48, %add3A_754 : i32
      %mul3A_756 = arith.constant 128 : i32
      %mul3A_757 = arith.muli %add3A_755, %mul3A_756 : i32
      %broadcast_in_dim3A_758 = arith.constant 0.000000e+00 : f32
      %broadcast_in_dim3A_759 = vector.broadcast %broadcast_in_dim3A_758 : f32 to vector<16xf32>
      %add3A_760 = arith.constant 6 : i32
      %add3A_761 = arith.addi %mul3A_48, %add3A_760 : i32
      %get3A_762 = arith.index_cast %add3A_761 : i32 to index
      %get3A_763 = arith.constant 0 : index
      %get3A_764 = tpu.vector_load %arg6[%get3A_762, %get3A_763] {strides = array<i32>} : memref<768x128xf32, #tpu.memory_space<vmem>>, vector<1x16xf32>,
      %get3A_765 = vector.shape_cast %get3A_764 : vector<1x16xf32> to vector<16xf32>
      %mul3A_766 = arith.mulf %get3A_765, %get3A_6 : vector<16xf32>
      %add3A_767 = arith.addf %broadcast_in_dim3A_759, %mul3A_766 : vector<16xf32>
      %add3A_768 = arith.constant 6 : i32
      %add3A_769 = arith.addi %mul3A_48, %add3A_768 : i32
      %get3A_770 = arith.index_cast %add3A_769 : i32 to index
      %get3A_771 = arith.constant 16 : index
      %get3A_772 = tpu.vector_load %arg6[%get3A_770, %get3A_771] {strides = array<i32>} : memref<768x128xf32, #tpu.memory_space<vmem>>, vector<1x16xf32>,
      %get3A_773 = vector.shape_cast %get3A_772 : vector<1x16xf32> to vector<16xf32>
      %mul3A_774 = arith.mulf %get3A_773, %get3A_9 : vector<16xf32>
      %add3A_775 = arith.addf %add3A_767, %mul3A_774 : vector<16xf32>
      %add3A_776 = arith.constant 6 : i32
      %add3A_777 = arith.addi %mul3A_48, %add3A_776 : i32
      %get3A_778 = arith.index_cast %add3A_777 : i32 to index
      %get3A_779 = arith.constant 32 : index
      %get3A_780 = tpu.vector_load %arg6[%get3A_778, %get3A_779] {strides = array<i32>} : memref<768x128xf32, #tpu.memory_space<vmem>>, vector<1x16xf32>,
      %get3A_781 = vector.shape_cast %get3A_780 : vector<1x16xf32> to vector<16xf32>
      %mul3A_782 = arith.mulf %get3A_781, %get3A_12 : vector<16xf32>
      %add3A_783 = arith.addf %add3A_775, %mul3A_782 : vector<16xf32>
      %add3A_784 = arith.constant 6 : i32
      %add3A_785 = arith.addi %mul3A_48, %add3A_784 : i32
      %get3A_786 = arith.index_cast %add3A_785 : i32 to index
      %get3A_787 = arith.constant 48 : index
      %get3A_788 = tpu.vector_load %arg6[%get3A_786, %get3A_787] {strides = array<i32>} : memref<768x128xf32, #tpu.memory_space<vmem>>, vector<1x16xf32>,
      %get3A_789 = vector.shape_cast %get3A_788 : vector<1x16xf32> to vector<16xf32>
      %mul3A_790 = arith.mulf %get3A_789, %get3A_15 : vector<16xf32>
      %add3A_791 = arith.addf %add3A_783, %mul3A_790 : vector<16xf32>
      %add3A_792 = arith.constant 6 : i32
      %add3A_793 = arith.addi %mul3A_48, %add3A_792 : i32
      %get3A_794 = arith.index_cast %add3A_793 : i32 to index
      %get3A_795 = arith.constant 64 : index
      %get3A_796 = tpu.vector_load %arg6[%get3A_794, %get3A_795] {strides = array<i32>} : memref<768x128xf32, #tpu.memory_space<vmem>>, vector<1x16xf32>,
      %get3A_797 = vector.shape_cast %get3A_796 : vector<1x16xf32> to vector<16xf32>
      %mul3A_798 = arith.mulf %get3A_797, %get3A_18 : vector<16xf32>
      %add3A_799 = arith.addf %add3A_791, %mul3A_798 : vector<16xf32>
      %add3A_800 = arith.constant 6 : i32
      %add3A_801 = arith.addi %mul3A_48, %add3A_800 : i32
      %get3A_802 = arith.index_cast %add3A_801 : i32 to index
      %get3A_803 = arith.constant 80 : index
      %get3A_804 = tpu.vector_load %arg6[%get3A_802, %get3A_803] {strides = array<i32>} : memref<768x128xf32, #tpu.memory_space<vmem>>, vector<1x16xf32>,
      %get3A_805 = vector.shape_cast %get3A_804 : vector<1x16xf32> to vector<16xf32>
      %mul3A_806 = arith.mulf %get3A_805, %get3A_21 : vector<16xf32>
      %add3A_807 = arith.addf %add3A_799, %mul3A_806 : vector<16xf32>
      %add3A_808 = arith.constant 6 : i32
      %add3A_809 = arith.addi %mul3A_48, %add3A_808 : i32
      %get3A_810 = arith.index_cast %add3A_809 : i32 to index
      %get3A_811 = arith.constant 96 : index
      %get3A_812 = tpu.vector_load %arg6[%get3A_810, %get3A_811] {strides = array<i32>} : memref<768x128xf32, #tpu.memory_space<vmem>>, vector<1x16xf32>,
      %get3A_813 = vector.shape_cast %get3A_812 : vector<1x16xf32> to vector<16xf32>
      %mul3A_814 = arith.mulf %get3A_813, %get3A_24 : vector<16xf32>
      %add3A_815 = arith.addf %add3A_807, %mul3A_814 : vector<16xf32>
      %add3A_816 = arith.constant 6 : i32
      %add3A_817 = arith.addi %mul3A_48, %add3A_816 : i32
      %get3A_818 = arith.index_cast %add3A_817 : i32 to index
      %get3A_819 = arith.constant 112 : index
      %get3A_820 = tpu.vector_load %arg6[%get3A_818, %get3A_819] {strides = array<i32>} : memref<768x128xf32, #tpu.memory_space<vmem>>, vector<1x16xf32>,
      %get3A_821 = vector.shape_cast %get3A_820 : vector<1x16xf32> to vector<16xf32>
      %mul3A_822 = arith.mulf %get3A_821, %get3A_27 : vector<16xf32>
      %add3A_823 = arith.addf %add3A_815, %mul3A_822 : vector<16xf32>
      %lt3A_824 = arith.constant 0 : i32
      %lt3A_825 = vector.broadcast %lt3A_824 : i32 to vector<16xi32>
      %lt3A_826 = arith.cmpi slt, %xor3A_29, %lt3A_825 : vector<16xi32>
      %add3A_827 = arith.constant 16 : i32
      %add3A_828 = vector.broadcast %add3A_827 : i32 to vector<16xi32>
      %add3A_829 = arith.addi %xor3A_29, %add3A_828 : vector<16xi32>
      %select_n3A_830 = arith.select %lt3A_826, %add3A_829, %xor3A_29 : vector<16xi1>, vector<16xi32>
      %broadcast_in_dim3A_831 = vector.shape_cast %select_n3A_830 : vector<16xi32> to vector<16x1xi32>
      %gather3A_832 = vector.shape_cast %broadcast_in_dim3A_831 : vector<16x1xi32> to vector<16xi32>
      %gather3A_833 = tpu.dynamic_gather %add3A_823[%gather3A_832] in [0] : vector<16xf32>, vector<16xi32> -> vector<16xf32>
      %add3A_834 = arith.addf %add3A_823, %gather3A_833 : vector<16xf32>
      %lt3A_835 = arith.constant 0 : i32
      %lt3A_836 = vector.broadcast %lt3A_835 : i32 to vector<16xi32>
      %lt3A_837 = arith.cmpi slt, %xor3A_32, %lt3A_836 : vector<16xi32>
      %add3A_838 = arith.constant 16 : i32
      %add3A_839 = vector.broadcast %add3A_838 : i32 to vector<16xi32>
      %add3A_840 = arith.addi %xor3A_32, %add3A_839 : vector<16xi32>
      %select_n3A_841 = arith.select %lt3A_837, %add3A_840, %xor3A_32 : vector<16xi1>, vector<16xi32>
      %broadcast_in_dim3A_842 = vector.shape_cast %select_n3A_841 : vector<16xi32> to vector<16x1xi32>
      %gather3A_843 = vector.shape_cast %broadcast_in_dim3A_842 : vector<16x1xi32> to vector<16xi32>
      %gather3A_844 = tpu.dynamic_gather %add3A_834[%gather3A_843] in [0] : vector<16xf32>, vector<16xi32> -> vector<16xf32>
      %add3A_845 = arith.addf %add3A_834, %gather3A_844 : vector<16xf32>
      %lt3A_846 = arith.constant 0 : i32
      %lt3A_847 = vector.broadcast %lt3A_846 : i32 to vector<16xi32>
      %lt3A_848 = arith.cmpi slt, %xor3A_35, %lt3A_847 : vector<16xi32>
      %add3A_849 = arith.constant 16 : i32
      %add3A_850 = vector.broadcast %add3A_849 : i32 to vector<16xi32>
      %add3A_851 = arith.addi %xor3A_35, %add3A_850 : vector<16xi32>
      %select_n3A_852 = arith.select %lt3A_848, %add3A_851, %xor3A_35 : vector<16xi1>, vector<16xi32>
      %broadcast_in_dim3A_853 = vector.shape_cast %select_n3A_852 : vector<16xi32> to vector<16x1xi32>
      %gather3A_854 = vector.shape_cast %broadcast_in_dim3A_853 : vector<16x1xi32> to vector<16xi32>
      %gather3A_855 = tpu.dynamic_gather %add3A_845[%gather3A_854] in [0] : vector<16xf32>, vector<16xi32> -> vector<16xf32>
      %add3A_856 = arith.addf %add3A_845, %gather3A_855 : vector<16xf32>
      %lt3A_857 = arith.constant 0 : i32
      %lt3A_858 = vector.broadcast %lt3A_857 : i32 to vector<16xi32>
      %lt3A_859 = arith.cmpi slt, %xor3A_38, %lt3A_858 : vector<16xi32>
      %add3A_860 = arith.constant 16 : i32
      %add3A_861 = vector.broadcast %add3A_860 : i32 to vector<16xi32>
      %add3A_862 = arith.addi %xor3A_38, %add3A_861 : vector<16xi32>
      %select_n3A_863 = arith.select %lt3A_859, %add3A_862, %xor3A_38 : vector<16xi1>, vector<16xi32>
      %broadcast_in_dim3A_864 = vector.shape_cast %select_n3A_863 : vector<16xi32> to vector<16x1xi32>
      %gather3A_865 = vector.shape_cast %broadcast_in_dim3A_864 : vector<16x1xi32> to vector<16xi32>
      %gather3A_866 = tpu.dynamic_gather %add3A_856[%gather3A_865] in [0] : vector<16xf32>, vector<16xi32> -> vector<16xf32>
      %add3A_867 = arith.addf %add3A_856, %gather3A_866 : vector<16xf32>
      %eq3A_868 = arith.constant 6 : i32
      %eq3A_869 = vector.broadcast %eq3A_868 : i32 to vector<16xi32>
      %eq3A_870 = arith.cmpi eq, %iota3A, %eq3A_869 : vector<16xi32>
      %select_n3A_871 = arith.select %eq3A_870, %add3A_867, %select_n3A_753 : vector<16xi1>, vector<16xf32>
      %add3A_872 = arith.constant 7 : i32
      %add3A_873 = arith.addi %mul3A_48, %add3A_872 : i32
      %mul3A_874 = arith.constant 128 : i32
      %mul3A_875 = arith.muli %add3A_873, %mul3A_874 : i32
      %broadcast_in_dim3A_876 = arith.constant 0.000000e+00 : f32
      %broadcast_in_dim3A_877 = vector.broadcast %broadcast_in_dim3A_876 : f32 to vector<16xf32>
      %add3A_878 = arith.constant 7 : i32
      %add3A_879 = arith.addi %mul3A_48, %add3A_878 : i32
      %get3A_880 = arith.index_cast %add3A_879 : i32 to index
      %get3A_881 = arith.constant 0 : index
      %get3A_882 = tpu.vector_load %arg6[%get3A_880, %get3A_881] {strides = array<i32>} : memref<768x128xf32, #tpu.memory_space<vmem>>, vector<1x16xf32>,
      %get3A_883 = vector.shape_cast %get3A_882 : vector<1x16xf32> to vector<16xf32>
      %mul3A_884 = arith.mulf %get3A_883, %get3A_6 : vector<16xf32>
      %add3A_885 = arith.addf %broadcast_in_dim3A_877, %mul3A_884 : vector<16xf32>
      %add3A_886 = arith.constant 7 : i32
      %add3A_887 = arith.addi %mul3A_48, %add3A_886 : i32
      %get3A_888 = arith.index_cast %add3A_887 : i32 to index
      %get3A_889 = arith.constant 16 : index
      %get3A_890 = tpu.vector_load %arg6[%get3A_888, %get3A_889] {strides = array<i32>} : memref<768x128xf32, #tpu.memory_space<vmem>>, vector<1x16xf32>,
      %get3A_891 = vector.shape_cast %get3A_890 : vector<1x16xf32> to vector<16xf32>
      %mul3A_892 = arith.mulf %get3A_891, %get3A_9 : vector<16xf32>
      %add3A_893 = arith.addf %add3A_885, %mul3A_892 : vector<16xf32>
      %add3A_894 = arith.constant 7 : i32
      %add3A_895 = arith.addi %mul3A_48, %add3A_894 : i32
      %get3A_896 = arith.index_cast %add3A_895 : i32 to index
      %get3A_897 = arith.constant 32 : index
      %get3A_898 = tpu.vector_load %arg6[%get3A_896, %get3A_897] {strides = array<i32>} : memref<768x128xf32, #tpu.memory_space<vmem>>, vector<1x16xf32>,
      %get3A_899 = vector.shape_cast %get3A_898 : vector<1x16xf32> to vector<16xf32>
      %mul3A_900 = arith.mulf %get3A_899, %get3A_12 : vector<16xf32>
      %add3A_901 = arith.addf %add3A_893, %mul3A_900 : vector<16xf32>
      %add3A_902 = arith.constant 7 : i32
      %add3A_903 = arith.addi %mul3A_48, %add3A_902 : i32
      %get3A_904 = arith.index_cast %add3A_903 : i32 to index
      %get3A_905 = arith.constant 48 : index
      %get3A_906 = tpu.vector_load %arg6[%get3A_904, %get3A_905] {strides = array<i32>} : memref<768x128xf32, #tpu.memory_space<vmem>>, vector<1x16xf32>,
      %get3A_907 = vector.shape_cast %get3A_906 : vector<1x16xf32> to vector<16xf32>
      %mul3A_908 = arith.mulf %get3A_907, %get3A_15 : vector<16xf32>
      %add3A_909 = arith.addf %add3A_901, %mul3A_908 : vector<16xf32>
      %add3A_910 = arith.constant 7 : i32
      %add3A_911 = arith.addi %mul3A_48, %add3A_910 : i32
      %get3A_912 = arith.index_cast %add3A_911 : i32 to index
      %get3A_913 = arith.constant 64 : index
      %get3A_914 = tpu.vector_load %arg6[%get3A_912, %get3A_913] {strides = array<i32>} : memref<768x128xf32, #tpu.memory_space<vmem>>, vector<1x16xf32>,
      %get3A_915 = vector.shape_cast %get3A_914 : vector<1x16xf32> to vector<16xf32>
      %mul3A_916 = arith.mulf %get3A_915, %get3A_18 : vector<16xf32>
      %add3A_917 = arith.addf %add3A_909, %mul3A_916 : vector<16xf32>
      %add3A_918 = arith.constant 7 : i32
      %add3A_919 = arith.addi %mul3A_48, %add3A_918 : i32
      %get3A_920 = arith.index_cast %add3A_919 : i32 to index
      %get3A_921 = arith.constant 80 : index
      %get3A_922 = tpu.vector_load %arg6[%get3A_920, %get3A_921] {strides = array<i32>} : memref<768x128xf32, #tpu.memory_space<vmem>>, vector<1x16xf32>,
      %get3A_923 = vector.shape_cast %get3A_922 : vector<1x16xf32> to vector<16xf32>
      %mul3A_924 = arith.mulf %get3A_923, %get3A_21 : vector<16xf32>
      %add3A_925 = arith.addf %add3A_917, %mul3A_924 : vector<16xf32>
      %add3A_926 = arith.constant 7 : i32
      %add3A_927 = arith.addi %mul3A_48, %add3A_926 : i32
      %get3A_928 = arith.index_cast %add3A_927 : i32 to index
      %get3A_929 = arith.constant 96 : index
      %get3A_930 = tpu.vector_load %arg6[%get3A_928, %get3A_929] {strides = array<i32>} : memref<768x128xf32, #tpu.memory_space<vmem>>, vector<1x16xf32>,
      %get3A_931 = vector.shape_cast %get3A_930 : vector<1x16xf32> to vector<16xf32>
      %mul3A_932 = arith.mulf %get3A_931, %get3A_24 : vector<16xf32>
      %add3A_933 = arith.addf %add3A_925, %mul3A_932 : vector<16xf32>
      %add3A_934 = arith.constant 7 : i32
      %add3A_935 = arith.addi %mul3A_48, %add3A_934 : i32
      %get3A_936 = arith.index_cast %add3A_935 : i32 to index
      %get3A_937 = arith.constant 112 : index
      %get3A_938 = tpu.vector_load %arg6[%get3A_936, %get3A_937] {strides = array<i32>} : memref<768x128xf32, #tpu.memory_space<vmem>>, vector<1x16xf32>,
      %get3A_939 = vector.shape_cast %get3A_938 : vector<1x16xf32> to vector<16xf32>
      %mul3A_940 = arith.mulf %get3A_939, %get3A_27 : vector<16xf32>
      %add3A_941 = arith.addf %add3A_933, %mul3A_940 : vector<16xf32>
      %lt3A_942 = arith.constant 0 : i32
      %lt3A_943 = vector.broadcast %lt3A_942 : i32 to vector<16xi32>
      %lt3A_944 = arith.cmpi slt, %xor3A_29, %lt3A_943 : vector<16xi32>
      %add3A_945 = arith.constant 16 : i32
      %add3A_946 = vector.broadcast %add3A_945 : i32 to vector<16xi32>
      %add3A_947 = arith.addi %xor3A_29, %add3A_946 : vector<16xi32>
      %select_n3A_948 = arith.select %lt3A_944, %add3A_947, %xor3A_29 : vector<16xi1>, vector<16xi32>
      %broadcast_in_dim3A_949 = vector.shape_cast %select_n3A_948 : vector<16xi32> to vector<16x1xi32>
      %gather3A_950 = vector.shape_cast %broadcast_in_dim3A_949 : vector<16x1xi32> to vector<16xi32>
      %gather3A_951 = tpu.dynamic_gather %add3A_941[%gather3A_950] in [0] : vector<16xf32>, vector<16xi32> -> vector<16xf32>
      %add3A_952 = arith.addf %add3A_941, %gather3A_951 : vector<16xf32>
      %lt3A_953 = arith.constant 0 : i32
      %lt3A_954 = vector.broadcast %lt3A_953 : i32 to vector<16xi32>
      %lt3A_955 = arith.cmpi slt, %xor3A_32, %lt3A_954 : vector<16xi32>
      %add3A_956 = arith.constant 16 : i32
      %add3A_957 = vector.broadcast %add3A_956 : i32 to vector<16xi32>
      %add3A_958 = arith.addi %xor3A_32, %add3A_957 : vector<16xi32>
      %select_n3A_959 = arith.select %lt3A_955, %add3A_958, %xor3A_32 : vector<16xi1>, vector<16xi32>
      %broadcast_in_dim3A_960 = vector.shape_cast %select_n3A_959 : vector<16xi32> to vector<16x1xi32>
      %gather3A_961 = vector.shape_cast %broadcast_in_dim3A_960 : vector<16x1xi32> to vector<16xi32>
      %gather3A_962 = tpu.dynamic_gather %add3A_952[%gather3A_961] in [0] : vector<16xf32>, vector<16xi32> -> vector<16xf32>
      %add3A_963 = arith.addf %add3A_952, %gather3A_962 : vector<16xf32>
      %lt3A_964 = arith.constant 0 : i32
      %lt3A_965 = vector.broadcast %lt3A_964 : i32 to vector<16xi32>
      %lt3A_966 = arith.cmpi slt, %xor3A_35, %lt3A_965 : vector<16xi32>
      %add3A_967 = arith.constant 16 : i32
      %add3A_968 = vector.broadcast %add3A_967 : i32 to vector<16xi32>
      %add3A_969 = arith.addi %xor3A_35, %add3A_968 : vector<16xi32>
      %select_n3A_970 = arith.select %lt3A_966, %add3A_969, %xor3A_35 : vector<16xi1>, vector<16xi32>
      %broadcast_in_dim3A_971 = vector.shape_cast %select_n3A_970 : vector<16xi32> to vector<16x1xi32>
      %gather3A_972 = vector.shape_cast %broadcast_in_dim3A_971 : vector<16x1xi32> to vector<16xi32>
      %gather3A_973 = tpu.dynamic_gather %add3A_963[%gather3A_972] in [0] : vector<16xf32>, vector<16xi32> -> vector<16xf32>
      %add3A_974 = arith.addf %add3A_963, %gather3A_973 : vector<16xf32>
      %lt3A_975 = arith.constant 0 : i32
      %lt3A_976 = vector.broadcast %lt3A_975 : i32 to vector<16xi32>
      %lt3A_977 = arith.cmpi slt, %xor3A_38, %lt3A_976 : vector<16xi32>
      %add3A_978 = arith.constant 16 : i32
      %add3A_979 = vector.broadcast %add3A_978 : i32 to vector<16xi32>
      %add3A_980 = arith.addi %xor3A_38, %add3A_979 : vector<16xi32>
      %select_n3A_981 = arith.select %lt3A_977, %add3A_980, %xor3A_38 : vector<16xi1>, vector<16xi32>
      %broadcast_in_dim3A_982 = vector.shape_cast %select_n3A_981 : vector<16xi32> to vector<16x1xi32>
      %gather3A_983 = vector.shape_cast %broadcast_in_dim3A_982 : vector<16x1xi32> to vector<16xi32>
      %gather3A_984 = tpu.dynamic_gather %add3A_974[%gather3A_983] in [0] : vector<16xf32>, vector<16xi32> -> vector<16xf32>
      %add3A_985 = arith.addf %add3A_974, %gather3A_984 : vector<16xf32>
      %eq3A_986 = arith.constant 7 : i32
      %eq3A_987 = vector.broadcast %eq3A_986 : i32 to vector<16xi32>
      %eq3A_988 = arith.cmpi eq, %iota3A, %eq3A_987 : vector<16xi32>
      %select_n3A_989 = arith.select %eq3A_988, %add3A_985, %select_n3A_871 : vector<16xi1>, vector<16xf32>
      %add3A_990 = arith.constant 8 : i32
      %add3A_991 = arith.addi %mul3A_48, %add3A_990 : i32
      %mul3A_992 = arith.constant 128 : i32
      %mul3A_993 = arith.muli %add3A_991, %mul3A_992 : i32
      %broadcast_in_dim3A_994 = arith.constant 0.000000e+00 : f32
      %broadcast_in_dim3A_995 = vector.broadcast %broadcast_in_dim3A_994 : f32 to vector<16xf32>
      %add3A_996 = arith.constant 8 : i32
      %add3A_997 = arith.addi %mul3A_48, %add3A_996 : i32
      %get3A_998 = arith.index_cast %add3A_997 : i32 to index
      %get3A_999 = arith.constant 0 : index
      %get3A_1000 = tpu.vector_load %arg6[%get3A_998, %get3A_999] {strides = array<i32>} : memref<768x128xf32, #tpu.memory_space<vmem>>, vector<1x16xf32>,
      %get3A_1001 = vector.shape_cast %get3A_1000 : vector<1x16xf32> to vector<16xf32>
      %mul3A_1002 = arith.mulf %get3A_1001, %get3A_6 : vector<16xf32>
      %add3A_1003 = arith.addf %broadcast_in_dim3A_995, %mul3A_1002 : vector<16xf32>
      %add3A_1004 = arith.constant 8 : i32
      %add3A_1005 = arith.addi %mul3A_48, %add3A_1004 : i32
      %get3A_1006 = arith.index_cast %add3A_1005 : i32 to index
      %get3A_1007 = arith.constant 16 : index
      %get3A_1008 = tpu.vector_load %arg6[%get3A_1006, %get3A_1007] {strides = array<i32>} : memref<768x128xf32, #tpu.memory_space<vmem>>, vector<1x16xf32>,
      %get3A_1009 = vector.shape_cast %get3A_1008 : vector<1x16xf32> to vector<16xf32>
      %mul3A_1010 = arith.mulf %get3A_1009, %get3A_9 : vector<16xf32>
      %add3A_1011 = arith.addf %add3A_1003, %mul3A_1010 : vector<16xf32>
      %add3A_1012 = arith.constant 8 : i32
      %add3A_1013 = arith.addi %mul3A_48, %add3A_1012 : i32
      %get3A_1014 = arith.index_cast %add3A_1013 : i32 to index
      %get3A_1015 = arith.constant 32 : index
      %get3A_1016 = tpu.vector_load %arg6[%get3A_1014, %get3A_1015] {strides = array<i32>} : memref<768x128xf32, #tpu.memory_space<vmem>>, vector<1x16xf32>,
      %get3A_1017 = vector.shape_cast %get3A_1016 : vector<1x16xf32> to vector<16xf32>
      %mul3A_1018 = arith.mulf %get3A_1017, %get3A_12 : vector<16xf32>
      %add3A_1019 = arith.addf %add3A_1011, %mul3A_1018 : vector<16xf32>
      %add3A_1020 = arith.constant 8 : i32
      %add3A_1021 = arith.addi %mul3A_48, %add3A_1020 : i32
      %get3A_1022 = arith.index_cast %add3A_1021 : i32 to index
      %get3A_1023 = arith.constant 48 : index
      %get3A_1024 = tpu.vector_load %arg6[%get3A_1022, %get3A_1023] {strides = array<i32>} : memref<768x128xf32, #tpu.memory_space<vmem>>, vector<1x16xf32>,
      %get3A_1025 = vector.shape_cast %get3A_1024 : vector<1x16xf32> to vector<16xf32>
      %mul3A_1026 = arith.mulf %get3A_1025, %get3A_15 : vector<16xf32>
      %add3A_1027 = arith.addf %add3A_1019, %mul3A_1026 : vector<16xf32>
      %add3A_1028 = arith.constant 8 : i32
      %add3A_1029 = arith.addi %mul3A_48, %add3A_1028 : i32
      %get3A_1030 = arith.index_cast %add3A_1029 : i32 to index
      %get3A_1031 = arith.constant 64 : index
      %get3A_1032 = tpu.vector_load %arg6[%get3A_1030, %get3A_1031] {strides = array<i32>} : memref<768x128xf32, #tpu.memory_space<vmem>>, vector<1x16xf32>,
      %get3A_1033 = vector.shape_cast %get3A_1032 : vector<1x16xf32> to vector<16xf32>
      %mul3A_1034 = arith.mulf %get3A_1033, %get3A_18 : vector<16xf32>
      %add3A_1035 = arith.addf %add3A_1027, %mul3A_1034 : vector<16xf32>
      %add3A_1036 = arith.constant 8 : i32
      %add3A_1037 = arith.addi %mul3A_48, %add3A_1036 : i32
      %get3A_1038 = arith.index_cast %add3A_1037 : i32 to index
      %get3A_1039 = arith.constant 80 : index
      %get3A_1040 = tpu.vector_load %arg6[%get3A_1038, %get3A_1039] {strides = array<i32>} : memref<768x128xf32, #tpu.memory_space<vmem>>, vector<1x16xf32>,
      %get3A_1041 = vector.shape_cast %get3A_1040 : vector<1x16xf32> to vector<16xf32>
      %mul3A_1042 = arith.mulf %get3A_1041, %get3A_21 : vector<16xf32>
      %add3A_1043 = arith.addf %add3A_1035, %mul3A_1042 : vector<16xf32>
      %add3A_1044 = arith.constant 8 : i32
      %add3A_1045 = arith.addi %mul3A_48, %add3A_1044 : i32
      %get3A_1046 = arith.index_cast %add3A_1045 : i32 to index
      %get3A_1047 = arith.constant 96 : index
      %get3A_1048 = tpu.vector_load %arg6[%get3A_1046, %get3A_1047] {strides = array<i32>} : memref<768x128xf32, #tpu.memory_space<vmem>>, vector<1x16xf32>,
      %get3A_1049 = vector.shape_cast %get3A_1048 : vector<1x16xf32> to vector<16xf32>
      %mul3A_1050 = arith.mulf %get3A_1049, %get3A_24 : vector<16xf32>
      %add3A_1051 = arith.addf %add3A_1043, %mul3A_1050 : vector<16xf32>
      %add3A_1052 = arith.constant 8 : i32
      %add3A_1053 = arith.addi %mul3A_48, %add3A_1052 : i32
      %get3A_1054 = arith.index_cast %add3A_1053 : i32 to index
      %get3A_1055 = arith.constant 112 : index
      %get3A_1056 = tpu.vector_load %arg6[%get3A_1054, %get3A_1055] {strides = array<i32>} : memref<768x128xf32, #tpu.memory_space<vmem>>, vector<1x16xf32>,
      %get3A_1057 = vector.shape_cast %get3A_1056 : vector<1x16xf32> to vector<16xf32>
      %mul3A_1058 = arith.mulf %get3A_1057, %get3A_27 : vector<16xf32>
      %add3A_1059 = arith.addf %add3A_1051, %mul3A_1058 : vector<16xf32>
      %lt3A_1060 = arith.constant 0 : i32
      %lt3A_1061 = vector.broadcast %lt3A_1060 : i32 to vector<16xi32>
      %lt3A_1062 = arith.cmpi slt, %xor3A_29, %lt3A_1061 : vector<16xi32>
      %add3A_1063 = arith.constant 16 : i32
      %add3A_1064 = vector.broadcast %add3A_1063 : i32 to vector<16xi32>
      %add3A_1065 = arith.addi %xor3A_29, %add3A_1064 : vector<16xi32>
      %select_n3A_1066 = arith.select %lt3A_1062, %add3A_1065, %xor3A_29 : vector<16xi1>, vector<16xi32>
      %broadcast_in_dim3A_1067 = vector.shape_cast %select_n3A_1066 : vector<16xi32> to vector<16x1xi32>
      %gather3A_1068 = vector.shape_cast %broadcast_in_dim3A_1067 : vector<16x1xi32> to vector<16xi32>
      %gather3A_1069 = tpu.dynamic_gather %add3A_1059[%gather3A_1068] in [0] : vector<16xf32>, vector<16xi32> -> vector<16xf32>
      %add3A_1070 = arith.addf %add3A_1059, %gather3A_1069 : vector<16xf32>
      %lt3A_1071 = arith.constant 0 : i32
      %lt3A_1072 = vector.broadcast %lt3A_1071 : i32 to vector<16xi32>
      %lt3A_1073 = arith.cmpi slt, %xor3A_32, %lt3A_1072 : vector<16xi32>
      %add3A_1074 = arith.constant 16 : i32
      %add3A_1075 = vector.broadcast %add3A_1074 : i32 to vector<16xi32>
      %add3A_1076 = arith.addi %xor3A_32, %add3A_1075 : vector<16xi32>
      %select_n3A_1077 = arith.select %lt3A_1073, %add3A_1076, %xor3A_32 : vector<16xi1>, vector<16xi32>
      %broadcast_in_dim3A_1078 = vector.shape_cast %select_n3A_1077 : vector<16xi32> to vector<16x1xi32>
      %gather3A_1079 = vector.shape_cast %broadcast_in_dim3A_1078 : vector<16x1xi32> to vector<16xi32>
      %gather3A_1080 = tpu.dynamic_gather %add3A_1070[%gather3A_1079] in [0] : vector<16xf32>, vector<16xi32> -> vector<16xf32>
      %add3A_1081 = arith.addf %add3A_1070, %gather3A_1080 : vector<16xf32>
      %lt3A_1082 = arith.constant 0 : i32
      %lt3A_1083 = vector.broadcast %lt3A_1082 : i32 to vector<16xi32>
      %lt3A_1084 = arith.cmpi slt, %xor3A_35, %lt3A_1083 : vector<16xi32>
      %add3A_1085 = arith.constant 16 : i32
      %add3A_1086 = vector.broadcast %add3A_1085 : i32 to vector<16xi32>
      %add3A_1087 = arith.addi %xor3A_35, %add3A_1086 : vector<16xi32>
      %select_n3A_1088 = arith.select %lt3A_1084, %add3A_1087, %xor3A_35 : vector<16xi1>, vector<16xi32>
      %broadcast_in_dim3A_1089 = vector.shape_cast %select_n3A_1088 : vector<16xi32> to vector<16x1xi32>
      %gather3A_1090 = vector.shape_cast %broadcast_in_dim3A_1089 : vector<16x1xi32> to vector<16xi32>
      %gather3A_1091 = tpu.dynamic_gather %add3A_1081[%gather3A_1090] in [0] : vector<16xf32>, vector<16xi32> -> vector<16xf32>
      %add3A_1092 = arith.addf %add3A_1081, %gather3A_1091 : vector<16xf32>
      %lt3A_1093 = arith.constant 0 : i32
      %lt3A_1094 = vector.broadcast %lt3A_1093 : i32 to vector<16xi32>
      %lt3A_1095 = arith.cmpi slt, %xor3A_38, %lt3A_1094 : vector<16xi32>
      %add3A_1096 = arith.constant 16 : i32
      %add3A_1097 = vector.broadcast %add3A_1096 : i32 to vector<16xi32>
      %add3A_1098 = arith.addi %xor3A_38, %add3A_1097 : vector<16xi32>
      %select_n3A_1099 = arith.select %lt3A_1095, %add3A_1098, %xor3A_38 : vector<16xi1>, vector<16xi32>
      %broadcast_in_dim3A_1100 = vector.shape_cast %select_n3A_1099 : vector<16xi32> to vector<16x1xi32>
      %gather3A_1101 = vector.shape_cast %broadcast_in_dim3A_1100 : vector<16x1xi32> to vector<16xi32>
      %gather3A_1102 = tpu.dynamic_gather %add3A_1092[%gather3A_1101] in [0] : vector<16xf32>, vector<16xi32> -> vector<16xf32>
      %add3A_1103 = arith.addf %add3A_1092, %gather3A_1102 : vector<16xf32>
      %eq3A_1104 = arith.constant 8 : i32
      %eq3A_1105 = vector.broadcast %eq3A_1104 : i32 to vector<16xi32>
      %eq3A_1106 = arith.cmpi eq, %iota3A, %eq3A_1105 : vector<16xi32>
      %select_n3A_1107 = arith.select %eq3A_1106, %add3A_1103, %select_n3A_989 : vector<16xi1>, vector<16xf32>
      %add3A_1108 = arith.constant 9 : i32
      %add3A_1109 = arith.addi %mul3A_48, %add3A_1108 : i32
      %mul3A_1110 = arith.constant 128 : i32
      %mul3A_1111 = arith.muli %add3A_1109, %mul3A_1110 : i32
      %broadcast_in_dim3A_1112 = arith.constant 0.000000e+00 : f32
      %broadcast_in_dim3A_1113 = vector.broadcast %broadcast_in_dim3A_1112 : f32 to vector<16xf32>
      %add3A_1114 = arith.constant 9 : i32
      %add3A_1115 = arith.addi %mul3A_48, %add3A_1114 : i32
      %get3A_1116 = arith.index_cast %add3A_1115 : i32 to index
      %get3A_1117 = arith.constant 0 : index
      %get3A_1118 = tpu.vector_load %arg6[%get3A_1116, %get3A_1117] {strides = array<i32>} : memref<768x128xf32, #tpu.memory_space<vmem>>, vector<1x16xf32>,
      %get3A_1119 = vector.shape_cast %get3A_1118 : vector<1x16xf32> to vector<16xf32>
      %mul3A_1120 = arith.mulf %get3A_1119, %get3A_6 : vector<16xf32>
      %add3A_1121 = arith.addf %broadcast_in_dim3A_1113, %mul3A_1120 : vector<16xf32>
      %add3A_1122 = arith.constant 9 : i32
      %add3A_1123 = arith.addi %mul3A_48, %add3A_1122 : i32
      %get3A_1124 = arith.index_cast %add3A_1123 : i32 to index
      %get3A_1125 = arith.constant 16 : index
      %get3A_1126 = tpu.vector_load %arg6[%get3A_1124, %get3A_1125] {strides = array<i32>} : memref<768x128xf32, #tpu.memory_space<vmem>>, vector<1x16xf32>,
      %get3A_1127 = vector.shape_cast %get3A_1126 : vector<1x16xf32> to vector<16xf32>
      %mul3A_1128 = arith.mulf %get3A_1127, %get3A_9 : vector<16xf32>
      %add3A_1129 = arith.addf %add3A_1121, %mul3A_1128 : vector<16xf32>
      %add3A_1130 = arith.constant 9 : i32
      %add3A_1131 = arith.addi %mul3A_48, %add3A_1130 : i32
      %get3A_1132 = arith.index_cast %add3A_1131 : i32 to index
      %get3A_1133 = arith.constant 32 : index
      %get3A_1134 = tpu.vector_load %arg6[%get3A_1132, %get3A_1133] {strides = array<i32>} : memref<768x128xf32, #tpu.memory_space<vmem>>, vector<1x16xf32>,
      %get3A_1135 = vector.shape_cast %get3A_1134 : vector<1x16xf32> to vector<16xf32>
      %mul3A_1136 = arith.mulf %get3A_1135, %get3A_12 : vector<16xf32>
      %add3A_1137 = arith.addf %add3A_1129, %mul3A_1136 : vector<16xf32>
      %add3A_1138 = arith.constant 9 : i32
      %add3A_1139 = arith.addi %mul3A_48, %add3A_1138 : i32
      %get3A_1140 = arith.index_cast %add3A_1139 : i32 to index
      %get3A_1141 = arith.constant 48 : index
      %get3A_1142 = tpu.vector_load %arg6[%get3A_1140, %get3A_1141] {strides = array<i32>} : memref<768x128xf32, #tpu.memory_space<vmem>>, vector<1x16xf32>,
      %get3A_1143 = vector.shape_cast %get3A_1142 : vector<1x16xf32> to vector<16xf32>
      %mul3A_1144 = arith.mulf %get3A_1143, %get3A_15 : vector<16xf32>
      %add3A_1145 = arith.addf %add3A_1137, %mul3A_1144 : vector<16xf32>
      %add3A_1146 = arith.constant 9 : i32
      %add3A_1147 = arith.addi %mul3A_48, %add3A_1146 : i32
      %get3A_1148 = arith.index_cast %add3A_1147 : i32 to index
      %get3A_1149 = arith.constant 64 : index
      %get3A_1150 = tpu.vector_load %arg6[%get3A_1148, %get3A_1149] {strides = array<i32>} : memref<768x128xf32, #tpu.memory_space<vmem>>, vector<1x16xf32>,
      %get3A_1151 = vector.shape_cast %get3A_1150 : vector<1x16xf32> to vector<16xf32>
      %mul3A_1152 = arith.mulf %get3A_1151, %get3A_18 : vector<16xf32>
      %add3A_1153 = arith.addf %add3A_1145, %mul3A_1152 : vector<16xf32>
      %add3A_1154 = arith.constant 9 : i32
      %add3A_1155 = arith.addi %mul3A_48, %add3A_1154 : i32
      %get3A_1156 = arith.index_cast %add3A_1155 : i32 to index
      %get3A_1157 = arith.constant 80 : index
      %get3A_1158 = tpu.vector_load %arg6[%get3A_1156, %get3A_1157] {strides = array<i32>} : memref<768x128xf32, #tpu.memory_space<vmem>>, vector<1x16xf32>,
      %get3A_1159 = vector.shape_cast %get3A_1158 : vector<1x16xf32> to vector<16xf32>
      %mul3A_1160 = arith.mulf %get3A_1159, %get3A_21 : vector<16xf32>
      %add3A_1161 = arith.addf %add3A_1153, %mul3A_1160 : vector<16xf32>
      %add3A_1162 = arith.constant 9 : i32
      %add3A_1163 = arith.addi %mul3A_48, %add3A_1162 : i32
      %get3A_1164 = arith.index_cast %add3A_1163 : i32 to index
      %get3A_1165 = arith.constant 96 : index
      %get3A_1166 = tpu.vector_load %arg6[%get3A_1164, %get3A_1165] {strides = array<i32>} : memref<768x128xf32, #tpu.memory_space<vmem>>, vector<1x16xf32>,
      %get3A_1167 = vector.shape_cast %get3A_1166 : vector<1x16xf32> to vector<16xf32>
      %mul3A_1168 = arith.mulf %get3A_1167, %get3A_24 : vector<16xf32>
      %add3A_1169 = arith.addf %add3A_1161, %mul3A_1168 : vector<16xf32>
      %add3A_1170 = arith.constant 9 : i32
      %add3A_1171 = arith.addi %mul3A_48, %add3A_1170 : i32
      %get3A_1172 = arith.index_cast %add3A_1171 : i32 to index
      %get3A_1173 = arith.constant 112 : index
      %get3A_1174 = tpu.vector_load %arg6[%get3A_1172, %get3A_1173] {strides = array<i32>} : memref<768x128xf32, #tpu.memory_space<vmem>>, vector<1x16xf32>,
      %get3A_1175 = vector.shape_cast %get3A_1174 : vector<1x16xf32> to vector<16xf32>
      %mul3A_1176 = arith.mulf %get3A_1175, %get3A_27 : vector<16xf32>
      %add3A_1177 = arith.addf %add3A_1169, %mul3A_1176 : vector<16xf32>
      %lt3A_1178 = arith.constant 0 : i32
      %lt3A_1179 = vector.broadcast %lt3A_1178 : i32 to vector<16xi32>
      %lt3A_1180 = arith.cmpi slt, %xor3A_29, %lt3A_1179 : vector<16xi32>
      %add3A_1181 = arith.constant 16 : i32
      %add3A_1182 = vector.broadcast %add3A_1181 : i32 to vector<16xi32>
      %add3A_1183 = arith.addi %xor3A_29, %add3A_1182 : vector<16xi32>
      %select_n3A_1184 = arith.select %lt3A_1180, %add3A_1183, %xor3A_29 : vector<16xi1>, vector<16xi32>
      %broadcast_in_dim3A_1185 = vector.shape_cast %select_n3A_1184 : vector<16xi32> to vector<16x1xi32>
      %gather3A_1186 = vector.shape_cast %broadcast_in_dim3A_1185 : vector<16x1xi32> to vector<16xi32>
      %gather3A_1187 = tpu.dynamic_gather %add3A_1177[%gather3A_1186] in [0] : vector<16xf32>, vector<16xi32> -> vector<16xf32>
      %add3A_1188 = arith.addf %add3A_1177, %gather3A_1187 : vector<16xf32>
      %lt3A_1189 = arith.constant 0 : i32
      %lt3A_1190 = vector.broadcast %lt3A_1189 : i32 to vector<16xi32>
      %lt3A_1191 = arith.cmpi slt, %xor3A_32, %lt3A_1190 : vector<16xi32>
      %add3A_1192 = arith.constant 16 : i32
      %add3A_1193 = vector.broadcast %add3A_1192 : i32 to vector<16xi32>
      %add3A_1194 = arith.addi %xor3A_32, %add3A_1193 : vector<16xi32>
      %select_n3A_1195 = arith.select %lt3A_1191, %add3A_1194, %xor3A_32 : vector<16xi1>, vector<16xi32>
      %broadcast_in_dim3A_1196 = vector.shape_cast %select_n3A_1195 : vector<16xi32> to vector<16x1xi32>
      %gather3A_1197 = vector.shape_cast %broadcast_in_dim3A_1196 : vector<16x1xi32> to vector<16xi32>
      %gather3A_1198 = tpu.dynamic_gather %add3A_1188[%gather3A_1197] in [0] : vector<16xf32>, vector<16xi32> -> vector<16xf32>
      %add3A_1199 = arith.addf %add3A_1188, %gather3A_1198 : vector<16xf32>
      %lt3A_1200 = arith.constant 0 : i32
      %lt3A_1201 = vector.broadcast %lt3A_1200 : i32 to vector<16xi32>
      %lt3A_1202 = arith.cmpi slt, %xor3A_35, %lt3A_1201 : vector<16xi32>
      %add3A_1203 = arith.constant 16 : i32
      %add3A_1204 = vector.broadcast %add3A_1203 : i32 to vector<16xi32>
      %add3A_1205 = arith.addi %xor3A_35, %add3A_1204 : vector<16xi32>
      %select_n3A_1206 = arith.select %lt3A_1202, %add3A_1205, %xor3A_35 : vector<16xi1>, vector<16xi32>
      %broadcast_in_dim3A_1207 = vector.shape_cast %select_n3A_1206 : vector<16xi32> to vector<16x1xi32>
      %gather3A_1208 = vector.shape_cast %broadcast_in_dim3A_1207 : vector<16x1xi32> to vector<16xi32>
      %gather3A_1209 = tpu.dynamic_gather %add3A_1199[%gather3A_1208] in [0] : vector<16xf32>, vector<16xi32> -> vector<16xf32>
      %add3A_1210 = arith.addf %add3A_1199, %gather3A_1209 : vector<16xf32>
      %lt3A_1211 = arith.constant 0 : i32
      %lt3A_1212 = vector.broadcast %lt3A_1211 : i32 to vector<16xi32>
      %lt3A_1213 = arith.cmpi slt, %xor3A_38, %lt3A_1212 : vector<16xi32>
      %add3A_1214 = arith.constant 16 : i32
      %add3A_1215 = vector.broadcast %add3A_1214 : i32 to vector<16xi32>
      %add3A_1216 = arith.addi %xor3A_38, %add3A_1215 : vector<16xi32>
      %select_n3A_1217 = arith.select %lt3A_1213, %add3A_1216, %xor3A_38 : vector<16xi1>, vector<16xi32>
      %broadcast_in_dim3A_1218 = vector.shape_cast %select_n3A_1217 : vector<16xi32> to vector<16x1xi32>
      %gather3A_1219 = vector.shape_cast %broadcast_in_dim3A_1218 : vector<16x1xi32> to vector<16xi32>
      %gather3A_1220 = tpu.dynamic_gather %add3A_1210[%gather3A_1219] in [0] : vector<16xf32>, vector<16xi32> -> vector<16xf32>
      %add3A_1221 = arith.addf %add3A_1210, %gather3A_1220 : vector<16xf32>
      %eq3A_1222 = arith.constant 9 : i32
      %eq3A_1223 = vector.broadcast %eq3A_1222 : i32 to vector<16xi32>
      %eq3A_1224 = arith.cmpi eq, %iota3A, %eq3A_1223 : vector<16xi32>
      %select_n3A_1225 = arith.select %eq3A_1224, %add3A_1221, %select_n3A_1107 : vector<16xi1>, vector<16xf32>
      %add3A_1226 = arith.constant 10 : i32
      %add3A_1227 = arith.addi %mul3A_48, %add3A_1226 : i32
      %mul3A_1228 = arith.constant 128 : i32
      %mul3A_1229 = arith.muli %add3A_1227, %mul3A_1228 : i32
      %broadcast_in_dim3A_1230 = arith.constant 0.000000e+00 : f32
      %broadcast_in_dim3A_1231 = vector.broadcast %broadcast_in_dim3A_1230 : f32 to vector<16xf32>
      %add3A_1232 = arith.constant 10 : i32
      %add3A_1233 = arith.addi %mul3A_48, %add3A_1232 : i32
      %get3A_1234 = arith.index_cast %add3A_1233 : i32 to index
      %get3A_1235 = arith.constant 0 : index
      %get3A_1236 = tpu.vector_load %arg6[%get3A_1234, %get3A_1235] {strides = array<i32>} : memref<768x128xf32, #tpu.memory_space<vmem>>, vector<1x16xf32>,
      %get3A_1237 = vector.shape_cast %get3A_1236 : vector<1x16xf32> to vector<16xf32>
      %mul3A_1238 = arith.mulf %get3A_1237, %get3A_6 : vector<16xf32>
      %add3A_1239 = arith.addf %broadcast_in_dim3A_1231, %mul3A_1238 : vector<16xf32>
      %add3A_1240 = arith.constant 10 : i32
      %add3A_1241 = arith.addi %mul3A_48, %add3A_1240 : i32
      %get3A_1242 = arith.index_cast %add3A_1241 : i32 to index
      %get3A_1243 = arith.constant 16 : index
      %get3A_1244 = tpu.vector_load %arg6[%get3A_1242, %get3A_1243] {strides = array<i32>} : memref<768x128xf32, #tpu.memory_space<vmem>>, vector<1x16xf32>,
      %get3A_1245 = vector.shape_cast %get3A_1244 : vector<1x16xf32> to vector<16xf32>
      %mul3A_1246 = arith.mulf %get3A_1245, %get3A_9 : vector<16xf32>
      %add3A_1247 = arith.addf %add3A_1239, %mul3A_1246 : vector<16xf32>
      %add3A_1248 = arith.constant 10 : i32
      %add3A_1249 = arith.addi %mul3A_48, %add3A_1248 : i32
      %get3A_1250 = arith.index_cast %add3A_1249 : i32 to index
      %get3A_1251 = arith.constant 32 : index
      %get3A_1252 = tpu.vector_load %arg6[%get3A_1250, %get3A_1251] {strides = array<i32>} : memref<768x128xf32, #tpu.memory_space<vmem>>, vector<1x16xf32>,
      %get3A_1253 = vector.shape_cast %get3A_1252 : vector<1x16xf32> to vector<16xf32>
      %mul3A_1254 = arith.mulf %get3A_1253, %get3A_12 : vector<16xf32>
      %add3A_1255 = arith.addf %add3A_1247, %mul3A_1254 : vector<16xf32>
      %add3A_1256 = arith.constant 10 : i32
      %add3A_1257 = arith.addi %mul3A_48, %add3A_1256 : i32
      %get3A_1258 = arith.index_cast %add3A_1257 : i32 to index
      %get3A_1259 = arith.constant 48 : index
      %get3A_1260 = tpu.vector_load %arg6[%get3A_1258, %get3A_1259] {strides = array<i32>} : memref<768x128xf32, #tpu.memory_space<vmem>>, vector<1x16xf32>,
      %get3A_1261 = vector.shape_cast %get3A_1260 : vector<1x16xf32> to vector<16xf32>
      %mul3A_1262 = arith.mulf %get3A_1261, %get3A_15 : vector<16xf32>
      %add3A_1263 = arith.addf %add3A_1255, %mul3A_1262 : vector<16xf32>
      %add3A_1264 = arith.constant 10 : i32
      %add3A_1265 = arith.addi %mul3A_48, %add3A_1264 : i32
      %get3A_1266 = arith.index_cast %add3A_1265 : i32 to index
      %get3A_1267 = arith.constant 64 : index
      %get3A_1268 = tpu.vector_load %arg6[%get3A_1266, %get3A_1267] {strides = array<i32>} : memref<768x128xf32, #tpu.memory_space<vmem>>, vector<1x16xf32>,
      %get3A_1269 = vector.shape_cast %get3A_1268 : vector<1x16xf32> to vector<16xf32>
      %mul3A_1270 = arith.mulf %get3A_1269, %get3A_18 : vector<16xf32>
      %add3A_1271 = arith.addf %add3A_1263, %mul3A_1270 : vector<16xf32>
      %add3A_1272 = arith.constant 10 : i32
      %add3A_1273 = arith.addi %mul3A_48, %add3A_1272 : i32
      %get3A_1274 = arith.index_cast %add3A_1273 : i32 to index
      %get3A_1275 = arith.constant 80 : index
      %get3A_1276 = tpu.vector_load %arg6[%get3A_1274, %get3A_1275] {strides = array<i32>} : memref<768x128xf32, #tpu.memory_space<vmem>>, vector<1x16xf32>,
      %get3A_1277 = vector.shape_cast %get3A_1276 : vector<1x16xf32> to vector<16xf32>
      %mul3A_1278 = arith.mulf %get3A_1277, %get3A_21 : vector<16xf32>
      %add3A_1279 = arith.addf %add3A_1271, %mul3A_1278 : vector<16xf32>
      %add3A_1280 = arith.constant 10 : i32
      %add3A_1281 = arith.addi %mul3A_48, %add3A_1280 : i32
      %get3A_1282 = arith.index_cast %add3A_1281 : i32 to index
      %get3A_1283 = arith.constant 96 : index
      %get3A_1284 = tpu.vector_load %arg6[%get3A_1282, %get3A_1283] {strides = array<i32>} : memref<768x128xf32, #tpu.memory_space<vmem>>, vector<1x16xf32>,
      %get3A_1285 = vector.shape_cast %get3A_1284 : vector<1x16xf32> to vector<16xf32>
      %mul3A_1286 = arith.mulf %get3A_1285, %get3A_24 : vector<16xf32>
      %add3A_1287 = arith.addf %add3A_1279, %mul3A_1286 : vector<16xf32>
      %add3A_1288 = arith.constant 10 : i32
      %add3A_1289 = arith.addi %mul3A_48, %add3A_1288 : i32
      %get3A_1290 = arith.index_cast %add3A_1289 : i32 to index
      %get3A_1291 = arith.constant 112 : index
      %get3A_1292 = tpu.vector_load %arg6[%get3A_1290, %get3A_1291] {strides = array<i32>} : memref<768x128xf32, #tpu.memory_space<vmem>>, vector<1x16xf32>,
      %get3A_1293 = vector.shape_cast %get3A_1292 : vector<1x16xf32> to vector<16xf32>
      %mul3A_1294 = arith.mulf %get3A_1293, %get3A_27 : vector<16xf32>
      %add3A_1295 = arith.addf %add3A_1287, %mul3A_1294 : vector<16xf32>
      %lt3A_1296 = arith.constant 0 : i32
      %lt3A_1297 = vector.broadcast %lt3A_1296 : i32 to vector<16xi32>
      %lt3A_1298 = arith.cmpi slt, %xor3A_29, %lt3A_1297 : vector<16xi32>
      %add3A_1299 = arith.constant 16 : i32
      %add3A_1300 = vector.broadcast %add3A_1299 : i32 to vector<16xi32>
      %add3A_1301 = arith.addi %xor3A_29, %add3A_1300 : vector<16xi32>
      %select_n3A_1302 = arith.select %lt3A_1298, %add3A_1301, %xor3A_29 : vector<16xi1>, vector<16xi32>
      %broadcast_in_dim3A_1303 = vector.shape_cast %select_n3A_1302 : vector<16xi32> to vector<16x1xi32>
      %gather3A_1304 = vector.shape_cast %broadcast_in_dim3A_1303 : vector<16x1xi32> to vector<16xi32>
      %gather3A_1305 = tpu.dynamic_gather %add3A_1295[%gather3A_1304] in [0] : vector<16xf32>, vector<16xi32> -> vector<16xf32>
      %add3A_1306 = arith.addf %add3A_1295, %gather3A_1305 : vector<16xf32>
      %lt3A_1307 = arith.constant 0 : i32
      %lt3A_1308 = vector.broadcast %lt3A_1307 : i32 to vector<16xi32>
      %lt3A_1309 = arith.cmpi slt, %xor3A_32, %lt3A_1308 : vector<16xi32>
      %add3A_1310 = arith.constant 16 : i32
      %add3A_1311 = vector.broadcast %add3A_1310 : i32 to vector<16xi32>
      %add3A_1312 = arith.addi %xor3A_32, %add3A_1311 : vector<16xi32>
      %select_n3A_1313 = arith.select %lt3A_1309, %add3A_1312, %xor3A_32 : vector<16xi1>, vector<16xi32>
      %broadcast_in_dim3A_1314 = vector.shape_cast %select_n3A_1313 : vector<16xi32> to vector<16x1xi32>
      %gather3A_1315 = vector.shape_cast %broadcast_in_dim3A_1314 : vector<16x1xi32> to vector<16xi32>
      %gather3A_1316 = tpu.dynamic_gather %add3A_1306[%gather3A_1315] in [0] : vector<16xf32>, vector<16xi32> -> vector<16xf32>
      %add3A_1317 = arith.addf %add3A_1306, %gather3A_1316 : vector<16xf32>
      %lt3A_1318 = arith.constant 0 : i32
      %lt3A_1319 = vector.broadcast %lt3A_1318 : i32 to vector<16xi32>
      %lt3A_1320 = arith.cmpi slt, %xor3A_35, %lt3A_1319 : vector<16xi32>
      %add3A_1321 = arith.constant 16 : i32
      %add3A_1322 = vector.broadcast %add3A_1321 : i32 to vector<16xi32>
      %add3A_1323 = arith.addi %xor3A_35, %add3A_1322 : vector<16xi32>
      %select_n3A_1324 = arith.select %lt3A_1320, %add3A_1323, %xor3A_35 : vector<16xi1>, vector<16xi32>
      %broadcast_in_dim3A_1325 = vector.shape_cast %select_n3A_1324 : vector<16xi32> to vector<16x1xi32>
      %gather3A_1326 = vector.shape_cast %broadcast_in_dim3A_1325 : vector<16x1xi32> to vector<16xi32>
      %gather3A_1327 = tpu.dynamic_gather %add3A_1317[%gather3A_1326] in [0] : vector<16xf32>, vector<16xi32> -> vector<16xf32>
      %add3A_1328 = arith.addf %add3A_1317, %gather3A_1327 : vector<16xf32>
      %lt3A_1329 = arith.constant 0 : i32
      %lt3A_1330 = vector.broadcast %lt3A_1329 : i32 to vector<16xi32>
      %lt3A_1331 = arith.cmpi slt, %xor3A_38, %lt3A_1330 : vector<16xi32>
      %add3A_1332 = arith.constant 16 : i32
      %add3A_1333 = vector.broadcast %add3A_1332 : i32 to vector<16xi32>
      %add3A_1334 = arith.addi %xor3A_38, %add3A_1333 : vector<16xi32>
      %select_n3A_1335 = arith.select %lt3A_1331, %add3A_1334, %xor3A_38 : vector<16xi1>, vector<16xi32>
      %broadcast_in_dim3A_1336 = vector.shape_cast %select_n3A_1335 : vector<16xi32> to vector<16x1xi32>
      %gather3A_1337 = vector.shape_cast %broadcast_in_dim3A_1336 : vector<16x1xi32> to vector<16xi32>
      %gather3A_1338 = tpu.dynamic_gather %add3A_1328[%gather3A_1337] in [0] : vector<16xf32>, vector<16xi32> -> vector<16xf32>
      %add3A_1339 = arith.addf %add3A_1328, %gather3A_1338 : vector<16xf32>
      %eq3A_1340 = arith.constant 10 : i32
      %eq3A_1341 = vector.broadcast %eq3A_1340 : i32 to vector<16xi32>
      %eq3A_1342 = arith.cmpi eq, %iota3A, %eq3A_1341 : vector<16xi32>
      %select_n3A_1343 = arith.select %eq3A_1342, %add3A_1339, %select_n3A_1225 : vector<16xi1>, vector<16xf32>
      %add3A_1344 = arith.constant 11 : i32
      %add3A_1345 = arith.addi %mul3A_48, %add3A_1344 : i32
      %mul3A_1346 = arith.constant 128 : i32
      %mul3A_1347 = arith.muli %add3A_1345, %mul3A_1346 : i32
      %broadcast_in_dim3A_1348 = arith.constant 0.000000e+00 : f32
      %broadcast_in_dim3A_1349 = vector.broadcast %broadcast_in_dim3A_1348 : f32 to vector<16xf32>
      %add3A_1350 = arith.constant 11 : i32
      %add3A_1351 = arith.addi %mul3A_48, %add3A_1350 : i32
      %get3A_1352 = arith.index_cast %add3A_1351 : i32 to index
      %get3A_1353 = arith.constant 0 : index
      %get3A_1354 = tpu.vector_load %arg6[%get3A_1352, %get3A_1353] {strides = array<i32>} : memref<768x128xf32, #tpu.memory_space<vmem>>, vector<1x16xf32>,
      %get3A_1355 = vector.shape_cast %get3A_1354 : vector<1x16xf32> to vector<16xf32>
      %mul3A_1356 = arith.mulf %get3A_1355, %get3A_6 : vector<16xf32>
      %add3A_1357 = arith.addf %broadcast_in_dim3A_1349, %mul3A_1356 : vector<16xf32>
      %add3A_1358 = arith.constant 11 : i32
      %add3A_1359 = arith.addi %mul3A_48, %add3A_1358 : i32
      %get3A_1360 = arith.index_cast %add3A_1359 : i32 to index
      %get3A_1361 = arith.constant 16 : index
      %get3A_1362 = tpu.vector_load %arg6[%get3A_1360, %get3A_1361] {strides = array<i32>} : memref<768x128xf32, #tpu.memory_space<vmem>>, vector<1x16xf32>,
      %get3A_1363 = vector.shape_cast %get3A_1362 : vector<1x16xf32> to vector<16xf32>
      %mul3A_1364 = arith.mulf %get3A_1363, %get3A_9 : vector<16xf32>
      %add3A_1365 = arith.addf %add3A_1357, %mul3A_1364 : vector<16xf32>
      %add3A_1366 = arith.constant 11 : i32
      %add3A_1367 = arith.addi %mul3A_48, %add3A_1366 : i32
      %get3A_1368 = arith.index_cast %add3A_1367 : i32 to index
      %get3A_1369 = arith.constant 32 : index
      %get3A_1370 = tpu.vector_load %arg6[%get3A_1368, %get3A_1369] {strides = array<i32>} : memref<768x128xf32, #tpu.memory_space<vmem>>, vector<1x16xf32>,
      %get3A_1371 = vector.shape_cast %get3A_1370 : vector<1x16xf32> to vector<16xf32>
      %mul3A_1372 = arith.mulf %get3A_1371, %get3A_12 : vector<16xf32>
      %add3A_1373 = arith.addf %add3A_1365, %mul3A_1372 : vector<16xf32>
      %add3A_1374 = arith.constant 11 : i32
      %add3A_1375 = arith.addi %mul3A_48, %add3A_1374 : i32
      %get3A_1376 = arith.index_cast %add3A_1375 : i32 to index
      %get3A_1377 = arith.constant 48 : index
      %get3A_1378 = tpu.vector_load %arg6[%get3A_1376, %get3A_1377] {strides = array<i32>} : memref<768x128xf32, #tpu.memory_space<vmem>>, vector<1x16xf32>,
      %get3A_1379 = vector.shape_cast %get3A_1378 : vector<1x16xf32> to vector<16xf32>
      %mul3A_1380 = arith.mulf %get3A_1379, %get3A_15 : vector<16xf32>
      %add3A_1381 = arith.addf %add3A_1373, %mul3A_1380 : vector<16xf32>
      %add3A_1382 = arith.constant 11 : i32
      %add3A_1383 = arith.addi %mul3A_48, %add3A_1382 : i32
      %get3A_1384 = arith.index_cast %add3A_1383 : i32 to index
      %get3A_1385 = arith.constant 64 : index
      %get3A_1386 = tpu.vector_load %arg6[%get3A_1384, %get3A_1385] {strides = array<i32>} : memref<768x128xf32, #tpu.memory_space<vmem>>, vector<1x16xf32>,
      %get3A_1387 = vector.shape_cast %get3A_1386 : vector<1x16xf32> to vector<16xf32>
      %mul3A_1388 = arith.mulf %get3A_1387, %get3A_18 : vector<16xf32>
      %add3A_1389 = arith.addf %add3A_1381, %mul3A_1388 : vector<16xf32>
      %add3A_1390 = arith.constant 11 : i32
      %add3A_1391 = arith.addi %mul3A_48, %add3A_1390 : i32
      %get3A_1392 = arith.index_cast %add3A_1391 : i32 to index
      %get3A_1393 = arith.constant 80 : index
      %get3A_1394 = tpu.vector_load %arg6[%get3A_1392, %get3A_1393] {strides = array<i32>} : memref<768x128xf32, #tpu.memory_space<vmem>>, vector<1x16xf32>,
      %get3A_1395 = vector.shape_cast %get3A_1394 : vector<1x16xf32> to vector<16xf32>
      %mul3A_1396 = arith.mulf %get3A_1395, %get3A_21 : vector<16xf32>
      %add3A_1397 = arith.addf %add3A_1389, %mul3A_1396 : vector<16xf32>
      %add3A_1398 = arith.constant 11 : i32
      %add3A_1399 = arith.addi %mul3A_48, %add3A_1398 : i32
      %get3A_1400 = arith.index_cast %add3A_1399 : i32 to index
      %get3A_1401 = arith.constant 96 : index
      %get3A_1402 = tpu.vector_load %arg6[%get3A_1400, %get3A_1401] {strides = array<i32>} : memref<768x128xf32, #tpu.memory_space<vmem>>, vector<1x16xf32>,
      %get3A_1403 = vector.shape_cast %get3A_1402 : vector<1x16xf32> to vector<16xf32>
      %mul3A_1404 = arith.mulf %get3A_1403, %get3A_24 : vector<16xf32>
      %add3A_1405 = arith.addf %add3A_1397, %mul3A_1404 : vector<16xf32>
      %add3A_1406 = arith.constant 11 : i32
      %add3A_1407 = arith.addi %mul3A_48, %add3A_1406 : i32
      %get3A_1408 = arith.index_cast %add3A_1407 : i32 to index
      %get3A_1409 = arith.constant 112 : index
      %get3A_1410 = tpu.vector_load %arg6[%get3A_1408, %get3A_1409] {strides = array<i32>} : memref<768x128xf32, #tpu.memory_space<vmem>>, vector<1x16xf32>,
      %get3A_1411 = vector.shape_cast %get3A_1410 : vector<1x16xf32> to vector<16xf32>
      %mul3A_1412 = arith.mulf %get3A_1411, %get3A_27 : vector<16xf32>
      %add3A_1413 = arith.addf %add3A_1405, %mul3A_1412 : vector<16xf32>
      %lt3A_1414 = arith.constant 0 : i32
      %lt3A_1415 = vector.broadcast %lt3A_1414 : i32 to vector<16xi32>
      %lt3A_1416 = arith.cmpi slt, %xor3A_29, %lt3A_1415 : vector<16xi32>
      %add3A_1417 = arith.constant 16 : i32
      %add3A_1418 = vector.broadcast %add3A_1417 : i32 to vector<16xi32>
      %add3A_1419 = arith.addi %xor3A_29, %add3A_1418 : vector<16xi32>
      %select_n3A_1420 = arith.select %lt3A_1416, %add3A_1419, %xor3A_29 : vector<16xi1>, vector<16xi32>
      %broadcast_in_dim3A_1421 = vector.shape_cast %select_n3A_1420 : vector<16xi32> to vector<16x1xi32>
      %gather3A_1422 = vector.shape_cast %broadcast_in_dim3A_1421 : vector<16x1xi32> to vector<16xi32>
      %gather3A_1423 = tpu.dynamic_gather %add3A_1413[%gather3A_1422] in [0] : vector<16xf32>, vector<16xi32> -> vector<16xf32>
      %add3A_1424 = arith.addf %add3A_1413, %gather3A_1423 : vector<16xf32>
      %lt3A_1425 = arith.constant 0 : i32
      %lt3A_1426 = vector.broadcast %lt3A_1425 : i32 to vector<16xi32>
      %lt3A_1427 = arith.cmpi slt, %xor3A_32, %lt3A_1426 : vector<16xi32>
      %add3A_1428 = arith.constant 16 : i32
      %add3A_1429 = vector.broadcast %add3A_1428 : i32 to vector<16xi32>
      %add3A_1430 = arith.addi %xor3A_32, %add3A_1429 : vector<16xi32>
      %select_n3A_1431 = arith.select %lt3A_1427, %add3A_1430, %xor3A_32 : vector<16xi1>, vector<16xi32>
      %broadcast_in_dim3A_1432 = vector.shape_cast %select_n3A_1431 : vector<16xi32> to vector<16x1xi32>
      %gather3A_1433 = vector.shape_cast %broadcast_in_dim3A_1432 : vector<16x1xi32> to vector<16xi32>
      %gather3A_1434 = tpu.dynamic_gather %add3A_1424[%gather3A_1433] in [0] : vector<16xf32>, vector<16xi32> -> vector<16xf32>
      %add3A_1435 = arith.addf %add3A_1424, %gather3A_1434 : vector<16xf32>
      %lt3A_1436 = arith.constant 0 : i32
      %lt3A_1437 = vector.broadcast %lt3A_1436 : i32 to vector<16xi32>
      %lt3A_1438 = arith.cmpi slt, %xor3A_35, %lt3A_1437 : vector<16xi32>
      %add3A_1439 = arith.constant 16 : i32
      %add3A_1440 = vector.broadcast %add3A_1439 : i32 to vector<16xi32>
      %add3A_1441 = arith.addi %xor3A_35, %add3A_1440 : vector<16xi32>
      %select_n3A_1442 = arith.select %lt3A_1438, %add3A_1441, %xor3A_35 : vector<16xi1>, vector<16xi32>
      %broadcast_in_dim3A_1443 = vector.shape_cast %select_n3A_1442 : vector<16xi32> to vector<16x1xi32>
      %gather3A_1444 = vector.shape_cast %broadcast_in_dim3A_1443 : vector<16x1xi32> to vector<16xi32>
      %gather3A_1445 = tpu.dynamic_gather %add3A_1435[%gather3A_1444] in [0] : vector<16xf32>, vector<16xi32> -> vector<16xf32>
      %add3A_1446 = arith.addf %add3A_1435, %gather3A_1445 : vector<16xf32>
      %lt3A_1447 = arith.constant 0 : i32
      %lt3A_1448 = vector.broadcast %lt3A_1447 : i32 to vector<16xi32>
      %lt3A_1449 = arith.cmpi slt, %xor3A_38, %lt3A_1448 : vector<16xi32>
      %add3A_1450 = arith.constant 16 : i32
      %add3A_1451 = vector.broadcast %add3A_1450 : i32 to vector<16xi32>
      %add3A_1452 = arith.addi %xor3A_38, %add3A_1451 : vector<16xi32>
      %select_n3A_1453 = arith.select %lt3A_1449, %add3A_1452, %xor3A_38 : vector<16xi1>, vector<16xi32>
      %broadcast_in_dim3A_1454 = vector.shape_cast %select_n3A_1453 : vector<16xi32> to vector<16x1xi32>
      %gather3A_1455 = vector.shape_cast %broadcast_in_dim3A_1454 : vector<16x1xi32> to vector<16xi32>
      %gather3A_1456 = tpu.dynamic_gather %add3A_1446[%gather3A_1455] in [0] : vector<16xf32>, vector<16xi32> -> vector<16xf32>
      %add3A_1457 = arith.addf %add3A_1446, %gather3A_1456 : vector<16xf32>
      %eq3A_1458 = arith.constant 11 : i32
      %eq3A_1459 = vector.broadcast %eq3A_1458 : i32 to vector<16xi32>
      %eq3A_1460 = arith.cmpi eq, %iota3A, %eq3A_1459 : vector<16xi32>
      %select_n3A_1461 = arith.select %eq3A_1460, %add3A_1457, %select_n3A_1343 : vector<16xi1>, vector<16xf32>
      %add3A_1462 = arith.constant 12 : i32
      %add3A_1463 = arith.addi %mul3A_48, %add3A_1462 : i32
      %mul3A_1464 = arith.constant 128 : i32
      %mul3A_1465 = arith.muli %add3A_1463, %mul3A_1464 : i32
      %broadcast_in_dim3A_1466 = arith.constant 0.000000e+00 : f32
      %broadcast_in_dim3A_1467 = vector.broadcast %broadcast_in_dim3A_1466 : f32 to vector<16xf32>
      %add3A_1468 = arith.constant 12 : i32
      %add3A_1469 = arith.addi %mul3A_48, %add3A_1468 : i32
      %get3A_1470 = arith.index_cast %add3A_1469 : i32 to index
      %get3A_1471 = arith.constant 0 : index
      %get3A_1472 = tpu.vector_load %arg6[%get3A_1470, %get3A_1471] {strides = array<i32>} : memref<768x128xf32, #tpu.memory_space<vmem>>, vector<1x16xf32>,
      %get3A_1473 = vector.shape_cast %get3A_1472 : vector<1x16xf32> to vector<16xf32>
      %mul3A_1474 = arith.mulf %get3A_1473, %get3A_6 : vector<16xf32>
      %add3A_1475 = arith.addf %broadcast_in_dim3A_1467, %mul3A_1474 : vector<16xf32>
      %add3A_1476 = arith.constant 12 : i32
      %add3A_1477 = arith.addi %mul3A_48, %add3A_1476 : i32
      %get3A_1478 = arith.index_cast %add3A_1477 : i32 to index
      %get3A_1479 = arith.constant 16 : index
      %get3A_1480 = tpu.vector_load %arg6[%get3A_1478, %get3A_1479] {strides = array<i32>} : memref<768x128xf32, #tpu.memory_space<vmem>>, vector<1x16xf32>,
      %get3A_1481 = vector.shape_cast %get3A_1480 : vector<1x16xf32> to vector<16xf32>
      %mul3A_1482 = arith.mulf %get3A_1481, %get3A_9 : vector<16xf32>
      %add3A_1483 = arith.addf %add3A_1475, %mul3A_1482 : vector<16xf32>
      %add3A_1484 = arith.constant 12 : i32
      %add3A_1485 = arith.addi %mul3A_48, %add3A_1484 : i32
      %get3A_1486 = arith.index_cast %add3A_1485 : i32 to index
      %get3A_1487 = arith.constant 32 : index
      %get3A_1488 = tpu.vector_load %arg6[%get3A_1486, %get3A_1487] {strides = array<i32>} : memref<768x128xf32, #tpu.memory_space<vmem>>, vector<1x16xf32>,
      %get3A_1489 = vector.shape_cast %get3A_1488 : vector<1x16xf32> to vector<16xf32>
      %mul3A_1490 = arith.mulf %get3A_1489, %get3A_12 : vector<16xf32>
      %add3A_1491 = arith.addf %add3A_1483, %mul3A_1490 : vector<16xf32>
      %add3A_1492 = arith.constant 12 : i32
      %add3A_1493 = arith.addi %mul3A_48, %add3A_1492 : i32
      %get3A_1494 = arith.index_cast %add3A_1493 : i32 to index
      %get3A_1495 = arith.constant 48 : index
      %get3A_1496 = tpu.vector_load %arg6[%get3A_1494, %get3A_1495] {strides = array<i32>} : memref<768x128xf32, #tpu.memory_space<vmem>>, vector<1x16xf32>,
      %get3A_1497 = vector.shape_cast %get3A_1496 : vector<1x16xf32> to vector<16xf32>
      %mul3A_1498 = arith.mulf %get3A_1497, %get3A_15 : vector<16xf32>
      %add3A_1499 = arith.addf %add3A_1491, %mul3A_1498 : vector<16xf32>
      %add3A_1500 = arith.constant 12 : i32
      %add3A_1501 = arith.addi %mul3A_48, %add3A_1500 : i32
      %get3A_1502 = arith.index_cast %add3A_1501 : i32 to index
      %get3A_1503 = arith.constant 64 : index
      %get3A_1504 = tpu.vector_load %arg6[%get3A_1502, %get3A_1503] {strides = array<i32>} : memref<768x128xf32, #tpu.memory_space<vmem>>, vector<1x16xf32>,
      %get3A_1505 = vector.shape_cast %get3A_1504 : vector<1x16xf32> to vector<16xf32>
      %mul3A_1506 = arith.mulf %get3A_1505, %get3A_18 : vector<16xf32>
      %add3A_1507 = arith.addf %add3A_1499, %mul3A_1506 : vector<16xf32>
      %add3A_1508 = arith.constant 12 : i32
      %add3A_1509 = arith.addi %mul3A_48, %add3A_1508 : i32
      %get3A_1510 = arith.index_cast %add3A_1509 : i32 to index
      %get3A_1511 = arith.constant 80 : index
      %get3A_1512 = tpu.vector_load %arg6[%get3A_1510, %get3A_1511] {strides = array<i32>} : memref<768x128xf32, #tpu.memory_space<vmem>>, vector<1x16xf32>,
      %get3A_1513 = vector.shape_cast %get3A_1512 : vector<1x16xf32> to vector<16xf32>
      %mul3A_1514 = arith.mulf %get3A_1513, %get3A_21 : vector<16xf32>
      %add3A_1515 = arith.addf %add3A_1507, %mul3A_1514 : vector<16xf32>
      %add3A_1516 = arith.constant 12 : i32
      %add3A_1517 = arith.addi %mul3A_48, %add3A_1516 : i32
      %get3A_1518 = arith.index_cast %add3A_1517 : i32 to index
      %get3A_1519 = arith.constant 96 : index
      %get3A_1520 = tpu.vector_load %arg6[%get3A_1518, %get3A_1519] {strides = array<i32>} : memref<768x128xf32, #tpu.memory_space<vmem>>, vector<1x16xf32>,
      %get3A_1521 = vector.shape_cast %get3A_1520 : vector<1x16xf32> to vector<16xf32>
      %mul3A_1522 = arith.mulf %get3A_1521, %get3A_24 : vector<16xf32>
      %add3A_1523 = arith.addf %add3A_1515, %mul3A_1522 : vector<16xf32>
      %add3A_1524 = arith.constant 12 : i32
      %add3A_1525 = arith.addi %mul3A_48, %add3A_1524 : i32
      %get3A_1526 = arith.index_cast %add3A_1525 : i32 to index
      %get3A_1527 = arith.constant 112 : index
      %get3A_1528 = tpu.vector_load %arg6[%get3A_1526, %get3A_1527] {strides = array<i32>} : memref<768x128xf32, #tpu.memory_space<vmem>>, vector<1x16xf32>,
      %get3A_1529 = vector.shape_cast %get3A_1528 : vector<1x16xf32> to vector<16xf32>
      %mul3A_1530 = arith.mulf %get3A_1529, %get3A_27 : vector<16xf32>
      %add3A_1531 = arith.addf %add3A_1523, %mul3A_1530 : vector<16xf32>
      %lt3A_1532 = arith.constant 0 : i32
      %lt3A_1533 = vector.broadcast %lt3A_1532 : i32 to vector<16xi32>
      %lt3A_1534 = arith.cmpi slt, %xor3A_29, %lt3A_1533 : vector<16xi32>
      %add3A_1535 = arith.constant 16 : i32
      %add3A_1536 = vector.broadcast %add3A_1535 : i32 to vector<16xi32>
      %add3A_1537 = arith.addi %xor3A_29, %add3A_1536 : vector<16xi32>
      %select_n3A_1538 = arith.select %lt3A_1534, %add3A_1537, %xor3A_29 : vector<16xi1>, vector<16xi32>
      %broadcast_in_dim3A_1539 = vector.shape_cast %select_n3A_1538 : vector<16xi32> to vector<16x1xi32>
      %gather3A_1540 = vector.shape_cast %broadcast_in_dim3A_1539 : vector<16x1xi32> to vector<16xi32>
      %gather3A_1541 = tpu.dynamic_gather %add3A_1531[%gather3A_1540] in [0] : vector<16xf32>, vector<16xi32> -> vector<16xf32>
      %add3A_1542 = arith.addf %add3A_1531, %gather3A_1541 : vector<16xf32>
      %lt3A_1543 = arith.constant 0 : i32
      %lt3A_1544 = vector.broadcast %lt3A_1543 : i32 to vector<16xi32>
      %lt3A_1545 = arith.cmpi slt, %xor3A_32, %lt3A_1544 : vector<16xi32>
      %add3A_1546 = arith.constant 16 : i32
      %add3A_1547 = vector.broadcast %add3A_1546 : i32 to vector<16xi32>
      %add3A_1548 = arith.addi %xor3A_32, %add3A_1547 : vector<16xi32>
      %select_n3A_1549 = arith.select %lt3A_1545, %add3A_1548, %xor3A_32 : vector<16xi1>, vector<16xi32>
      %broadcast_in_dim3A_1550 = vector.shape_cast %select_n3A_1549 : vector<16xi32> to vector<16x1xi32>
      %gather3A_1551 = vector.shape_cast %broadcast_in_dim3A_1550 : vector<16x1xi32> to vector<16xi32>
      %gather3A_1552 = tpu.dynamic_gather %add3A_1542[%gather3A_1551] in [0] : vector<16xf32>, vector<16xi32> -> vector<16xf32>
      %add3A_1553 = arith.addf %add3A_1542, %gather3A_1552 : vector<16xf32>
      %lt3A_1554 = arith.constant 0 : i32
      %lt3A_1555 = vector.broadcast %lt3A_1554 : i32 to vector<16xi32>
      %lt3A_1556 = arith.cmpi slt, %xor3A_35, %lt3A_1555 : vector<16xi32>
      %add3A_1557 = arith.constant 16 : i32
      %add3A_1558 = vector.broadcast %add3A_1557 : i32 to vector<16xi32>
      %add3A_1559 = arith.addi %xor3A_35, %add3A_1558 : vector<16xi32>
      %select_n3A_1560 = arith.select %lt3A_1556, %add3A_1559, %xor3A_35 : vector<16xi1>, vector<16xi32>
      %broadcast_in_dim3A_1561 = vector.shape_cast %select_n3A_1560 : vector<16xi32> to vector<16x1xi32>
      %gather3A_1562 = vector.shape_cast %broadcast_in_dim3A_1561 : vector<16x1xi32> to vector<16xi32>
      %gather3A_1563 = tpu.dynamic_gather %add3A_1553[%gather3A_1562] in [0] : vector<16xf32>, vector<16xi32> -> vector<16xf32>
      %add3A_1564 = arith.addf %add3A_1553, %gather3A_1563 : vector<16xf32>
      %lt3A_1565 = arith.constant 0 : i32
      %lt3A_1566 = vector.broadcast %lt3A_1565 : i32 to vector<16xi32>
      %lt3A_1567 = arith.cmpi slt, %xor3A_38, %lt3A_1566 : vector<16xi32>
      %add3A_1568 = arith.constant 16 : i32
      %add3A_1569 = vector.broadcast %add3A_1568 : i32 to vector<16xi32>
      %add3A_1570 = arith.addi %xor3A_38, %add3A_1569 : vector<16xi32>
      %select_n3A_1571 = arith.select %lt3A_1567, %add3A_1570, %xor3A_38 : vector<16xi1>, vector<16xi32>
      %broadcast_in_dim3A_1572 = vector.shape_cast %select_n3A_1571 : vector<16xi32> to vector<16x1xi32>
      %gather3A_1573 = vector.shape_cast %broadcast_in_dim3A_1572 : vector<16x1xi32> to vector<16xi32>
      %gather3A_1574 = tpu.dynamic_gather %add3A_1564[%gather3A_1573] in [0] : vector<16xf32>, vector<16xi32> -> vector<16xf32>
      %add3A_1575 = arith.addf %add3A_1564, %gather3A_1574 : vector<16xf32>
      %eq3A_1576 = arith.constant 12 : i32
      %eq3A_1577 = vector.broadcast %eq3A_1576 : i32 to vector<16xi32>
      %eq3A_1578 = arith.cmpi eq, %iota3A, %eq3A_1577 : vector<16xi32>
      %select_n3A_1579 = arith.select %eq3A_1578, %add3A_1575, %select_n3A_1461 : vector<16xi1>, vector<16xf32>
      %add3A_1580 = arith.constant 13 : i32
      %add3A_1581 = arith.addi %mul3A_48, %add3A_1580 : i32
      %mul3A_1582 = arith.constant 128 : i32
      %mul3A_1583 = arith.muli %add3A_1581, %mul3A_1582 : i32
      %broadcast_in_dim3A_1584 = arith.constant 0.000000e+00 : f32
      %broadcast_in_dim3A_1585 = vector.broadcast %broadcast_in_dim3A_1584 : f32 to vector<16xf32>
      %add3A_1586 = arith.constant 13 : i32
      %add3A_1587 = arith.addi %mul3A_48, %add3A_1586 : i32
      %get3A_1588 = arith.index_cast %add3A_1587 : i32 to index
      %get3A_1589 = arith.constant 0 : index
      %get3A_1590 = tpu.vector_load %arg6[%get3A_1588, %get3A_1589] {strides = array<i32>} : memref<768x128xf32, #tpu.memory_space<vmem>>, vector<1x16xf32>,
      %get3A_1591 = vector.shape_cast %get3A_1590 : vector<1x16xf32> to vector<16xf32>
      %mul3A_1592 = arith.mulf %get3A_1591, %get3A_6 : vector<16xf32>
      %add3A_1593 = arith.addf %broadcast_in_dim3A_1585, %mul3A_1592 : vector<16xf32>
      %add3A_1594 = arith.constant 13 : i32
      %add3A_1595 = arith.addi %mul3A_48, %add3A_1594 : i32
      %get3A_1596 = arith.index_cast %add3A_1595 : i32 to index
      %get3A_1597 = arith.constant 16 : index
      %get3A_1598 = tpu.vector_load %arg6[%get3A_1596, %get3A_1597] {strides = array<i32>} : memref<768x128xf32, #tpu.memory_space<vmem>>, vector<1x16xf32>,
      %get3A_1599 = vector.shape_cast %get3A_1598 : vector<1x16xf32> to vector<16xf32>
      %mul3A_1600 = arith.mulf %get3A_1599, %get3A_9 : vector<16xf32>
      %add3A_1601 = arith.addf %add3A_1593, %mul3A_1600 : vector<16xf32>
      %add3A_1602 = arith.constant 13 : i32
      %add3A_1603 = arith.addi %mul3A_48, %add3A_1602 : i32
      %get3A_1604 = arith.index_cast %add3A_1603 : i32 to index
      %get3A_1605 = arith.constant 32 : index
      %get3A_1606 = tpu.vector_load %arg6[%get3A_1604, %get3A_1605] {strides = array<i32>} : memref<768x128xf32, #tpu.memory_space<vmem>>, vector<1x16xf32>,
      %get3A_1607 = vector.shape_cast %get3A_1606 : vector<1x16xf32> to vector<16xf32>
      %mul3A_1608 = arith.mulf %get3A_1607, %get3A_12 : vector<16xf32>
      %add3A_1609 = arith.addf %add3A_1601, %mul3A_1608 : vector<16xf32>
      %add3A_1610 = arith.constant 13 : i32
      %add3A_1611 = arith.addi %mul3A_48, %add3A_1610 : i32
      %get3A_1612 = arith.index_cast %add3A_1611 : i32 to index
      %get3A_1613 = arith.constant 48 : index
      %get3A_1614 = tpu.vector_load %arg6[%get3A_1612, %get3A_1613] {strides = array<i32>} : memref<768x128xf32, #tpu.memory_space<vmem>>, vector<1x16xf32>,
      %get3A_1615 = vector.shape_cast %get3A_1614 : vector<1x16xf32> to vector<16xf32>
      %mul3A_1616 = arith.mulf %get3A_1615, %get3A_15 : vector<16xf32>
      %add3A_1617 = arith.addf %add3A_1609, %mul3A_1616 : vector<16xf32>
      %add3A_1618 = arith.constant 13 : i32
      %add3A_1619 = arith.addi %mul3A_48, %add3A_1618 : i32
      %get3A_1620 = arith.index_cast %add3A_1619 : i32 to index
      %get3A_1621 = arith.constant 64 : index
      %get3A_1622 = tpu.vector_load %arg6[%get3A_1620, %get3A_1621] {strides = array<i32>} : memref<768x128xf32, #tpu.memory_space<vmem>>, vector<1x16xf32>,
      %get3A_1623 = vector.shape_cast %get3A_1622 : vector<1x16xf32> to vector<16xf32>
      %mul3A_1624 = arith.mulf %get3A_1623, %get3A_18 : vector<16xf32>
      %add3A_1625 = arith.addf %add3A_1617, %mul3A_1624 : vector<16xf32>
      %add3A_1626 = arith.constant 13 : i32
      %add3A_1627 = arith.addi %mul3A_48, %add3A_1626 : i32
      %get3A_1628 = arith.index_cast %add3A_1627 : i32 to index
      %get3A_1629 = arith.constant 80 : index
      %get3A_1630 = tpu.vector_load %arg6[%get3A_1628, %get3A_1629] {strides = array<i32>} : memref<768x128xf32, #tpu.memory_space<vmem>>, vector<1x16xf32>,
      %get3A_1631 = vector.shape_cast %get3A_1630 : vector<1x16xf32> to vector<16xf32>
      %mul3A_1632 = arith.mulf %get3A_1631, %get3A_21 : vector<16xf32>
      %add3A_1633 = arith.addf %add3A_1625, %mul3A_1632 : vector<16xf32>
      %add3A_1634 = arith.constant 13 : i32
      %add3A_1635 = arith.addi %mul3A_48, %add3A_1634 : i32
      %get3A_1636 = arith.index_cast %add3A_1635 : i32 to index
      %get3A_1637 = arith.constant 96 : index
      %get3A_1638 = tpu.vector_load %arg6[%get3A_1636, %get3A_1637] {strides = array<i32>} : memref<768x128xf32, #tpu.memory_space<vmem>>, vector<1x16xf32>,
      %get3A_1639 = vector.shape_cast %get3A_1638 : vector<1x16xf32> to vector<16xf32>
      %mul3A_1640 = arith.mulf %get3A_1639, %get3A_24 : vector<16xf32>
      %add3A_1641 = arith.addf %add3A_1633, %mul3A_1640 : vector<16xf32>
      %add3A_1642 = arith.constant 13 : i32
      %add3A_1643 = arith.addi %mul3A_48, %add3A_1642 : i32
      %get3A_1644 = arith.index_cast %add3A_1643 : i32 to index
      %get3A_1645 = arith.constant 112 : index
      %get3A_1646 = tpu.vector_load %arg6[%get3A_1644, %get3A_1645] {strides = array<i32>} : memref<768x128xf32, #tpu.memory_space<vmem>>, vector<1x16xf32>,
      %get3A_1647 = vector.shape_cast %get3A_1646 : vector<1x16xf32> to vector<16xf32>
      %mul3A_1648 = arith.mulf %get3A_1647, %get3A_27 : vector<16xf32>
      %add3A_1649 = arith.addf %add3A_1641, %mul3A_1648 : vector<16xf32>
      %lt3A_1650 = arith.constant 0 : i32
      %lt3A_1651 = vector.broadcast %lt3A_1650 : i32 to vector<16xi32>
      %lt3A_1652 = arith.cmpi slt, %xor3A_29, %lt3A_1651 : vector<16xi32>
      %add3A_1653 = arith.constant 16 : i32
      %add3A_1654 = vector.broadcast %add3A_1653 : i32 to vector<16xi32>
      %add3A_1655 = arith.addi %xor3A_29, %add3A_1654 : vector<16xi32>
      %select_n3A_1656 = arith.select %lt3A_1652, %add3A_1655, %xor3A_29 : vector<16xi1>, vector<16xi32>
      %broadcast_in_dim3A_1657 = vector.shape_cast %select_n3A_1656 : vector<16xi32> to vector<16x1xi32>
      %gather3A_1658 = vector.shape_cast %broadcast_in_dim3A_1657 : vector<16x1xi32> to vector<16xi32>
      %gather3A_1659 = tpu.dynamic_gather %add3A_1649[%gather3A_1658] in [0] : vector<16xf32>, vector<16xi32> -> vector<16xf32>
      %add3A_1660 = arith.addf %add3A_1649, %gather3A_1659 : vector<16xf32>
      %lt3A_1661 = arith.constant 0 : i32
      %lt3A_1662 = vector.broadcast %lt3A_1661 : i32 to vector<16xi32>
      %lt3A_1663 = arith.cmpi slt, %xor3A_32, %lt3A_1662 : vector<16xi32>
      %add3A_1664 = arith.constant 16 : i32
      %add3A_1665 = vector.broadcast %add3A_1664 : i32 to vector<16xi32>
      %add3A_1666 = arith.addi %xor3A_32, %add3A_1665 : vector<16xi32>
      %select_n3A_1667 = arith.select %lt3A_1663, %add3A_1666, %xor3A_32 : vector<16xi1>, vector<16xi32>
      %broadcast_in_dim3A_1668 = vector.shape_cast %select_n3A_1667 : vector<16xi32> to vector<16x1xi32>
      %gather3A_1669 = vector.shape_cast %broadcast_in_dim3A_1668 : vector<16x1xi32> to vector<16xi32>
      %gather3A_1670 = tpu.dynamic_gather %add3A_1660[%gather3A_1669] in [0] : vector<16xf32>, vector<16xi32> -> vector<16xf32>
      %add3A_1671 = arith.addf %add3A_1660, %gather3A_1670 : vector<16xf32>
      %lt3A_1672 = arith.constant 0 : i32
      %lt3A_1673 = vector.broadcast %lt3A_1672 : i32 to vector<16xi32>
      %lt3A_1674 = arith.cmpi slt, %xor3A_35, %lt3A_1673 : vector<16xi32>
      %add3A_1675 = arith.constant 16 : i32
      %add3A_1676 = vector.broadcast %add3A_1675 : i32 to vector<16xi32>
      %add3A_1677 = arith.addi %xor3A_35, %add3A_1676 : vector<16xi32>
      %select_n3A_1678 = arith.select %lt3A_1674, %add3A_1677, %xor3A_35 : vector<16xi1>, vector<16xi32>
      %broadcast_in_dim3A_1679 = vector.shape_cast %select_n3A_1678 : vector<16xi32> to vector<16x1xi32>
      %gather3A_1680 = vector.shape_cast %broadcast_in_dim3A_1679 : vector<16x1xi32> to vector<16xi32>
      %gather3A_1681 = tpu.dynamic_gather %add3A_1671[%gather3A_1680] in [0] : vector<16xf32>, vector<16xi32> -> vector<16xf32>
      %add3A_1682 = arith.addf %add3A_1671, %gather3A_1681 : vector<16xf32>
      %lt3A_1683 = arith.constant 0 : i32
      %lt3A_1684 = vector.broadcast %lt3A_1683 : i32 to vector<16xi32>
      %lt3A_1685 = arith.cmpi slt, %xor3A_38, %lt3A_1684 : vector<16xi32>
      %add3A_1686 = arith.constant 16 : i32
      %add3A_1687 = vector.broadcast %add3A_1686 : i32 to vector<16xi32>
      %add3A_1688 = arith.addi %xor3A_38, %add3A_1687 : vector<16xi32>
      %select_n3A_1689 = arith.select %lt3A_1685, %add3A_1688, %xor3A_38 : vector<16xi1>, vector<16xi32>
      %broadcast_in_dim3A_1690 = vector.shape_cast %select_n3A_1689 : vector<16xi32> to vector<16x1xi32>
      %gather3A_1691 = vector.shape_cast %broadcast_in_dim3A_1690 : vector<16x1xi32> to vector<16xi32>
      %gather3A_1692 = tpu.dynamic_gather %add3A_1682[%gather3A_1691] in [0] : vector<16xf32>, vector<16xi32> -> vector<16xf32>
      %add3A_1693 = arith.addf %add3A_1682, %gather3A_1692 : vector<16xf32>
      %eq3A_1694 = arith.constant 13 : i32
      %eq3A_1695 = vector.broadcast %eq3A_1694 : i32 to vector<16xi32>
      %eq3A_1696 = arith.cmpi eq, %iota3A, %eq3A_1695 : vector<16xi32>
      %select_n3A_1697 = arith.select %eq3A_1696, %add3A_1693, %select_n3A_1579 : vector<16xi1>, vector<16xf32>
      %add3A_1698 = arith.constant 14 : i32
      %add3A_1699 = arith.addi %mul3A_48, %add3A_1698 : i32
      %mul3A_1700 = arith.constant 128 : i32
      %mul3A_1701 = arith.muli %add3A_1699, %mul3A_1700 : i32
      %broadcast_in_dim3A_1702 = arith.constant 0.000000e+00 : f32
      %broadcast_in_dim3A_1703 = vector.broadcast %broadcast_in_dim3A_1702 : f32 to vector<16xf32>
      %add3A_1704 = arith.constant 14 : i32
      %add3A_1705 = arith.addi %mul3A_48, %add3A_1704 : i32
      %get3A_1706 = arith.index_cast %add3A_1705 : i32 to index
      %get3A_1707 = arith.constant 0 : index
      %get3A_1708 = tpu.vector_load %arg6[%get3A_1706, %get3A_1707] {strides = array<i32>} : memref<768x128xf32, #tpu.memory_space<vmem>>, vector<1x16xf32>,
      %get3A_1709 = vector.shape_cast %get3A_1708 : vector<1x16xf32> to vector<16xf32>
      %mul3A_1710 = arith.mulf %get3A_1709, %get3A_6 : vector<16xf32>
      %add3A_1711 = arith.addf %broadcast_in_dim3A_1703, %mul3A_1710 : vector<16xf32>
      %add3A_1712 = arith.constant 14 : i32
      %add3A_1713 = arith.addi %mul3A_48, %add3A_1712 : i32
      %get3A_1714 = arith.index_cast %add3A_1713 : i32 to index
      %get3A_1715 = arith.constant 16 : index
      %get3A_1716 = tpu.vector_load %arg6[%get3A_1714, %get3A_1715] {strides = array<i32>} : memref<768x128xf32, #tpu.memory_space<vmem>>, vector<1x16xf32>,
      %get3A_1717 = vector.shape_cast %get3A_1716 : vector<1x16xf32> to vector<16xf32>
      %mul3A_1718 = arith.mulf %get3A_1717, %get3A_9 : vector<16xf32>
      %add3A_1719 = arith.addf %add3A_1711, %mul3A_1718 : vector<16xf32>
      %add3A_1720 = arith.constant 14 : i32
      %add3A_1721 = arith.addi %mul3A_48, %add3A_1720 : i32
      %get3A_1722 = arith.index_cast %add3A_1721 : i32 to index
      %get3A_1723 = arith.constant 32 : index
      %get3A_1724 = tpu.vector_load %arg6[%get3A_1722, %get3A_1723] {strides = array<i32>} : memref<768x128xf32, #tpu.memory_space<vmem>>, vector<1x16xf32>,
      %get3A_1725 = vector.shape_cast %get3A_1724 : vector<1x16xf32> to vector<16xf32>
      %mul3A_1726 = arith.mulf %get3A_1725, %get3A_12 : vector<16xf32>
      %add3A_1727 = arith.addf %add3A_1719, %mul3A_1726 : vector<16xf32>
      %add3A_1728 = arith.constant 14 : i32
      %add3A_1729 = arith.addi %mul3A_48, %add3A_1728 : i32
      %get3A_1730 = arith.index_cast %add3A_1729 : i32 to index
      %get3A_1731 = arith.constant 48 : index
      %get3A_1732 = tpu.vector_load %arg6[%get3A_1730, %get3A_1731] {strides = array<i32>} : memref<768x128xf32, #tpu.memory_space<vmem>>, vector<1x16xf32>,
      %get3A_1733 = vector.shape_cast %get3A_1732 : vector<1x16xf32> to vector<16xf32>
      %mul3A_1734 = arith.mulf %get3A_1733, %get3A_15 : vector<16xf32>
      %add3A_1735 = arith.addf %add3A_1727, %mul3A_1734 : vector<16xf32>
      %add3A_1736 = arith.constant 14 : i32
      %add3A_1737 = arith.addi %mul3A_48, %add3A_1736 : i32
      %get3A_1738 = arith.index_cast %add3A_1737 : i32 to index
      %get3A_1739 = arith.constant 64 : index
      %get3A_1740 = tpu.vector_load %arg6[%get3A_1738, %get3A_1739] {strides = array<i32>} : memref<768x128xf32, #tpu.memory_space<vmem>>, vector<1x16xf32>,
      %get3A_1741 = vector.shape_cast %get3A_1740 : vector<1x16xf32> to vector<16xf32>
      %mul3A_1742 = arith.mulf %get3A_1741, %get3A_18 : vector<16xf32>
      %add3A_1743 = arith.addf %add3A_1735, %mul3A_1742 : vector<16xf32>
      %add3A_1744 = arith.constant 14 : i32
      %add3A_1745 = arith.addi %mul3A_48, %add3A_1744 : i32
      %get3A_1746 = arith.index_cast %add3A_1745 : i32 to index
      %get3A_1747 = arith.constant 80 : index
      %get3A_1748 = tpu.vector_load %arg6[%get3A_1746, %get3A_1747] {strides = array<i32>} : memref<768x128xf32, #tpu.memory_space<vmem>>, vector<1x16xf32>,
      %get3A_1749 = vector.shape_cast %get3A_1748 : vector<1x16xf32> to vector<16xf32>
      %mul3A_1750 = arith.mulf %get3A_1749, %get3A_21 : vector<16xf32>
      %add3A_1751 = arith.addf %add3A_1743, %mul3A_1750 : vector<16xf32>
      %add3A_1752 = arith.constant 14 : i32
      %add3A_1753 = arith.addi %mul3A_48, %add3A_1752 : i32
      %get3A_1754 = arith.index_cast %add3A_1753 : i32 to index
      %get3A_1755 = arith.constant 96 : index
      %get3A_1756 = tpu.vector_load %arg6[%get3A_1754, %get3A_1755] {strides = array<i32>} : memref<768x128xf32, #tpu.memory_space<vmem>>, vector<1x16xf32>,
      %get3A_1757 = vector.shape_cast %get3A_1756 : vector<1x16xf32> to vector<16xf32>
      %mul3A_1758 = arith.mulf %get3A_1757, %get3A_24 : vector<16xf32>
      %add3A_1759 = arith.addf %add3A_1751, %mul3A_1758 : vector<16xf32>
      %add3A_1760 = arith.constant 14 : i32
      %add3A_1761 = arith.addi %mul3A_48, %add3A_1760 : i32
      %get3A_1762 = arith.index_cast %add3A_1761 : i32 to index
      %get3A_1763 = arith.constant 112 : index
      %get3A_1764 = tpu.vector_load %arg6[%get3A_1762, %get3A_1763] {strides = array<i32>} : memref<768x128xf32, #tpu.memory_space<vmem>>, vector<1x16xf32>,
      %get3A_1765 = vector.shape_cast %get3A_1764 : vector<1x16xf32> to vector<16xf32>
      %mul3A_1766 = arith.mulf %get3A_1765, %get3A_27 : vector<16xf32>
      %add3A_1767 = arith.addf %add3A_1759, %mul3A_1766 : vector<16xf32>
      %lt3A_1768 = arith.constant 0 : i32
      %lt3A_1769 = vector.broadcast %lt3A_1768 : i32 to vector<16xi32>
      %lt3A_1770 = arith.cmpi slt, %xor3A_29, %lt3A_1769 : vector<16xi32>
      %add3A_1771 = arith.constant 16 : i32
      %add3A_1772 = vector.broadcast %add3A_1771 : i32 to vector<16xi32>
      %add3A_1773 = arith.addi %xor3A_29, %add3A_1772 : vector<16xi32>
      %select_n3A_1774 = arith.select %lt3A_1770, %add3A_1773, %xor3A_29 : vector<16xi1>, vector<16xi32>
      %broadcast_in_dim3A_1775 = vector.shape_cast %select_n3A_1774 : vector<16xi32> to vector<16x1xi32>
      %gather3A_1776 = vector.shape_cast %broadcast_in_dim3A_1775 : vector<16x1xi32> to vector<16xi32>
      %gather3A_1777 = tpu.dynamic_gather %add3A_1767[%gather3A_1776] in [0] : vector<16xf32>, vector<16xi32> -> vector<16xf32>
      %add3A_1778 = arith.addf %add3A_1767, %gather3A_1777 : vector<16xf32>
      %lt3A_1779 = arith.constant 0 : i32
      %lt3A_1780 = vector.broadcast %lt3A_1779 : i32 to vector<16xi32>
      %lt3A_1781 = arith.cmpi slt, %xor3A_32, %lt3A_1780 : vector<16xi32>
      %add3A_1782 = arith.constant 16 : i32
      %add3A_1783 = vector.broadcast %add3A_1782 : i32 to vector<16xi32>
      %add3A_1784 = arith.addi %xor3A_32, %add3A_1783 : vector<16xi32>
      %select_n3A_1785 = arith.select %lt3A_1781, %add3A_1784, %xor3A_32 : vector<16xi1>, vector<16xi32>
      %broadcast_in_dim3A_1786 = vector.shape_cast %select_n3A_1785 : vector<16xi32> to vector<16x1xi32>
      %gather3A_1787 = vector.shape_cast %broadcast_in_dim3A_1786 : vector<16x1xi32> to vector<16xi32>
      %gather3A_1788 = tpu.dynamic_gather %add3A_1778[%gather3A_1787] in [0] : vector<16xf32>, vector<16xi32> -> vector<16xf32>
      %add3A_1789 = arith.addf %add3A_1778, %gather3A_1788 : vector<16xf32>
      %lt3A_1790 = arith.constant 0 : i32
      %lt3A_1791 = vector.broadcast %lt3A_1790 : i32 to vector<16xi32>
      %lt3A_1792 = arith.cmpi slt, %xor3A_35, %lt3A_1791 : vector<16xi32>
      %add3A_1793 = arith.constant 16 : i32
      %add3A_1794 = vector.broadcast %add3A_1793 : i32 to vector<16xi32>
      %add3A_1795 = arith.addi %xor3A_35, %add3A_1794 : vector<16xi32>
      %select_n3A_1796 = arith.select %lt3A_1792, %add3A_1795, %xor3A_35 : vector<16xi1>, vector<16xi32>
      %broadcast_in_dim3A_1797 = vector.shape_cast %select_n3A_1796 : vector<16xi32> to vector<16x1xi32>
      %gather3A_1798 = vector.shape_cast %broadcast_in_dim3A_1797 : vector<16x1xi32> to vector<16xi32>
      %gather3A_1799 = tpu.dynamic_gather %add3A_1789[%gather3A_1798] in [0] : vector<16xf32>, vector<16xi32> -> vector<16xf32>
      %add3A_1800 = arith.addf %add3A_1789, %gather3A_1799 : vector<16xf32>
      %lt3A_1801 = arith.constant 0 : i32
      %lt3A_1802 = vector.broadcast %lt3A_1801 : i32 to vector<16xi32>
      %lt3A_1803 = arith.cmpi slt, %xor3A_38, %lt3A_1802 : vector<16xi32>
      %add3A_1804 = arith.constant 16 : i32
      %add3A_1805 = vector.broadcast %add3A_1804 : i32 to vector<16xi32>
      %add3A_1806 = arith.addi %xor3A_38, %add3A_1805 : vector<16xi32>
      %select_n3A_1807 = arith.select %lt3A_1803, %add3A_1806, %xor3A_38 : vector<16xi1>, vector<16xi32>
      %broadcast_in_dim3A_1808 = vector.shape_cast %select_n3A_1807 : vector<16xi32> to vector<16x1xi32>
      %gather3A_1809 = vector.shape_cast %broadcast_in_dim3A_1808 : vector<16x1xi32> to vector<16xi32>
      %gather3A_1810 = tpu.dynamic_gather %add3A_1800[%gather3A_1809] in [0] : vector<16xf32>, vector<16xi32> -> vector<16xf32>
      %add3A_1811 = arith.addf %add3A_1800, %gather3A_1810 : vector<16xf32>
      %eq3A_1812 = arith.constant 14 : i32
      %eq3A_1813 = vector.broadcast %eq3A_1812 : i32 to vector<16xi32>
      %eq3A_1814 = arith.cmpi eq, %iota3A, %eq3A_1813 : vector<16xi32>
      %select_n3A_1815 = arith.select %eq3A_1814, %add3A_1811, %select_n3A_1697 : vector<16xi1>, vector<16xf32>
      %add3A_1816 = arith.constant 15 : i32
      %add3A_1817 = arith.addi %mul3A_48, %add3A_1816 : i32
      %mul3A_1818 = arith.constant 128 : i32
      %mul3A_1819 = arith.muli %add3A_1817, %mul3A_1818 : i32
      %broadcast_in_dim3A_1820 = arith.constant 0.000000e+00 : f32
      %broadcast_in_dim3A_1821 = vector.broadcast %broadcast_in_dim3A_1820 : f32 to vector<16xf32>
      %add3A_1822 = arith.constant 15 : i32
      %add3A_1823 = arith.addi %mul3A_48, %add3A_1822 : i32
      %get3A_1824 = arith.index_cast %add3A_1823 : i32 to index
      %get3A_1825 = arith.constant 0 : index
      %get3A_1826 = tpu.vector_load %arg6[%get3A_1824, %get3A_1825] {strides = array<i32>} : memref<768x128xf32, #tpu.memory_space<vmem>>, vector<1x16xf32>,
      %get3A_1827 = vector.shape_cast %get3A_1826 : vector<1x16xf32> to vector<16xf32>
      %mul3A_1828 = arith.mulf %get3A_1827, %get3A_6 : vector<16xf32>
      %add3A_1829 = arith.addf %broadcast_in_dim3A_1821, %mul3A_1828 : vector<16xf32>
      %add3A_1830 = arith.constant 15 : i32
      %add3A_1831 = arith.addi %mul3A_48, %add3A_1830 : i32
      %get3A_1832 = arith.index_cast %add3A_1831 : i32 to index
      %get3A_1833 = arith.constant 16 : index
      %get3A_1834 = tpu.vector_load %arg6[%get3A_1832, %get3A_1833] {strides = array<i32>} : memref<768x128xf32, #tpu.memory_space<vmem>>, vector<1x16xf32>,
      %get3A_1835 = vector.shape_cast %get3A_1834 : vector<1x16xf32> to vector<16xf32>
      %mul3A_1836 = arith.mulf %get3A_1835, %get3A_9 : vector<16xf32>
      %add3A_1837 = arith.addf %add3A_1829, %mul3A_1836 : vector<16xf32>
      %add3A_1838 = arith.constant 15 : i32
      %add3A_1839 = arith.addi %mul3A_48, %add3A_1838 : i32
      %get3A_1840 = arith.index_cast %add3A_1839 : i32 to index
      %get3A_1841 = arith.constant 32 : index
      %get3A_1842 = tpu.vector_load %arg6[%get3A_1840, %get3A_1841] {strides = array<i32>} : memref<768x128xf32, #tpu.memory_space<vmem>>, vector<1x16xf32>,
      %get3A_1843 = vector.shape_cast %get3A_1842 : vector<1x16xf32> to vector<16xf32>
      %mul3A_1844 = arith.mulf %get3A_1843, %get3A_12 : vector<16xf32>
      %add3A_1845 = arith.addf %add3A_1837, %mul3A_1844 : vector<16xf32>
      %add3A_1846 = arith.constant 15 : i32
      %add3A_1847 = arith.addi %mul3A_48, %add3A_1846 : i32
      %get3A_1848 = arith.index_cast %add3A_1847 : i32 to index
      %get3A_1849 = arith.constant 48 : index
      %get3A_1850 = tpu.vector_load %arg6[%get3A_1848, %get3A_1849] {strides = array<i32>} : memref<768x128xf32, #tpu.memory_space<vmem>>, vector<1x16xf32>,
      %get3A_1851 = vector.shape_cast %get3A_1850 : vector<1x16xf32> to vector<16xf32>
      %mul3A_1852 = arith.mulf %get3A_1851, %get3A_15 : vector<16xf32>
      %add3A_1853 = arith.addf %add3A_1845, %mul3A_1852 : vector<16xf32>
      %add3A_1854 = arith.constant 15 : i32
      %add3A_1855 = arith.addi %mul3A_48, %add3A_1854 : i32
      %get3A_1856 = arith.index_cast %add3A_1855 : i32 to index
      %get3A_1857 = arith.constant 64 : index
      %get3A_1858 = tpu.vector_load %arg6[%get3A_1856, %get3A_1857] {strides = array<i32>} : memref<768x128xf32, #tpu.memory_space<vmem>>, vector<1x16xf32>,
      %get3A_1859 = vector.shape_cast %get3A_1858 : vector<1x16xf32> to vector<16xf32>
      %mul3A_1860 = arith.mulf %get3A_1859, %get3A_18 : vector<16xf32>
      %add3A_1861 = arith.addf %add3A_1853, %mul3A_1860 : vector<16xf32>
      %add3A_1862 = arith.constant 15 : i32
      %add3A_1863 = arith.addi %mul3A_48, %add3A_1862 : i32
      %get3A_1864 = arith.index_cast %add3A_1863 : i32 to index
      %get3A_1865 = arith.constant 80 : index
      %get3A_1866 = tpu.vector_load %arg6[%get3A_1864, %get3A_1865] {strides = array<i32>} : memref<768x128xf32, #tpu.memory_space<vmem>>, vector<1x16xf32>,
      %get3A_1867 = vector.shape_cast %get3A_1866 : vector<1x16xf32> to vector<16xf32>
      %mul3A_1868 = arith.mulf %get3A_1867, %get3A_21 : vector<16xf32>
      %add3A_1869 = arith.addf %add3A_1861, %mul3A_1868 : vector<16xf32>
      %add3A_1870 = arith.constant 15 : i32
      %add3A_1871 = arith.addi %mul3A_48, %add3A_1870 : i32
      %get3A_1872 = arith.index_cast %add3A_1871 : i32 to index
      %get3A_1873 = arith.constant 96 : index
      %get3A_1874 = tpu.vector_load %arg6[%get3A_1872, %get3A_1873] {strides = array<i32>} : memref<768x128xf32, #tpu.memory_space<vmem>>, vector<1x16xf32>,
      %get3A_1875 = vector.shape_cast %get3A_1874 : vector<1x16xf32> to vector<16xf32>
      %mul3A_1876 = arith.mulf %get3A_1875, %get3A_24 : vector<16xf32>
      %add3A_1877 = arith.addf %add3A_1869, %mul3A_1876 : vector<16xf32>
      %add3A_1878 = arith.constant 15 : i32
      %add3A_1879 = arith.addi %mul3A_48, %add3A_1878 : i32
      %get3A_1880 = arith.index_cast %add3A_1879 : i32 to index
      %get3A_1881 = arith.constant 112 : index
      %get3A_1882 = tpu.vector_load %arg6[%get3A_1880, %get3A_1881] {strides = array<i32>} : memref<768x128xf32, #tpu.memory_space<vmem>>, vector<1x16xf32>,
      %get3A_1883 = vector.shape_cast %get3A_1882 : vector<1x16xf32> to vector<16xf32>
      %mul3A_1884 = arith.mulf %get3A_1883, %get3A_27 : vector<16xf32>
      %add3A_1885 = arith.addf %add3A_1877, %mul3A_1884 : vector<16xf32>
      %lt3A_1886 = arith.constant 0 : i32
      %lt3A_1887 = vector.broadcast %lt3A_1886 : i32 to vector<16xi32>
      %lt3A_1888 = arith.cmpi slt, %xor3A_29, %lt3A_1887 : vector<16xi32>
      %add3A_1889 = arith.constant 16 : i32
      %add3A_1890 = vector.broadcast %add3A_1889 : i32 to vector<16xi32>
      %add3A_1891 = arith.addi %xor3A_29, %add3A_1890 : vector<16xi32>
      %select_n3A_1892 = arith.select %lt3A_1888, %add3A_1891, %xor3A_29 : vector<16xi1>, vector<16xi32>
      %broadcast_in_dim3A_1893 = vector.shape_cast %select_n3A_1892 : vector<16xi32> to vector<16x1xi32>
      %gather3A_1894 = vector.shape_cast %broadcast_in_dim3A_1893 : vector<16x1xi32> to vector<16xi32>
      %gather3A_1895 = tpu.dynamic_gather %add3A_1885[%gather3A_1894] in [0] : vector<16xf32>, vector<16xi32> -> vector<16xf32>
      %add3A_1896 = arith.addf %add3A_1885, %gather3A_1895 : vector<16xf32>
      %lt3A_1897 = arith.constant 0 : i32
      %lt3A_1898 = vector.broadcast %lt3A_1897 : i32 to vector<16xi32>
      %lt3A_1899 = arith.cmpi slt, %xor3A_32, %lt3A_1898 : vector<16xi32>
      %add3A_1900 = arith.constant 16 : i32
      %add3A_1901 = vector.broadcast %add3A_1900 : i32 to vector<16xi32>
      %add3A_1902 = arith.addi %xor3A_32, %add3A_1901 : vector<16xi32>
      %select_n3A_1903 = arith.select %lt3A_1899, %add3A_1902, %xor3A_32 : vector<16xi1>, vector<16xi32>
      %broadcast_in_dim3A_1904 = vector.shape_cast %select_n3A_1903 : vector<16xi32> to vector<16x1xi32>
      %gather3A_1905 = vector.shape_cast %broadcast_in_dim3A_1904 : vector<16x1xi32> to vector<16xi32>
      %gather3A_1906 = tpu.dynamic_gather %add3A_1896[%gather3A_1905] in [0] : vector<16xf32>, vector<16xi32> -> vector<16xf32>
      %add3A_1907 = arith.addf %add3A_1896, %gather3A_1906 : vector<16xf32>
      %lt3A_1908 = arith.constant 0 : i32
      %lt3A_1909 = vector.broadcast %lt3A_1908 : i32 to vector<16xi32>
      %lt3A_1910 = arith.cmpi slt, %xor3A_35, %lt3A_1909 : vector<16xi32>
      %add3A_1911 = arith.constant 16 : i32
      %add3A_1912 = vector.broadcast %add3A_1911 : i32 to vector<16xi32>
      %add3A_1913 = arith.addi %xor3A_35, %add3A_1912 : vector<16xi32>
      %select_n3A_1914 = arith.select %lt3A_1910, %add3A_1913, %xor3A_35 : vector<16xi1>, vector<16xi32>
      %broadcast_in_dim3A_1915 = vector.shape_cast %select_n3A_1914 : vector<16xi32> to vector<16x1xi32>
      %gather3A_1916 = vector.shape_cast %broadcast_in_dim3A_1915 : vector<16x1xi32> to vector<16xi32>
      %gather3A_1917 = tpu.dynamic_gather %add3A_1907[%gather3A_1916] in [0] : vector<16xf32>, vector<16xi32> -> vector<16xf32>
      %add3A_1918 = arith.addf %add3A_1907, %gather3A_1917 : vector<16xf32>
      %lt3A_1919 = arith.constant 0 : i32
      %lt3A_1920 = vector.broadcast %lt3A_1919 : i32 to vector<16xi32>
      %lt3A_1921 = arith.cmpi slt, %xor3A_38, %lt3A_1920 : vector<16xi32>
      %add3A_1922 = arith.constant 16 : i32
      %add3A_1923 = vector.broadcast %add3A_1922 : i32 to vector<16xi32>
      %add3A_1924 = arith.addi %xor3A_38, %add3A_1923 : vector<16xi32>
      %select_n3A_1925 = arith.select %lt3A_1921, %add3A_1924, %xor3A_38 : vector<16xi1>, vector<16xi32>
      %broadcast_in_dim3A_1926 = vector.shape_cast %select_n3A_1925 : vector<16xi32> to vector<16x1xi32>
      %gather3A_1927 = vector.shape_cast %broadcast_in_dim3A_1926 : vector<16x1xi32> to vector<16xi32>
      %gather3A_1928 = tpu.dynamic_gather %add3A_1918[%gather3A_1927] in [0] : vector<16xf32>, vector<16xi32> -> vector<16xf32>
      %add3A_1929 = arith.addf %add3A_1918, %gather3A_1928 : vector<16xf32>
      %eq3A_1930 = arith.constant 15 : i32
      %eq3A_1931 = vector.broadcast %eq3A_1930 : i32 to vector<16xi32>
      %eq3A_1932 = arith.cmpi eq, %iota3A, %eq3A_1931 : vector<16xi32>
      %select_n3A_1933 = arith.select %eq3A_1932, %add3A_1929, %select_n3A_1815 : vector<16xi1>, vector<16xf32>
      %get3A_1934 = arith.index_cast %mul3A_48 : i32 to index
      %get3A_1935 = tpu.vector_load %arg8[%get3A_1934] {strides = array<i32>} : memref<768xf32, #tpu.memory_space<vmem>>, vector<16xf32>,
      %get3A_1936 = vector.shape_cast %get3A_1935 : vector<16xf32> to vector<16xf32>
      %add3A_1937 = arith.addf %select_n3A_1933, %get3A_1936 : vector<16xf32>
      %swap3A = arith.index_cast %mul3A_48 : i32 to index
      %swap3A_1938 = tpu.vector_load %arg9[%swap3A] {strides = array<i32>} : memref<768xf32, #tpu.memory_space<vmem>>, vector<16xf32>,
      %swap3A_1939 = vector.shape_cast %swap3A_1938 : vector<16xf32> to vector<16xf32>
      %swap3A_1940 = vector.shape_cast %add3A_1937 : vector<16xf32> to vector<16xf32>
      tpu.vector_store %arg9[%swap3A], %swap3A_1940 {strides = array<i32>} : memref<768xf32, #tpu.memory_space<vmem>>, vector<16xf32>,
    }
    %scan3A_43 = arith.constant 48 : i32
    %mul3A_44 = arith.constant 768 : i32
    %mul3A_45 = arith.muli %add3A, %mul3A_44 : i32
    "tpu.region"() ({
      %run_scoped3A = tpu.sem_alloc : memref<!tpu.dma_semaphore, #tpu.memory_space<semaphore_mem>>
      %dma_start3A = tpu.memref_slice %arg5[%mul3A_45] : memref<24576xf32, #tpu.memory_space<hbm>> -> memref<768xf32, #tpu.memory_space<hbm>>
      %dma_start3A_46 = tpu.memref_slice %arg5[%mul3A_45] : memref<24576xf32, #tpu.memory_space<hbm>> -> memref<768xf32, #tpu.memory_space<hbm>>
      tpu.enqueue_dma source(%arg9 : memref<768xf32, #tpu.memory_space<vmem>>) target(%dma_start3A_46 : memref<768xf32, #tpu.memory_space<hbm>>) target_semaphore(%run_scoped3A : memref<!tpu.dma_semaphore, #tpu.memory_space<semaphore_mem>>)
      %dma_wait3A = tpu.memref_slice %arg5[%mul3A_45] : memref<24576xf32, #tpu.memory_space<hbm>> -> memref<768xf32, #tpu.memory_space<hbm>>
      %dma_wait3A_47 = tpu.memref_slice %arg5[%mul3A_45] : memref<24576xf32, #tpu.memory_space<hbm>> -> memref<768xf32, #tpu.memory_space<hbm>>
      tpu.wait_dma2 semaphore(%run_scoped3A : memref<!tpu.dma_semaphore, #tpu.memory_space<semaphore_mem>>) src(%arg9 : memref<768xf32, #tpu.memory_space<vmem>>) dst(%dma_wait3A_47 : memref<768xf32, #tpu.memory_space<hbm>>)
      tpu.yield
    }) : () -> ()
    return
  }
}

module attributes {stable_mosaic.version = 14 : i64} {
  func.func @_phase2_tc_body(%arg0: i32, %arg1: memref<1x128xf32, #tpu.memory_space<vmem>>, %arg2: memref<8192x128xf32, #tpu.memory_space<vmem>>, %arg3: memref<1x8192xf32, #tpu.memory_space<vmem>>, %arg4: memref<1x8192xf32, #tpu.memory_space<vmem>>) attributes {dimension_semantics = [#tpu.dimension_semantics<arbitrary>], iteration_bounds = array<i64: 10>, scalar_prefetch = 0 : i64, scratch_operands = 0 : i64, tpu.core_type = #tpu.core_type<tc>, window_params = [{pipeline_mode = #tpu.pipeline_mode<synchronous>, transform_indices = @transform_0, window_bounds = array<i64: 1, 128>}, {transform_indices = @transform_1, window_bounds = array<i64: 8192, 128>}, {transform_indices = @transform_2, window_bounds = array<i64: 1, 8192>}, {transform_indices = @transform_3, window_bounds = array<i64: 1, 8192>}]} {
    %get3A = arith.constant 0 : index
    %get3A_0 = arith.constant 0 : index
    %get3A_1 = vector.load %arg1[%get3A, %get3A_0] : memref<1x128xf32, #tpu.memory_space<vmem>>, vector<1x128xf32>
    %convert_element_type3A = arith.truncf %get3A_1 : vector<1x128xf32> to vector<1x128xbf16>
    %get3A_2 = arith.constant 0 : index
    %get3A_3 = arith.constant 0 : index
    %get3A_4 = vector.load %arg2[%get3A_2, %get3A_3] : memref<8192x128xf32, #tpu.memory_space<vmem>>, vector<8192x128xf32>
    %convert_element_type3A_5 = arith.truncf %get3A_4 : vector<8192x128xf32> to vector<8192x128xbf16>
    %dot_general3A = arith.constant dense<0.000000e+00> : vector<1x8192xf32>
    %dot_general3A_6 = tpu.matmul %convert_element_type3A, %convert_element_type3A_5, %dot_general3A {dimension_numbers = #tpu.dot_dimension_numbers<[1], [1], [0], [0], [0, 0, 1, 0], [], []>, transpose_lhs_hint = false} : vector<1x128xbf16>, vector<8192x128xbf16>, vector<1x8192xf32> -> vector<1x8192xf32>
    %get3A_7 = arith.constant 0 : index
    %get3A_8 = arith.constant 0 : index
    %get3A_9 = vector.load %arg3[%get3A_7, %get3A_8] : memref<1x8192xf32, #tpu.memory_space<vmem>>, vector<1x8192xf32>
    %add3A = arith.addf %dot_general3A_6, %get3A_9 : vector<1x8192xf32>
    %swap3A = arith.constant 0 : index
    %swap3A_10 = arith.constant 0 : index
    %swap3A_11 = vector.load %arg4[%swap3A, %swap3A_10] : memref<1x8192xf32, #tpu.memory_space<vmem>>, vector<1x8192xf32>
    tpu.vector_store %arg4[%swap3A, %swap3A_10], %add3A {strides = array<i32>} : memref<1x8192xf32, #tpu.memory_space<vmem>>, vector<1x8192xf32>,
    return
  }
  func.func @transform_0(%arg0: i32) -> (i32, i32) {
    %c0_i32 = arith.constant 0 : i32
    %c0_i32_0 = arith.constant 0 : i32
    %c0_i32_1 = arith.constant 0 : i32
    return %c0_i32, %c0_i32_0 : i32, i32
  }
  func.func @transform_1(%arg0: i32) -> (i32, i32) {
    %c0_i32 = arith.constant 0 : i32
    %c0_i32_0 = arith.constant 0 : i32
    return %arg0, %c0_i32 : i32, i32
  }
  func.func @transform_2(%arg0: i32) -> (i32, i32) {
    %c0_i32 = arith.constant 0 : i32
    %c0_i32_0 = arith.constant 0 : i32
    return %c0_i32, %arg0 : i32, i32
  }
  func.func @transform_3(%arg0: i32) -> (i32, i32) {
    %c0_i32 = arith.constant 0 : i32
    %c0_i32_0 = arith.constant 0 : i32
    return %c0_i32, %arg0 : i32, i32
  }
}

module attributes {stable_mosaic.version = 14 : i64} {
  func.func @_phase1_body(%arg0: i32, %arg1: memref<200xi32, #tpu.memory_space<smem>>, %arg2: memref<100000x128xf32, #tpu.memory_space<hbm>>, %arg3: memref<6400x128xf32, #tpu.memory_space<vmem>>, %arg4: memref<1x128xf32, #tpu.memory_space<vmem>>, %arg5: memref<1x128xf32, #tpu.memory_space<vmem>>, %arg6: memref<1x25600xf32, #tpu.memory_space<vmem>>, %arg7: memref<4x!tpu.dma_semaphore, #tpu.memory_space<semaphore_mem>>) attributes {dimension_semantics = [#tpu.dimension_semantics<arbitrary>], iteration_bounds = array<i64: 4>, scalar_prefetch = 1 : i64, scratch_operands = 2 : i64, tpu.core_type = #tpu.core_type<tc>, window_params = [{}, {transform_indices = @transform_1, window_bounds = array<i64: 6400, 128>}, {pipeline_mode = #tpu.pipeline_mode<synchronous>, transform_indices = @transform_2, window_bounds = array<i64: 1, 128>}, {pipeline_mode = #tpu.pipeline_mode<synchronous>, transform_indices = @transform_3, window_bounds = array<i64: 1, 128>}]} {
    %eq3A = arith.constant 0 : i32
    %eq3A_0 = arith.cmpi eq, %arg0, %eq3A : i32
    %convert_element_type3A = arith.extui %eq3A_0 : i1 to i32
    %cond3A = arith.constant 0 : i32
    %cond3A_1 = arith.cmpi ne, %convert_element_type3A, %cond3A : i32
    scf.if %cond3A_1 {
      %broadcast_in_dim3A = arith.constant 0.000000e+00 : f32
      %broadcast_in_dim3A_38 = vector.broadcast %broadcast_in_dim3A : f32 to vector<1x128xf32>
      %swap3A_39 = arith.constant 0 : index
      %swap3A_40 = arith.constant 0 : index
      %swap3A_41 = vector.load %arg5[%swap3A_39, %swap3A_40] : memref<1x128xf32, #tpu.memory_space<vmem>>, vector<1x128xf32>
      tpu.vector_store %arg5[%swap3A_39, %swap3A_40], %broadcast_in_dim3A_38 {strides = array<i32>} : memref<1x128xf32, #tpu.memory_space<vmem>>, vector<1x128xf32>,
      %scan3A = arith.constant 0 : i32
      %scan3A_42 = arith.constant 200 : i32
      %scan3A_43 = arith.addi %scan3A, %scan3A_42 : i32
      %scan3A_44 = arith.constant 1 : i32
      scf.for %scan3A_46 = %scan3A to %scan3A_43 step %scan3A_44  : i32 {
        %jit3A = arith.constant 50 : i32
        %div3A = arith.divsi %scan3A_46, %jit3A : i32
        %sign3A = arith.constant 0 : i32
        %sign3A_47 = arith.cmpi sgt, %scan3A_46, %sign3A : i32
        %sign3A_48 = arith.extui %sign3A_47 : i1 to i32
        %sign3A_49 = arith.constant 0 : i32
        %sign3A_50 = arith.cmpi slt, %scan3A_46, %sign3A_49 : i32
        %sign3A_51 = arith.extui %sign3A_50 : i1 to i32
        %sign3A_52 = arith.subi %sign3A_48, %sign3A_51 : i32
        %sign3A_53 = arith.constant 0 : i32
        %sign3A_54 = arith.cmpi sgt, %jit3A, %sign3A_53 : i32
        %sign3A_55 = arith.extui %sign3A_54 : i1 to i32
        %sign3A_56 = arith.constant 0 : i32
        %sign3A_57 = arith.cmpi slt, %jit3A, %sign3A_56 : i32
        %sign3A_58 = arith.extui %sign3A_57 : i1 to i32
        %sign3A_59 = arith.subi %sign3A_55, %sign3A_58 : i32
        %ne3A = arith.cmpi ne, %sign3A_52, %sign3A_59 : i32
        %rem3A = arith.remsi %scan3A_46, %jit3A : i32
        %ne3A_60 = arith.constant 0 : i32
        %ne3A_61 = arith.cmpi ne, %rem3A, %ne3A_60 : i32
        %and3A = arith.andi %ne3A, %ne3A_61 : i1
        %sub3A = arith.constant 1 : i32
        %sub3A_62 = arith.subi %div3A, %sub3A : i32
        %select_n3A_63 = arith.select %and3A, %sub3A_62, %div3A : i32
        %get3A_64 = arith.index_cast %scan3A_46 : i32 to index
        %get3A_65 = memref.load %arg1[%get3A_64] : memref<200xi32, #tpu.memory_space<smem>>
        %mul3A_66 = arith.constant 128 : i32
        %mul3A_67 = arith.muli %scan3A_46, %mul3A_66 : i32
        %dma_start3A = tpu.memref_slice %arg7[%select_n3A_63] : memref<4x!tpu.dma_semaphore, #tpu.memory_space<semaphore_mem>> -> memref<1x!tpu.dma_semaphore, #tpu.memory_space<semaphore_mem>>
        %dma_start3A_68 = tpu.memref_squeeze %dma_start3A : memref<1x!tpu.dma_semaphore, #tpu.memory_space<semaphore_mem>> -> memref<!tpu.dma_semaphore, #tpu.memory_space<semaphore_mem>>
        %dma_start3A_69 = arith.constant 0 : i32
        %dma_start3A_70 = tpu.memref_slice %arg6[%dma_start3A_69, %mul3A_67] : memref<1x25600xf32, #tpu.memory_space<vmem>> -> memref<1x128xf32, #tpu.memory_space<vmem>>
        %dma_start3A_71 = arith.constant 0 : i32
        %dma_start3A_72 = tpu.memref_slice %arg2[%get3A_65, %dma_start3A_71] : memref<100000x128xf32, #tpu.memory_space<hbm>> -> memref<1x128xf32, #tpu.memory_space<hbm>>
        tpu.enqueue_dma source(%dma_start3A_72 : memref<1x128xf32, #tpu.memory_space<hbm>>) target(%dma_start3A_70 : memref<1x128xf32, #tpu.memory_space<vmem>>) target_semaphore(%dma_start3A_68 : memref<!tpu.dma_semaphore, #tpu.memory_space<semaphore_mem>>)
      }
      %scan3A_45 = arith.constant 200 : i32
    } else {
    }
    %mul3A = arith.constant 50 : i32
    %mul3A_2 = arith.muli %arg0, %mul3A : i32
    %add3A = arith.constant 1 : i32
    %add3A_3 = arith.addi %arg0, %add3A : i32
    %mul3A_4 = arith.constant 50 : i32
    %mul3A_5 = arith.muli %add3A_3, %mul3A_4 : i32
    %while3A = arith.constant 0 : i32
    %while3A_6 = arith.subi %mul3A_5, %mul3A_2 : i32
    %while3A_7 = arith.addi %mul3A_2, %while3A_6 : i32
    %while3A_8 = arith.constant 1 : i32
    %while3A_9 = arith.divsi %while3A_6, %while3A_8 : i32
    %while3A_10 = arith.muli %while3A_9, %while3A_8 : i32
    %while3A_11 = arith.addi %mul3A_2, %while3A_10 : i32
    %while3A_12 = arith.constant 1 : i32
    scf.for %while3A_38 = %mul3A_2 to %while3A_11 step %while3A_12  : i32 {
      %get3A_39 = arith.index_cast %while3A_38 : i32 to index
      %get3A_40 = memref.load %arg1[%get3A_39] : memref<200xi32, #tpu.memory_space<smem>>
      %mul3A_41 = arith.constant 128 : i32
      %mul3A_42 = arith.muli %while3A_38, %mul3A_41 : i32
      %dma_wait3A = tpu.memref_slice %arg7[%arg0] : memref<4x!tpu.dma_semaphore, #tpu.memory_space<semaphore_mem>> -> memref<1x!tpu.dma_semaphore, #tpu.memory_space<semaphore_mem>>
      %dma_wait3A_43 = tpu.memref_squeeze %dma_wait3A : memref<1x!tpu.dma_semaphore, #tpu.memory_space<semaphore_mem>> -> memref<!tpu.dma_semaphore, #tpu.memory_space<semaphore_mem>>
      %dma_wait3A_44 = arith.constant 0 : i32
      %dma_wait3A_45 = tpu.memref_slice %arg6[%dma_wait3A_44, %mul3A_42] : memref<1x25600xf32, #tpu.memory_space<vmem>> -> memref<1x128xf32, #tpu.memory_space<vmem>>
      %dma_wait3A_46 = arith.constant 0 : i32
      %dma_wait3A_47 = tpu.memref_slice %arg2[%get3A_40, %dma_wait3A_46] : memref<100000x128xf32, #tpu.memory_space<hbm>> -> memref<1x128xf32, #tpu.memory_space<hbm>>
      tpu.wait_dma2 semaphore(%dma_wait3A_43 : memref<!tpu.dma_semaphore, #tpu.memory_space<semaphore_mem>>) src(%dma_wait3A_47 : memref<1x128xf32, #tpu.memory_space<hbm>>) dst(%dma_wait3A_45 : memref<1x128xf32, #tpu.memory_space<vmem>>)
    }
    %while3A_13 = arith.constant 1 : i32
    scf.for %while3A_38 = %while3A_11 to %while3A_7 step %while3A_13  : i32 {
      %get3A_39 = arith.index_cast %while3A_38 : i32 to index
      %get3A_40 = memref.load %arg1[%get3A_39] : memref<200xi32, #tpu.memory_space<smem>>
      %mul3A_41 = arith.constant 128 : i32
      %mul3A_42 = arith.muli %while3A_38, %mul3A_41 : i32
      %dma_wait3A = tpu.memref_slice %arg7[%arg0] : memref<4x!tpu.dma_semaphore, #tpu.memory_space<semaphore_mem>> -> memref<1x!tpu.dma_semaphore, #tpu.memory_space<semaphore_mem>>
      %dma_wait3A_43 = tpu.memref_squeeze %dma_wait3A : memref<1x!tpu.dma_semaphore, #tpu.memory_space<semaphore_mem>> -> memref<!tpu.dma_semaphore, #tpu.memory_space<semaphore_mem>>
      %dma_wait3A_44 = arith.constant 0 : i32
      %dma_wait3A_45 = tpu.memref_slice %arg6[%dma_wait3A_44, %mul3A_42] : memref<1x25600xf32, #tpu.memory_space<vmem>> -> memref<1x128xf32, #tpu.memory_space<vmem>>
      %dma_wait3A_46 = arith.constant 0 : i32
      %dma_wait3A_47 = tpu.memref_slice %arg2[%get3A_40, %dma_wait3A_46] : memref<100000x128xf32, #tpu.memory_space<hbm>> -> memref<1x128xf32, #tpu.memory_space<hbm>>
      tpu.wait_dma2 semaphore(%dma_wait3A_43 : memref<!tpu.dma_semaphore, #tpu.memory_space<semaphore_mem>>) src(%dma_wait3A_47 : memref<1x128xf32, #tpu.memory_space<hbm>>) dst(%dma_wait3A_45 : memref<1x128xf32, #tpu.memory_space<vmem>>)
    }
    %get3A = arith.constant 0 : index
    %get3A_14 = arith.constant 0 : index
    %get3A_15 = vector.load %arg5[%get3A, %get3A_14] : memref<1x128xf32, #tpu.memory_space<vmem>>, vector<1x128xf32>
    %mul3A_16 = arith.constant 6400 : i32
    %mul3A_17 = arith.muli %arg0, %mul3A_16 : i32
    %get3A_18 = arith.constant 0 : index
    %get3A_19 = arith.index_cast %mul3A_17 : i32 to index
    %get3A_20 = vector.load %arg6[%get3A_18, %get3A_19] : memref<1x25600xf32, #tpu.memory_space<vmem>>, vector<1x6400xf32>
    %convert_element_type3A_21 = arith.truncf %get3A_20 : vector<1x6400xf32> to vector<1x6400xbf16>
    %get3A_22 = arith.constant 0 : index
    %get3A_23 = arith.constant 0 : index
    %get3A_24 = vector.load %arg3[%get3A_22, %get3A_23] : memref<6400x128xf32, #tpu.memory_space<vmem>>, vector<6400x128xf32>
    %convert_element_type3A_25 = arith.truncf %get3A_24 : vector<6400x128xf32> to vector<6400x128xbf16>
    %dot_general3A = arith.constant dense<0.000000e+00> : vector<1x128xf32>
    %dot_general3A_26 = tpu.matmul %convert_element_type3A_21, %convert_element_type3A_25, %dot_general3A {dimension_numbers = #tpu.dot_dimension_numbers<[1], [0], [0], [1], [0, 0, 1, 1], [], []>, transpose_lhs_hint = false} : vector<1x6400xbf16>, vector<6400x128xbf16>, vector<1x128xf32> -> vector<1x128xf32>
    %add3A_27 = arith.addf %get3A_15, %dot_general3A_26 : vector<1x128xf32>
    %eq3A_28 = arith.constant 3 : i32
    %eq3A_29 = arith.cmpi eq, %arg0, %eq3A_28 : i32
    %get3A_30 = arith.constant 0 : index
    %get3A_31 = arith.constant 0 : index
    %get3A_32 = vector.load %arg4[%get3A_30, %get3A_31] : memref<1x128xf32, #tpu.memory_space<vmem>>, vector<1x128xf32>
    %add3A_33 = arith.addf %add3A_27, %get3A_32 : vector<1x128xf32>
    %max3A = arith.constant 0.000000e+00 : f32
    %max3A_34 = vector.broadcast %max3A : f32 to vector<1x128xf32>
    %max3A_35 = arith.maximumf %add3A_33, %max3A_34 : vector<1x128xf32>
    %select_n3A = arith.select %eq3A_29, %max3A_35, %add3A_27 : vector<1x128xf32>
    %swap3A = arith.constant 0 : index
    %swap3A_36 = arith.constant 0 : index
    %swap3A_37 = vector.load %arg5[%swap3A, %swap3A_36] : memref<1x128xf32, #tpu.memory_space<vmem>>, vector<1x128xf32>
    tpu.vector_store %arg5[%swap3A, %swap3A_36], %select_n3A {strides = array<i32>} : memref<1x128xf32, #tpu.memory_space<vmem>>, vector<1x128xf32>,
    return
  }
  func.func @transform_1(%arg0: i32, %arg1: memref<200xi32, #tpu.memory_space<smem>>) -> (i32, i32) {
    %c0_i32 = arith.constant 0 : i32
    %c0_i32_0 = arith.constant 0 : i32
    return %arg0, %c0_i32 : i32, i32
  }
  func.func @transform_2(%arg0: i32, %arg1: memref<200xi32, #tpu.memory_space<smem>>) -> (i32, i32) {
    %c0_i32 = arith.constant 0 : i32
    %c0_i32_0 = arith.constant 0 : i32
    %c0_i32_1 = arith.constant 0 : i32
    return %c0_i32, %c0_i32_0 : i32, i32
  }
  func.func @transform_3(%arg0: i32, %arg1: memref<200xi32, #tpu.memory_space<smem>>) -> (i32, i32) {
    %c0_i32 = arith.constant 0 : i32
    %c0_i32_0 = arith.constant 0 : i32
    %c0_i32_1 = arith.constant 0 : i32
    return %c0_i32, %c0_i32_0 : i32, i32
  }
}

</mosaic_0001>

<sc_bundles>
// kernel: kernel.5.cloned.1.call-start
scs
__scs_entry_jumppad:
0x0: {  	(pc) =	sbr.rel $0x88, $3  }
0x1: {  	(tag) =	ssettag $0x0;
	lr =	simm.s32 $0x1  }
0x2: {  	[smem:$0x3F9B] =	sst lr;
	_ =	strace $0xD0000000  }
0x3: {  	_ = 	snop  }
0x4: {  	_ = 	snop  }
0x5: {  	_ = 	snop  }
0x6: {  	_ = 	snop  }
0x7: {  	_ = 	snop  }
__scs_overlays_trampoline_lowered:
0x8: {  	[smem:$0x3FAA] =	sst s0  }
0x9: {  	[smem:$0x3FAB] =	sst s1  }
0xa: {  	[smem:$0x3FAC] =	sst s2  }
0xb: {  	[smem:$0x3FAD] =	sst s3  }
0xc: {  	[smem:$0x3FAE] =	sst s4  }
0xd: {  	[smem:$0x3FAF] =	sst s5  }
0xe: {  	[smem:$0x3FB0] =	sst s6  }
0xf: {  	[smem:$0x3FB1] =	sst s7  }
0x10: {  	[smem:$0x3FB2] =	sst s8  }
0x11: {  	[smem:$0x3FB3] =	sst s9;
	s0 =	simm.s32 @!p0 $0x0  }
0x12: {  	s1 =	sld [smem:$0x3F99];
	s0 =	simm.s32 @p0 $0x1  }
0x13: {  	[smem:$0x3FB4] =	sst s0;
	s0 =	simm.s32 @!p1 $0x0  }
0x14: {  	s2 =	sld [smem:$0x3F98];
	s0 =	simm.s32 @p1 $0x1  }
0x15: {  	[smem:$0x3FB5] =	sst s0;
	s0 =	simm.s32 @!p2 $0x0  }
0x16: {  	s3 =	sld [smem:$0x3FDB];
	s0 =	simm.s32 @p2 $0x1  }
0x17: {  	s4 =	simm.s32 $0x1BF5;
	[smem:$0x3FB7] =	sst s0  }
0x18: {  	s0 =	sld [smem:$0x3F9A];
	_ =	swait.ge [sflag:s4], $0x0  }
0x19: {  	s7 =	sld [smem:$0x3F9B]  }
0x1a: {  	s8 =	sadd.s32 $0xFFFFE003, lr  }
0x1b: {  	s9 =	sadd.s32 $0xFFFFFEF7, lr;
	s5 =	simm.s32 $0xFFFFFFFF;
	p2 =	slt.u32 s8, $0xFFFFF086  }
0x1c: {  	p1 =	slt.u32 s9, $0xF7A;
	s5 =	simm.s32 @!p2 $0x0  }
0x1d: {  	s5 =	simm.s32 @p1 $0x1;
	p0 =	seq.s32 s7, s2  }
0x1e: {  	s7 =	smul.u32 @!p0 $0xF7A, s2;
	p2 =	seq.s32 @!p0 s5, $0x0  }
0x1f: {  	s9 =	smul.u32 $0xF7A, s1;
	s8 =	simm.s32 @!p0 $0x1BF5;
	p2 =	por !p2, p0  }
0x20: {  	[sflag:s8] =	ssyncset.s32 @!p0 $0xFFFFF086;
	s6 =	sadd.s32 @!p0 s3, s7;
	s7 =	simm.s32 @!p0 $0x108  }
0x21: {  	s3 =	sadd.s32 s3, s9;
	s6 =	sadd.s32 @!p0 $0x88, s6;
	s7 =	simm.s32 @p2 $0x1082  }
0x22: {  	[simem:s7], [sflag:s8] =	dma.local @!p0 [hbm:s6], $0xF7A  }
0x23: {  	s9 =	sor.u32 $0xD0000000, s2;
	s6 =	simm.s32 $0x108;
	_ =	swait.ge @!p0 [sflag:s8], $0x0  }
0x24: {  	s3 =	sadd.s32 $0x88, s3;
	s6 =	simm.s32 @!p1 $0x1082;
	[sflag:s4] =	ssyncset.s32 $0xFFFFF086  }
0x25: {  	[simem:s6], [sflag:s4] =	dma.local [hbm:s3], $0xF7A  }
0x26: {  	[smem:$0x3F9B] =	sst s1;
	(tag) =	ssettag s2;
	_ =	strace s9  }
0x27: {  	s1 =	sld [smem:$0x3FAB]  }
0x28: {  	s2 =	sld [smem:$0x3FAC]  }
0x29: {  	s4 =	sld [smem:$0x3FAE]  }
0x2a: {  	p0 =	seq.s32 s5, $0x0;
	s5 =	sld [smem:$0x3FAF]  }
0x2b: {  	s6 =	sld [smem:$0x3FB0]  }
0x2c: {  	s7 =	sld [smem:$0x3FB1]  }
0x2d: {  	s3 =	simm.s32 $0x108;
	s8 =	sld [smem:$0x3FB2]  }
0x2e: {  	s3 =	simm.s32 @!p0 $0x1082;
	s9 =	sld [smem:$0x3FB3]  }
0x2f: {  	lr =	sadd.s32 s0, s3;
	s0 =	sld [smem:$0x3FAA]  }
0x30: {  	s3 =	sld [smem:$0x3FAD]  }
0x31: {  	[smem:$0x3FB6] =	sst s10  }
0x32: {  	s10 =	sld [smem:$0x3FB4];
	_ =	sdelay $0x3  }
0x33: {  	p0 =	seq.s32 s10, $0x1;
	s10 =	sld [smem:$0x3FB6];
	_ =	sdelay $0x3  }
0x34: {  	[smem:$0x3FB6] =	sst s10  }
0x35: {  	s10 =	sld [smem:$0x3FB5];
	_ =	sdelay $0x3  }
0x36: {  	p1 =	seq.s32 s10, $0x1;
	s10 =	sld [smem:$0x3FB6];
	_ =	sdelay $0x3  }
0x37: {  	[smem:$0x3FB6] =	sst s10  }
0x38: {  	s10 =	sld [smem:$0x3FB7]  }
0x39: {  	_ = 	snop;
	(pc) =	sbr.ind lr, $3  }
0x3a: {  	_ = 	snop  }
0x3b: {  	_ = 	snop  }
0x3c: {  	p2 =	seq.s32 s10, $0x1;
	s10 =	sld [smem:$0x3FB6]  }
0x3d: {  	_ =	shalt  }
0x3e: {  	_ =	shalt  }
0x3f: {  	_ =	shalt  }
0x40: {  	_ =	shalt  }
0x41: {  	_ =	shalt  }
0x42: {  	_ =	shalt  }
0x43: {  	_ =	shalt  }
0x44: {  	_ =	shalt  }
0x45: {  	_ =	shalt  }
0x46: {  	_ =	shalt  }
0x47: {  	_ =	shalt  }
0x48: {  	_ =	shalt  }
0x49: {  	_ =	shalt  }
0x4a: {  	_ =	shalt  }
0x4b: {  	_ =	shalt  }
0x4c: {  	_ =	shalt  }
0x4d: {  	_ =	shalt  }
0x4e: {  	_ =	shalt  }
0x4f: {  	_ =	shalt  }
0x50: {  	_ =	shalt  }
0x51: {  	_ =	shalt  }
0x52: {  	_ =	shalt  }
0x53: {  	_ =	shalt  }
0x54: {  	_ =	shalt  }
0x55: {  	_ =	shalt  }
0x56: {  	_ =	shalt  }
0x57: {  	_ =	shalt  }
0x58: {  	_ =	shalt  }
0x59: {  	_ =	shalt  }
0x5a: {  	_ =	shalt  }
0x5b: {  	_ =	shalt  }
0x5c: {  	_ =	shalt  }
0x5d: {  	_ =	shalt  }
0x5e: {  	_ =	shalt  }
0x5f: {  	_ =	shalt  }
0x60: {  	_ =	shalt  }
0x61: {  	_ =	shalt  }
0x62: {  	_ =	shalt  }
0x63: {  	_ =	shalt  }
0x64: {  	_ =	shalt  }
0x65: {  	_ =	shalt  }
0x66: {  	_ =	shalt  }
0x67: {  	_ =	shalt  }
0x68: {  	_ =	shalt  }
0x69: {  	_ =	shalt  }
0x6a: {  	_ =	shalt  }
0x6b: {  	_ =	shalt  }
0x6c: {  	_ =	shalt  }
0x6d: {  	_ =	shalt  }
0x6e: {  	_ =	shalt  }
0x6f: {  	_ =	shalt  }
0x70: {  	_ =	shalt  }
0x71: {  	_ =	shalt  }
0x72: {  	_ =	shalt  }
0x73: {  	_ =	shalt  }
0x74: {  	_ =	shalt  }
0x75: {  	_ =	shalt  }
0x76: {  	_ =	shalt  }
0x77: {  	_ =	shalt  }
0x78: {  	_ =	shalt  }
0x79: {  	_ =	shalt  }
0x7a: {  	_ =	shalt  }
0x7b: {  	_ =	shalt  }
0x7c: {  	_ =	shalt  }
0x7d: {  	_ =	shalt  }
0x7e: {  	_ =	shalt  }
0x7f: {  	_ =	shalt  }
0x80: {  	_ =	shalt  }
0x81: {  	_ =	shalt  }
0x82: {  	_ =	shalt  }
0x83: {  	_ =	shalt  }
0x84: {  	_ =	shalt  }
0x85: {  	_ =	shalt  }
0x86: {  	_ =	shalt  }
0x87: {  	_ =	shalt  }
.Lfunc_end0:
.L_simem_size_0:
called_computation_lowered:
.L_overlay_start_0:
0x88: {  	s2 =	sld [smem:$0x3FD9]  }
0x89: {  	s3 =	sld [smem:$0x3FFE];
	_ =	sdelay $0x1  }
0x8a: {  	s1 =	srdreg.scid  }
0x8b: {  	s0 =	sand.u32 $0x1, s1  }
0x8c: {  	s17 =	sshll.u32 s0, $0xA;
	s2 =	sadd.s32 s3, s2  }
0x8d: {  	s2 =	sadd.s32 s2, s17  }
0x8e: {  	[smem:$0x3FC2] =	sst s2  }
0x8f: {  	_ = 	snop  }
0x90: {  	s2 =	sld [smem:$0x3FC5]  }
0x91: {  	s18 =	sld [smem:$0x3FC4]  }
0x92: {  	s4 =	sld [smem:$0x3FD0];
	(tm) =	ssettm $0x1  }
0x93: {  	s5 =	sld [smem:$0x3FFB];
	_ =	sdelay $0x3  }
0x94: {  	_ =	strace s5  }
0x95: {  	s5 =	sld [smem:$0x3FFC];
	_ =	sdelay $0x3  }
0x96: {  	_ =	strace s5  }
0x97: {  	s5 =	sld [smem:$0x3FFD];
	_ =	sdelay $0x3  }
0x98: {  	_ =	strace s5  }
0x99: {  	_ =	strace $0x8FFFFFFF  }
0x9a: {  	s19 =	sld [smem:$0x3FDB];
	_ =	sdelay $0x1  }
0x9b: {  	s6 =	simm.s32 $_scs_section_size  }
0x9c: {  	s7 =	simm.s32 $_size__tile_overlayer_lowered;
	s8 =	simm.s32 $_tile_overlayer_lowered  }
0x9d: {  	s22 =	simm.s32 $0x1BFF;
	s21 =	sshll.u32 s8, $0x1;
	s5 =	sadd.s32 s6, s19  }
0x9e: {  	s9 =	simm.s32 $0x0;
	s20 =	sshll.u32 s7, $0x1;
	s7 =	sadd.s32 s21, s5  }
0x9f: {  	[timem:s9], [sflag:s22] =	dma.local [hbm:s7], s20  }
0xa0: {  	_ =	swait.ge [sflag:s22], s20  }
0xa1: {  	s6 =	ssub.s32 $0x0, s20;
	[sflag:s22] =	ssyncset.done $0x0  }
0xa2: {  	[sflag:s22] =	ssyncadd.s32 s6;
	_ =	sdelay $0x1  }
0xa3: {  	s23 =	simm.s32 $0x1B8B  }
0xa4: {  	_ =	swait.ge [sflag:s23], $0x1  }
0xa5: {  	[sflag:s23] =	ssyncset.done $0x0  }
0xa6: {  	s25 =	simm.s32 $0x1B8E;
	s24 =	sld [smem:$0x3FFE];
	[sflag:s23] =	ssyncadd.s32 $0xFFFFFFFF  }
0xa7: {  	s26 =	simm.s32 $execute0_lowered;
	[smem:$0x3FD2] =	sst s25  }
0xa8: {  	s7 =	sshll.u32 s26, $0x1;
	_ =	strace $0x80000046;
	[dreg:$0x1] =	wrdreg $0xFFFFFFFF  }
0xa9: {  	s28 =	simm.s32 $_size_execute0_lowered;
	s5 =	sadd.s32 s5, s7;
	[dreg:$0x0] =	wrdreg $0x0  }
0xaa: {  	s7 =	sshll.u32 s28, $0x1;
	[dreg:$0x2] =	wrdreg s5  }
0xab: {  	[dreg:$0x3] =	wrdreg s7  }
0xac: {  	[dreg:$0x4] =	wrdreg $0xC0  }
0xad: {  	_ =	task [dreg:s9], $0x5FFFF  }
0xae: {  	[dreg:$0x1] =	wrdreg $0xFFFFFFFF  }
0xaf: {  	[dreg:$0x0] =	wrdreg $0x60  }
0xb0: {  	[dreg:$0x2] =	wrdreg s2  }
0xb1: {  	[dreg:$0x3] =	wrdreg s4  }
0xb2: {  	[dreg:$0x4] =	wrdreg s18  }
0xb3: {  	[dreg:$0x5] =	wrdreg s24  }
0xb4: {  	[dreg:$0x6] =	wrdreg $0x9  }
0xb5: {  	_ =	task.clear_ibuf [dreg:s9], $0x7FFFF;
	_ =	strace $0x90000046  }
0xb6: {  	s29 =	simm.s32 $0x9;
	_ =	strace $0x80000048  }
0xb7: {  	_ =	swait.ge [sflag:s29], $0x1  }
0xb8: {  	[sflag:s29] =	ssyncadd.s32 $0xFFFFFFFF  }
0xb9: {  	_ =	strace $0x90000048  }
0xba: {  	_ =	sfence  }
0xbb: {  	s30 =	sld [smem:$0x0];
	_ =	sdelay $0x2  }
0xbc: {  	s31 =	sshll.u32 s1, $0xD;
	s1 =	sshrl.u32 s1, $0x2  }
0xbd: {  	s3 =	sand.u32 $0x4000, s31;
	s1 =	sadd.s32 s1, s30  }
0xbe: {  	s0 =	sor.u32 s3, s0;
	s1 =	sshll.u32 s1, $0x11  }
0xbf: {  	s0 =	sor.u32 s1, s0  }
0xc0: {  	s0 =	sadd.s32 $0x8F2B, s0  }
0xc1: {  	[sflag:s0] =	ssyncadd.remote.s32 $0x1  }
0xc2: {  	_ =	sfence.sel $0xFFFF  }
0xc3: {  	[dreg:$0x0] =	wrdreg $0xFFFFFFFF;
	(pc) =	sbr.abs _section_cstart, $3  }
0xc4: {  	[dreg:$0x1] =	wrdreg $0xFFFFFFFF  }
0xc5: {  	_ =	task.clear_ibuf [dreg:s9], $0x2FFFF;
	_ =	strace $0x9FFFFFFF  }
0xc6: {  	(tm) =	ssettm $0x7FFFFFFF  }
0xc7: {  	_ =	shalt  }
tec
execute0_lowered:
.L_overlay_start_1:
0x0: {  	(tag) =	ssettag $0x1  }
0x1: {  	v0 =	vimm.s32 $0xFEDCBA98;
	v1 =	vimm.s32 $0x76543210  }
0x2: {  	v2 =	vimm.s32 $0xBA98FEDC;
	v3 =	vimm.s32 $0x32107654;
	v4 =	vimm.s32 $0xDCFE98BA  }
0x3: {  	v5 =	vimm.s32 $0x54761032;
	v6 =	vimm.s32 $0xEFCDAB89;
	v7 =	vimm.s32 $0x67452301  }
0x4: {  	vm0 =	vmmov $0x1;
	vm1 =	vmmov $0x3;
	vm2 =	vmmov $0x7  }
0x5: {  	s5 =	rddreg [dreg:$0x0];
	vm3 =	vmmov $0xf;
	vm4 =	vmmov $0x1f;
	vm5 =	vmmov $0x3f  }
0x6: {  	s0 =	rddreg [dreg:$0x1];
	vm6 =	vmmov $0x7f;
	vm7 =	vmmov $0xff;
	vm8 =	vmmov $0x1ff  }
0x7: {  	s2 =	srdreg.scid;
	s1 =	stileid.u32;
	vm9 =	vmmov $0x3ff;
	vm10 =	vmmov $0x7ff;
	vm11 =	vmmov $0xfff  }
0x8: {  	s4 =	rddreg [dreg:$0x2];
	v0 =	vunpack.c.l.s4.s8 v0;
	v1 =	vunpack.c.l.s4.s8 v1;
	v2 =	vunpack.c.l.s4.s8 v2;
	s6 =	sand.u32 $0x1, s2;
	s29 =	sshll.u32 s1, $0x1  }
0x9: {  	s7 =	rddreg [dreg:$0x3];
	s3 =	simm.s32 $0x0;
	v3 =	vunpack.c.l.s4.s8 v3;
	v4 =	vunpack.c.l.s4.s8 v4;
	v5 =	vunpack.c.l.s4.s8 v5;
	s8 =	sor.u32 s6, s29  }
0xa: {  	s10 =	simm.s32 $0x18080;
	v6 =	vunpack.c.l.s4.s8 v6;
	v7 =	vunpack.c.l.s4.s8 v7;
	s2 =	rddreg [dreg:$0x4];
	v0 =	vunpack.c.0.s8.s32 v0;
	s8 =	smul.u32 $0x300, s8  }
0xb: {  	s11 =	simm.s32 $0x18380;
	s12 =	simm.s32 $0x0;
	[smem:$0x7FF] =	sst s3;
	v2 =	vunpack.c.0.s8.s32 v2;
	v3 =	vunpack.c.0.s8.s32 v3;
	v4 =	vunpack.c.0.s8.s32 v4  }
0xc: {  	_ =	strace $0x80000047;
	s6 =	ssub.s32 $0x2, s6;
	v5 =	vunpack.c.0.s8.s32 v5;
	v6 =	vunpack.c.0.s8.s32 v6;
	v7 =	vunpack.c.0.s8.s32 v7;
	s9 =	sshrl.u32 s8, $0x3  }
0xd: {  	vm12 =	vmmov $0x1fff;
	v1 =	vunpack.c.0.s8.s32 v1;
	s30 =	sshrl.u32 s6, $0x1;
	v2 =	vcombine.low v3, v2;
	s8 =	sadd.s32 $0x126A0, s8;
	s7 =	sadd.s32 s9, s7  }
0xe: {  	v3 =	vcombine.low v5, v4;
	v4 =	vcombine.low v7, v6;
	v0 =	vand.u32 $0xF, v0;
	s9 =	ssub.s32 s6, s30;
	s31 =	sshrl.u32 s8, $0x3;
	s8 =	sshll.u32 s8, $0x4  }
0xf: {  	vm13 =	vmmov $0x3fff;
	vm14 =	vmmov $0x7fff;
	v0 =	vcombine.low v0, v1;
	s4 =	sadd.s32 s4, s31;
	s5 =	sadd.s32 s5, s8;
	s6 =	sadd.s32 $0x1000, s7  }
0x10: {  	v1 =	vand.u32 $0xF, v2;
	v2 =	vand.u32 $0xF, v3;
	v3 =	vand.u32 $0xF, v4;
	s7 =	smax.u32 s9, $0x1;
	s8 =	simm.s32 $0x18000;
	s9 =	simm.s32 $0x1  }
.LBB2_1:
0x11: {  	[tilespmem:s8], [sflag:$0x1] =	stream.linear.gather [hbm4b:s0+s3], $0x80, $0x38;
	[tilespmem:$0x18680] =	vst v63  }
0x12: {  	_ =	swait.ge [sflag:s9], $0x80  }
0x13: {  	[sflag:s9] =	ssyncset.done $0x0  }
0x14: {  	[sflag:s9] =	ssyncadd.s32 $0xFFFFFF80  }
0x15: {  	[tilespmem:s10], [sflag:$0x1] =	stream.linear.gather [hbm4b:s4+s3], $0x300, $0x38;
	[tilespmem:$0x18680] =	vst v63  }
0x16: {  	_ =	swait.ge [sflag:s9], $0x300  }
0x17: {  	[sflag:s9] =	ssyncset.done $0x0  }
0x18: {  	[sflag:s9] =	ssyncadd.s32 $0xFFFFFD00  }
0x19: {  	[tilespmem:s3], [sflag:$0x1] =	stream.linear.gather [hbm4b:s5+s3], $0x18000, $0x38;
	[tilespmem:$0x18680] =	vst v63  }
0x1a: {  	_ =	swait.ge [sflag:s9], $0x18000  }
0x1b: {  	[sflag:s9] =	ssyncset.done $0x0  }
0x1c: {  	[sflag:s9] =	ssyncadd.s32 $0xFFFE8000  }
0x1d: {  	v11 =	vld [tilespmem:$0x18000]  }
0x1e: {  	v10 =	vld [tilespmem:$0x18010]  }
0x1f: {  	v9 =	vld [tilespmem:$0x18020]  }
0x20: {  	v8 =	vld [tilespmem:$0x18030]  }
0x21: {  	v7 =	vld [tilespmem:$0x18040]  }
0x22: {  	v6 =	vld [tilespmem:$0x18050]  }
0x23: {  	v5 =	vld [tilespmem:$0x18060]  }
0x24: {  	s13 =	simm.s32 $0x400;
	v4 =	vld [tilespmem:$0x18070]  }
0x25: {  	v12 =	vld [tilespmem:s13+$0x3F0]  }
0x26: {  	v13 =	vld [tilespmem:s13+$0x370]  }
0x27: {  	v14 =	vld [tilespmem:s13+$0x3E0]  }
0x28: {  	v15 =	vld [tilespmem:s13+$0x2F0]  }
0x29: {  	v16 =	vld [tilespmem:s13+$0x360]  }
0x2a: {  	v17 =	vld [tilespmem:s13+$0x3D0]  }
0x2b: {  	v18 =	vld [tilespmem:s13+$0x270]  }
0x2c: {  	v19 =	vld [tilespmem:s13+$0x2E0]  }
0x2d: {  	v20 =	vld [tilespmem:s13+$0x350]  }
0x2e: {  	v21 =	vld [tilespmem:s13+$0x3C0]  }
0x2f: {  	v22 =	vld [tilespmem:s13+$0x1F0]  }
0x30: {  	v23 =	vld [tilespmem:s13+$0x260]  }
0x31: {  	v24 =	vld [tilespmem:s13+$0x2D0]  }
0x32: {  	v25 =	vld [tilespmem:s13+$0x340]  }
0x33: {  	v26 =	vld [tilespmem:s13+$0x3B0]  }
0x34: {  	v27 =	vld [tilespmem:s13+$0x170]  }
0x35: {  	v28 =	vld [tilespmem:s13+$0x1E0]  }
0x36: {  	v29 =	vld [tilespmem:s13+$0x250]  }
0x37: {  	v30 =	vld [tilespmem:s13+$0x2C0]  }
0x38: {  	v31 =	vld [tilespmem:s13+$0x330]  }
0x39: {  	v32 =	vld [tilespmem:s13+$0x380]  }
0x3a: {  	v33 =	vld [tilespmem:s13+$0x3A0]  }
0x3b: {  	v34 =	vld [tilespmem:s13+$0x390]  }
0x3c: {  	v35 =	vld [tilespmem:s13+$0xF0]  }
0x3d: {  	v36 =	vld [tilespmem:s13+$0x160]  }
0x3e: {  	v37 =	vld [tilespmem:s13+$0x1D0]  }
0x3f: {  	v38 =	vld [tilespmem:s13+$0x240]  }
0x40: {  	v39 =	vld [tilespmem:s13+$0x2B0];
	v32 =	vmul.f32 v32, v11;
	v34 =	vmul.f32 v34, v10  }
0x41: {  	v40 =	vld [tilespmem:s13+$0x320];
	v33 =	vmul.f32 v33, v9;
	v12 =	vmul.f32 v12, v4  }
0x42: {  	v43 =	vld [tilespmem:s13+$0x300];
	v13 =	vmul.f32 v13, v4;
	v14 =	vmul.f32 v14, v5  }
0x43: {  	v53 =	vld [tilespmem:s13+$0x310];
	v42 =	vmul.f32 v15, v4;
	v26 =	vmul.f32 v26, v8  }
0x44: {  	v44 =	vld [tilespmem:s13+$0x280];
	v16 =	vmul.f32 v16, v5;
	v54 =	vmul.f32 v17, v6;
	v32 =	vadd.f32 $0.0e+00, v32  }
0x45: {  	v45 =	vld [tilespmem:s13+$0x150];
	v18 =	vmul.f32 v18, v4;
	v21 =	vmul.f32 v21, v7  }
0x46: {  	v58 =	vld [tilespmem:s13+$0xD0];
	v46 =	vmul.f32 v19, v5;
	v20 =	vmul.f32 v20, v6;
	v32 =	vadd.f32 v34, v32  }
0x47: {  	v60 =	vld [tilespmem:s13+$0x220];
	v47 =	vmul.f32 v24, v6;
	v24 =	vmul.f32 v43, v11  }
0x48: {  	v61 =	vld [tilespmem:s13+$0x210];
	v23 =	vmul.f32 v23, v5;
	v25 =	vmul.f32 v25, v7;
	v15 =	vadd.f32 v33, v32  }
0x49: {  	v19 =	vld [tilespmem:s13+$0x290];
	v55 =	vmul.f32 v44, v11;
	v24 =	vadd.f32 $0.0e+00, v24;
	v32 =	vmul.f32 v53, v10  }
0x4a: {  	v48 =	vld [tilespmem:s13+$0xFFFFFFE0];
	v44 =	vmul.f32 v28, v5;
	v28 =	vmul.f32 v40, v9;
	v17 =	vadd.f32 v26, v15  }
0x4b: {  	v29 =	vmul.f32 v29, v6;
	v15 =	vmul.f32 v22, v4;
	v22 =	vld [tilespmem:s13+$0x1C0];
	v24 =	vadd.f32 v32, v24  }
0x4c: {  	v31 =	vmul.f32 v31, v8;
	v39 =	vmul.f32 v39, v8;
	v26 =	vld [tilespmem:s13+$0x2A0];
	v21 =	vadd.f32 v21, v17  }
0x4d: {  	v38 =	vmul.f32 v38, v7;
	v17 =	vmul.f32 v27, v4;
	v27 =	vld [tilespmem:s13+$0x230];
	v24 =	vadd.f32 v28, v24  }
0x4e: {  	v19 =	vmul.f32 v19, v10;
	v33 =	vmul.f32 v45, v6;
	v28 =	vld [tilespmem:s13+$0x1B0];
	v21 =	vadd.f32 v54, v21  }
0x4f: {  	v41 =	vld [tilespmem:s13+$0x70];
	v32 =	vmul.f32 v58, v6;
	v31 =	vadd.f32 v31, v24;
	v24 =	vmul.f32 v35, v4  }
0x50: {  	v59 =	vld [tilespmem:s13+$0x200];
	v35 =	vmul.f32 v60, v9;
	v14 =	vadd.f32 v14, v21;
	v21 =	vadd.f32 $0.0e+00, v55  }
0x51: {  	v54 =	vld [tilespmem:s13+$0x1A0];
	v45 =	vmul.f32 v22, v7;
	v22 =	vmul.f32 v61, v10;
	v25 =	vadd.f32 v25, v31  }
0x52: {  	v52 =	vld [tilespmem:s13+$0xE0];
	v27 =	vmul.f32 v27, v8;
	v19 =	vadd.f32 v19, v21;
	v21 =	vmul.f32 v26, v9  }
0x53: {  	v56 =	vld [tilespmem:s13+$0xFFFFFFF0];
	v61 =	vmul.f32 v28, v8;
	v28 =	vmul.f32 v48, v5;
	v12 =	vadd.f32 v12, v14  }
0x54: {  	v53 =	vld [tilespmem:s13+$0x190];
	v26 =	vmul.f32 v30, v7;
	v20 =	vadd.f32 v20, v25;
	v19 =	vadd.f32 v21, v19  }
0x55: {  	v57 =	vld [tilespmem:s13+$0x60];
	v25 =	vmul.f32 v59, v11;
	v30 =	vperm.xlane v12, v0  }
0x56: {  	v49 =	vld [tilespmem:s13+$0xFFFFFE70];
	v58 =	vmul.f32 v54, v9;
	v16 =	vadd.f32 v16, v20;
	v62 =	vadd.f32 v39, v19  }
0x57: {  	v48 =	vld [tilespmem:s13+$0xFFFFFF40];
	v21 =	vmul.f32 v36, v5;
	v20 =	vadd.f32 $0.0e+00, v25;
	v12 =	vadd.f32 v12, v30  }
0x58: {  	v30 =	vmul.f32 v37, v6;
	v37 =	vadd.f32 v26, v62;
	v26 =	vmul.f32 v52, v5;
	v52 =	vld [tilespmem:s13+$0x180]  }
0x59: {  	v36 =	vmul.f32 v53, v10;
	v53 =	vld [tilespmem:s13+$0xB0];
	v13 =	vadd.f32 v13, v16;
	v22 =	vadd.f32 v22, v20  }
0x5a: {  	v51 =	vld [tilespmem:s13+$0x10];
	v19 =	vmul.f32 v41, v4;
	v63 =	vperm.xlane v12, v1  }
0x5b: {  	v41 =	vld [tilespmem:s13+$0x50];
	v20 =	vmul.f32 v56, v4;
	v55 =	vperm.xlane v13, v0;
	v22 =	vadd.f32 v35, v22  }
0x5c: {  	v39 =	vld [tilespmem:s13+$0xC0];
	v48 =	vmul.f32 v48, v7;
	v12 =	vadd.f32 v12, v63;
	v37 =	vadd.f32 v47, v37  }
0x5d: {  	v60 =	vld [tilespmem:s13+$0x100];
	v13 =	vadd.f32 v13, v55;
	v22 =	vadd.f32 v27, v22;
	v34 =	vmul.f32 v52, v11  }
0x5e: {  	v31 =	vld [tilespmem:s13+$0xFFFFFF70];
	v47 =	vmul.f32 v53, v8;
	v25 =	vadd.f32 v46, v37;
	v16 =	vperm.xlane v12, v2  }
0x5f: {  	v14 =	vld [tilespmem:s13+$0x140];
	v22 =	vadd.f32 v38, v22;
	v52 =	vperm.xlane v13, v1;
	v34 =	vadd.f32 $0.0e+00, v34  }
0x60: {  	v59 =	vld [tilespmem:s13+$0x120];
	v41 =	vmul.f32 v41, v6;
	v42 =	vadd.f32 v42, v25;
	v12 =	vadd.f32 v12, v16  }
0x61: {  	v39 =	vmul.f32 v39, v7;
	v37 =	vld [tilespmem:s13+$0x130];
	v13 =	vadd.f32 v13, v52;
	v34 =	vadd.f32 v36, v34  }
0x62: {  	v25 =	vmul.f32 v57, v5;
	v57 =	vld [tilespmem:s13+$0xFFFFFFD0];
	v29 =	vadd.f32 v29, v22;
	v56 =	vperm.xlane v42, v0  }
0x63: {  	v62 =	vld [tilespmem:s13+$0x110];
	v22 =	vmul.f32 v31, v4;
	v31 =	vperm.xlane v13, v2;
	v34 =	vadd.f32 v58, v34  }
0x64: {  	v54 =	vld [tilespmem:s13+$0x90];
	v46 =	vmul.f32 v14, v7;
	v23 =	vadd.f32 v23, v29;
	v40 =	vadd.f32 v42, v56  }
0x65: {  	v38 =	vmul.f32 v59, v9;
	v13 =	vadd.f32 v13, v31;
	v31 =	vld [tilespmem:s13+$0x80];
	v34 =	vadd.f32 v61, v34  }
0x66: {  	v16 =	vld [tilespmem:s13+$0xFFFFFEF0];
	v18 =	vadd.f32 v18, v23;
	v23 =	vmul.f32 v60, v11;
	v14 =	vperm.xlane v40, v1  }
0x67: {  	v27 =	vld [tilespmem:s13+$0x40];
	v37 =	vmul.f32 v37, v8;
	v43 =	vmul.f32 v57, v6;
	v34 =	vadd.f32 v45, v34  }
0x68: {  	v57 =	vld [tilespmem:s13+$0xA0];
	v23 =	vadd.f32 $0.0e+00, v23;
	v14 =	vadd.f32 v40, v14;
	v40 =	vmul.f32 v62, v10  }
0x69: {  	v42 =	vmul.f32 v54, v10;
	v58 =	vld [tilespmem:s13+$0x30];
	v55 =	vperm.xlane v18, v0;
	v30 =	vadd.f32 v30, v34  }
0x6a: {  	v35 =	vld [tilespmem:s13+$0xFFFFFF60];
	v54 =	vmul.f32 v51, v10;
	v31 =	vmul.f32 v31, v11;
	v23 =	vadd.f32 v40, v23  }
0x6b: {  	v63 =	vld [tilespmem:s13+$0xFFFFFEE0];
	v16 =	vmul.f32 v16, v4;
	v18 =	vadd.f32 v18, v55;
	v30 =	vadd.f32 v44, v30  }
0x6c: {  	v56 =	vld [tilespmem:s13+$0xFFFFFFC0];
	v29 =	vperm.xlane v14, v2;
	v31 =	vadd.f32 $0.0e+00, v31;
	v23 =	vadd.f32 v38, v23  }
0x6d: {  	v44 =	vmul.f32 v27, v7;
	v27 =	vperm.xlane v18, v1;
	v15 =	vadd.f32 v15, v30;
	v30 =	vld [tilespmem:s13+$0x0]  }
0x6e: {  	v55 =	vld [tilespmem:s13+$0xFFFFFF90];
	v61 =	vmul.f32 v57, v9;
	v34 =	vmul.f32 v58, v8;
	v31 =	vadd.f32 v42, v31  }
0x6f: {  	v45 =	vld [tilespmem:s13+$0xFFFFFF50];
	v37 =	vadd.f32 v37, v23;
	v27 =	vadd.f32 v18, v27;
	v50 =	vperm.xlane v15, v0  }
0x70: {  	v58 =	vld [tilespmem:s13+$0xFFFFFF00];
	v14 =	vadd.f32 v14, v29;
	v23 =	vmul.f32 v63, v5;
	v31 =	vadd.f32 v61, v31  }
0x71: {  	v63 =	vld [tilespmem:s13+$0x20];
	v37 =	vadd.f32 v46, v37;
	v62 =	vadd.f32 v15, v50;
	v15 =	vperm.xlane v27, v2  }
0x72: {  	v59 =	vld [tilespmem:s13+$0xFFFFFE60];
	v29 =	vmul.f32 v35, v5;
	v31 =	vadd.f32 v47, v31;
	v30 =	vmul.f32 v30, v11  }
0x73: {  	v35 =	vmul.f32 v56, v7;
	v33 =	vadd.f32 v33, v37;
	v15 =	vadd.f32 v27, v15;
	v27 =	vld [tilespmem:s13+$0xFFFFFF80]  }
0x74: {  	v52 =	vld [tilespmem:s13+$0xFFFFFFB0];
	v45 =	vmul.f32 v45, v6;
	v18 =	vmul.f32 v49, v4;
	v30 =	vadd.f32 $0.0e+00, v30  }
0x75: {  	v60 =	vld [tilespmem:s13+$0xFFFFFED0];
	v49 =	vmul.f32 v55, v10;
	v31 =	vadd.f32 v39, v31;
	v21 =	vadd.f32 v21, v33  }
0x76: {  	v51 =	vld [tilespmem:s13+$0xFFFFFC50];
	v40 =	vmul.f32 v58, v11;
	v36 =	vmul.f32 v63, v9;
	v30 =	vadd.f32 v54, v30  }
0x77: {  	v56 =	vld [tilespmem:s13+$0xFFFFFFA0];
	v53 =	vperm.xlane v62, v1;
	v31 =	vadd.f32 v32, v31;
	v17 =	vadd.f32 v17, v21  }
0x78: {  	v55 =	vld [tilespmem:s13+$0xFFFFFE40];
	v21 =	vmul.f32 v59, v5;
	v59 =	vmul.f32 v27, v11;
	v30 =	vadd.f32 v36, v30  }
0x79: {  	v61 =	vld [tilespmem:s13+$0xFFFFFF30];
	v46 =	vadd.f32 v62, v53;
	v26 =	vadd.f32 v26, v31;
	v31 =	vperm.xlane v17, v0  }
0x7a: {  	v27 =	vmul.f32 v60, v6;
	v60 =	vld [tilespmem:s13+$0xFFFFFF10];
	v47 =	vadd.f32 $0.0e+00, v59;
	v30 =	vadd.f32 v34, v30  }
0x7b: {  	v50 =	vld [tilespmem:s13+$0xFFFFFE30];
	v57 =	vperm.xlane v46, v2;
	v24 =	vadd.f32 v24, v26;
	v26 =	vadd.f32 v17, v31  }
0x7c: {  	v39 =	vmul.f32 v56, v9;
	v31 =	vld [tilespmem:s13+$0xFFFFFF20];
	v47 =	vadd.f32 v49, v47;
	v30 =	vadd.f32 v44, v30  }
0x7d: {  	v37 =	vld [tilespmem:s13+$0xFFFFFDE0];
	v40 =	vadd.f32 $0.0e+00, v40;
	v17 =	vadd.f32 v46, v57;
	v62 =	vperm.xlane v24, v0  }
0x7e: {  	v42 =	vmul.f32 v52, v8;
	v63 =	vld [tilespmem:s13+$0xFFFFFDD0];
	v53 =	vadd.f32 v39, v47;
	v30 =	vadd.f32 v41, v30  }
0x7f: {  	v33 =	vld [tilespmem:s13+$0xFFFFFE50];
	v54 =	vperm.xlane v26, v1;
	v24 =	vadd.f32 v24, v62;
	v38 =	vmul.f32 v60, v10  }
0x80: {  	v36 =	vld [tilespmem:s13+$0xFFFFFEC0];
	v46 =	vmul.f32 v50, v8;
	v32 =	vadd.f32 v42, v53;
	v25 =	vadd.f32 v25, v30  }
0x81: {  	v59 =	vld [tilespmem:s13+$0xFFFFFE80];
	v26 =	vadd.f32 v26, v54;
	v31 =	vmul.f32 v31, v9;
	v30 =	vadd.f32 v38, v40  }
0x82: {  	v34 =	vmul.f32 v55, v7;
	v47 =	vld [tilespmem:s13+$0xFFFFFEB0];
	v32 =	vadd.f32 v35, v32;
	v56 =	vadd.f32 v19, v25  }
0x83: {  	v44 =	vld [tilespmem:s13+$0xFFFFFC70];
	v19 =	vperm.xlane v24, v1;
	v30 =	vadd.f32 v31, v30;
	v31 =	vmul.f32 v61, v8  }
0x84: {  	v49 =	vld [tilespmem:s13+$0xFFFFFDC0];
	v57 =	vperm.xlane v26, v2;
	v25 =	vmul.f32 v37, v5;
	v32 =	vadd.f32 v43, v32  }
0x85: {  	v60 =	vld [tilespmem:s13+$0xFFFFFE90];
	v35 =	vmul.f32 v36, v7;
	v24 =	vadd.f32 v24, v19;
	v31 =	vadd.f32 v31, v30  }
0x86: {  	v39 =	vld [tilespmem:s13+$0xFFFFFD90];
	v58 =	vperm.xlane v56, v0;
	v19 =	vadd.f32 v26, v57;
	v26 =	vadd.f32 v28, v32  }
0x87: {  	v42 =	vld [tilespmem:s13+$0xFFFFFC60];
	v47 =	vmul.f32 v47, v8;
	v28 =	vperm.xlane v24, v2;
	v31 =	vadd.f32 v48, v31  }
0x88: {  	v30 =	vmul.f32 v33, v6;
	v38 =	vadd.f32 v56, v58;
	v56 =	vld [tilespmem:s13+$0xFFFFFE10];
	v61 =	vadd.f32 v20, v26  }
0x89: {  	v57 =	vmul.f32 v59, v11;
	v20 =	vadd.f32 v24, v28;
	v24 =	vld [tilespmem:s13+$0xFFFFFE00];
	v31 =	vadd.f32 v45, v31  }
0x8a: {  	v40 =	vld [tilespmem:s13+$0xFFFFFEA0];
	v33 =	vmul.f32 v60, v10;
	v54 =	vperm.xlane v61, v0  }
0x8b: {  	v36 =	vld [tilespmem:s13+$0xFFFFFC40];
	v59 =	vadd.f32 $0.0e+00, v57;
	v62 =	vperm.xlane v38, v1;
	v31 =	vadd.f32 v29, v31  }
0x8c: {  	v26 =	vmul.f32 v44, v4;
	v28 =	vmul.f32 v63, v6;
	v63 =	vld [tilespmem:s13+$0xFFFFFE20];
	v41 =	vadd.f32 v61, v54  }
0x8d: {  	v37 =	vld [tilespmem:s13+$0xFFFFFDA0];
	v29 =	vmul.f32 v42, v5;
	v52 =	vmul.f32 v56, v10;
	v60 =	vadd.f32 v22, v31  }
0x8e: {  	v43 =	vld [tilespmem:s13+$0xFFFFFC00];
	v55 =	vadd.f32 v38, v62;
	v24 =	vmul.f32 v24, v11;
	v31 =	vperm.xlane v41, v1  }
0x8f: {  	v32 =	vld [tilespmem:s13+$0xFFFFFDB0];
	v33 =	vadd.f32 v33, v59;
	v61 =	vmul.f32 v40, v9;
	v62 =	vperm.xlane v60, v0  }
0x90: {  	v44 =	vld [tilespmem:s13+$0xFFFFFC80];
	v58 =	vperm.xlane v55, v2;
	v24 =	vadd.f32 $0.0e+00, v24;
	v53 =	vadd.f32 v41, v31  }
0x91: {  	v38 =	vld [tilespmem:s13+$0xFFFFFC30];
	v63 =	vmul.f32 v63, v9;
	v33 =	vadd.f32 v61, v33;
	v45 =	vadd.f32 v60, v62  }
0x92: {  	v42 =	vld [tilespmem:s13+$0xFFFFFD80];
	v22 =	vadd.f32 v55, v58;
	v24 =	vadd.f32 v52, v24;
	v54 =	vperm.xlane v53, v2  }
0x93: {  	v40 =	vld [tilespmem:s13+$0xFFFFFC20];
	v31 =	vmul.f32 v49, v7;
	v48 =	vadd.f32 v47, v33;
	v49 =	vperm.xlane v45, v1  }
0x94: {  	s15 =	simm.s32 $0x40;
	s14 =	simm.s32 $0x0;
	v41 =	vld [tilespmem:s13+$0xFFFFFC10];
	v33 =	vmul.f32 v51, v6;
	v47 =	vadd.f32 v63, v24;
	v24 =	vadd.f32 v53, v54  }
.LBB2_2:
0x95: {  	p0 =	sne.s32 s15, $0xBC0;
	v50 =	vld [tilespmem:s13+$0xFFFFFD00];
	v51 =	vmul.f32 v32, v8;
	v35 =	vadd.f32 v35, v48;
	v32 =	vadd.f32 v45, v49  }
0x96: {  	v36 =	vmul.f32 v36, v7;
	v37 =	vmul.f32 v37, v9;
	v45 =	vld [tilespmem:s13+$0xFFFFFC90];
	v46 =	vadd.f32 v46, v47  }
0x97: {  	v38 =	vmul.f32 v38, v8;
	v39 =	vmul.f32 v39, v10;
	v47 =	vld [tilespmem:s13+$0xFFFFFD10];
	v27 =	vadd.f32 v27, v35  }
0x98: {  	v42 =	vmul.f32 v42, v11;
	v35 =	vmul.f32 v40, v9;
	v40 =	vld [tilespmem:s13+$0xFFFFFCA0];
	v34 =	vadd.f32 v34, v46  }
0x99: {  	v43 =	vmul.f32 v43, v11;
	v44 =	vmul.f32 v44, v11;
	v46 =	vld [tilespmem:s13+$0xFFFFFD20];
	v23 =	vadd.f32 v23, v27  }
0x9a: {  	v27 =	vmul.f32 v41, v10;
	v41 =	vld [tilespmem:s13+$0xFFFFFCB0];
	v48 =	vmul.f32 v50, v11;
	v30 =	vadd.f32 v30, v34  }
0x9b: {  	v34 =	vadd.f32 $0.0e+00, v43;
	v43 =	vadd.f32 $0.0e+00, v44;
	v44 =	vmul.f32 v45, v10;
	v45 =	vld [tilespmem:s13+$0xFFFFFD30]  }
0x9c: {  	v42 =	vadd.f32 $0.0e+00, v42;
	v49 =	vld [tilespmem:s13+$0xFFFFFCC0];
	v48 =	vadd.f32 $0.0e+00, v48;
	v47 =	vmul.f32 v47, v10  }
0x9d: {  	v27 =	vadd.f32 v27, v34;
	v34 =	vadd.f32 v44, v43;
	v40 =	vmul.f32 v40, v9;
	v43 =	vld [tilespmem:s13+$0xFFFFFD40]  }
0x9e: {  	v39 =	vadd.f32 v39, v42;
	v44 =	vld [tilespmem:s13+$0xFFFFFCD0];
	v47 =	vadd.f32 v47, v48;
	v46 =	vmul.f32 v46, v9  }
0x9f: {  	v27 =	vadd.f32 v35, v27;
	v34 =	vadd.f32 v40, v34;
	v35 =	vmul.f32 v41, v8;
	v40 =	vld [tilespmem:s13+$0xFFFFFD50]  }
0xa0: {  	v37 =	vadd.f32 v37, v39;
	v41 =	vld [tilespmem:s13+$0xFFFFFCE0];
	v42 =	vadd.f32 v46, v47;
	v45 =	vmul.f32 v45, v8  }
0xa1: {  	v27 =	vadd.f32 v38, v27;
	v34 =	vadd.f32 v35, v34;
	v35 =	vmul.f32 v49, v7;
	v38 =	vld [tilespmem:s13+$0xFFFFFD60]  }
0xa2: {  	v37 =	vadd.f32 v51, v37;
	v39 =	vld [tilespmem:s13+$0xFFFFFCF0];
	v42 =	vadd.f32 v45, v42;
	v43 =	vmul.f32 v43, v7  }
0xa3: {  	v27 =	vadd.f32 v36, v27;
	v34 =	vadd.f32 v35, v34;
	v35 =	vmul.f32 v44, v6;
	v36 =	vld [tilespmem:s13+$0xFFFFFD70]  }
0xa4: {  	v31 =	vadd.f32 v31, v37;
	v42 =	vadd.f32 v43, v42;
	v40 =	vmul.f32 v40, v6;
	v37 =	vld [tilespmem:s13+$0xFFFFFDF0]  }
0xa5: {  	v27 =	vadd.f32 v33, v27;
	v33 =	vadd.f32 v35, v34;
	v34 =	vmul.f32 v41, v5  }
0xa6: {  	v28 =	vadd.f32 v28, v31;
	v35 =	vadd.f32 v40, v42;
	v38 =	vmul.f32 v38, v5  }
0xa7: {  	v27 =	vadd.f32 v29, v27;
	v29 =	vadd.f32 v34, v33;
	v31 =	vmul.f32 v39, v4  }
0xa8: {  	v25 =	vadd.f32 v25, v28;
	v33 =	vadd.f32 v38, v35;
	v34 =	vmul.f32 v36, v4  }
0xa9: {  	v26 =	vadd.f32 v26, v27;
	v27 =	vadd.f32 v31, v29;
	v28 =	vmul.f32 v37, v4  }
0xaa: {  	v21 =	vadd.f32 v21, v30;
	v30 =	vperm.xlane v32, v2;
	v29 =	vadd.f32 v34, v33  }
0xab: {  	v31 =	vperm.xlane v26, v0;
	v33 =	vperm.xlane v27, v0;
	v25 =	vadd.f32 v28, v25  }
0xac: {  	v16 =	vadd.f32 v16, v23;
	v18 =	vadd.f32 v18, v21;
	v28 =	vperm.xlane v29, v0  }
0xad: {  	v21 =	vadd.f32 v26, v31;
	v23 =	vadd.f32 v27, v33;
	v26 =	vperm.xlane v25, v0  }
0xae: {  	v27 =	vadd.f32 v29, v28;
	v28 =	vperm.xlane v18, v0;
	v29 =	vperm.xlane v16, v0  }
0xaf: {  	v31 =	vperm.xlane v21, v1;
	v33 =	vperm.xlane v23, v1;
	v25 =	vadd.f32 v25, v26  }
0xb0: {  	v26 =	vperm.xlane v27, v1;
	v18 =	vadd.f32 v18, v28;
	v16 =	vadd.f32 v16, v29  }
0xb1: {  	v21 =	vadd.f32 v21, v31;
	v23 =	vadd.f32 v23, v33;
	v28 =	vperm.xlane v25, v1  }
0xb2: {  	v26 =	vadd.f32 v27, v26;
	v27 =	vperm.xlane v18, v1;
	v29 =	vperm.xlane v16, v1  }
0xb3: {  	v31 =	vperm.xlane v21, v2;
	v33 =	vperm.xlane v23, v2;
	v25 =	vadd.f32 v25, v28  }
0xb4: {  	v28 =	vperm.xlane v26, v2;
	v18 =	vadd.f32 v18, v27;
	v16 =	vadd.f32 v16, v29  }
0xb5: {  	v21 =	vadd.f32 v21, v31;
	v23 =	vadd.f32 v23, v33;
	v27 =	vperm.xlane v25, v2  }
0xb6: {  	v26 =	vadd.f32 v26, v28;
	v28 =	vperm.xlane v18, v2;
	v29 =	vperm.xlane v16, v2  }
0xb7: {  	v31 =	vperm.xlane v21, v3;
	v33 =	vperm.xlane v23, v3;
	v25 =	vadd.f32 v25, v27  }
0xb8: {  	v27 =	vperm.xlane v26, v3;
	v18 =	vadd.f32 v18, v28;
	v16 =	vadd.f32 v16, v29  }
0xb9: {  	v21 =	vadd.f32 v21, v31;
	v23 =	vadd.f32 v23, v33;
	v28 =	vperm.xlane v25, v3  }
0xba: {  	v29 =	vadd.f32 v32, v30;
	v26 =	vadd.f32 v26, v27;
	v27 =	vperm.xlane v18, v3  }
0xbb: {  	v21 =	vsel vm0, v21, v23;
	v23 =	vadd.f32 v25, v28;
	v25 =	vperm.xlane v16, v3  }
0xbc: {  	v21 =	vsel vm1, v21, v26;
	v18 =	vadd.f32 v18, v27;
	v26 =	vperm.xlane v29, v3  }
0xbd: {  	v21 =	vsel vm2, v21, v23;
	v16 =	vadd.f32 v16, v25;
	v23 =	vperm.xlane v24, v3  }
0xbe: {  	v25 =	vperm.xlane v22, v3;
	v18 =	vsel vm3, v21, v18;
	v21 =	vadd.f32 v29, v26  }
0xbf: {  	v16 =	vsel vm4, v18, v16;
	v18 =	vadd.f32 v24, v23;
	v23 =	vperm.xlane v20, v3  }
0xc0: {  	v16 =	vsel vm5, v16, v21;
	v21 =	vadd.f32 v22, v25;
	v22 =	vperm.xlane v19, v3  }
0xc1: {  	v16 =	vsel vm6, v16, v18;
	v18 =	vadd.f32 v20, v23;
	v20 =	vperm.xlane v17, v3  }
0xc2: {  	v16 =	vsel vm7, v16, v21;
	v19 =	vadd.f32 v19, v22;
	v21 =	vperm.xlane v15, v3  }
0xc3: {  	v16 =	vsel vm8, v16, v18;
	v17 =	vadd.f32 v17, v20;
	v18 =	vperm.xlane v14, v3  }
0xc4: {  	s16 =	sshra.s32 s14, $0x2;
	s14 =	smov.u32 s15;
	v16 =	vsel vm9, v16, v19;
	v15 =	vadd.f32 v15, v21;
	v19 =	vperm.xlane v13, v3  }
0xc5: {  	v16 =	vsel vm10, v16, v17;
	v14 =	vadd.f32 v14, v18;
	v17 =	vperm.xlane v12, v3;
	v18 =	vld [tilespmem:s16+$0x18080]  }
0xc6: {  	v15 =	vsel vm11, v16, v15;
	v13 =	vadd.f32 v13, v19  }
0xc7: {  	v14 =	vsel vm12, v15, v14;
	v12 =	vadd.f32 v12, v17  }
0xc8: {  	v13 =	vsel vm13, v14, v13  }
0xc9: {  	v12 =	vsel vm14, v13, v12  }
0xca: {  	v12 =	vadd.f32 v12, v18;
	_ =	sdelay $0x1  }
0xcb: {  	s13 =	sadd.s32 $0x800, s13;
	[tilespmem:s16+$0x18380] =	vst v12  }
0xcc: {  	v12 =	vld [tilespmem:s13+$0x3F0]  }
0xcd: {  	v13 =	vld [tilespmem:s13+$0x370]  }
0xce: {  	v14 =	vld [tilespmem:s13+$0x3E0]  }
0xcf: {  	v15 =	vld [tilespmem:s13+$0x2F0]  }
0xd0: {  	v16 =	vld [tilespmem:s13+$0x360]  }
0xd1: {  	v17 =	vld [tilespmem:s13+$0x3D0]  }
0xd2: {  	v18 =	vld [tilespmem:s13+$0x270]  }
0xd3: {  	v19 =	vld [tilespmem:s13+$0x2E0]  }
0xd4: {  	v20 =	vld [tilespmem:s13+$0x350]  }
0xd5: {  	v21 =	vld [tilespmem:s13+$0x3C0]  }
0xd6: {  	v22 =	vld [tilespmem:s13+$0x1F0]  }
0xd7: {  	v23 =	vld [tilespmem:s13+$0x260]  }
0xd8: {  	v24 =	vld [tilespmem:s13+$0x2D0]  }
0xd9: {  	v25 =	vld [tilespmem:s13+$0x340]  }
0xda: {  	v26 =	vld [tilespmem:s13+$0x3B0]  }
0xdb: {  	v27 =	vld [tilespmem:s13+$0x170]  }
0xdc: {  	v28 =	vld [tilespmem:s13+$0x1E0]  }
0xdd: {  	v29 =	vld [tilespmem:s13+$0x250]  }
0xde: {  	v30 =	vld [tilespmem:s13+$0x2C0]  }
0xdf: {  	v31 =	vld [tilespmem:s13+$0x330]  }
0xe0: {  	v32 =	vld [tilespmem:s13+$0x380]  }
0xe1: {  	v33 =	vld [tilespmem:s13+$0x3A0]  }
0xe2: {  	v34 =	vld [tilespmem:s13+$0x390]  }
0xe3: {  	v35 =	vld [tilespmem:s13+$0xF0]  }
0xe4: {  	v36 =	vld [tilespmem:s13+$0x160]  }
0xe5: {  	v37 =	vld [tilespmem:s13+$0x1D0];
	v32 =	vmul.f32 v32, v11  }
0xe6: {  	v38 =	vld [tilespmem:s13+$0x240]  }
0xe7: {  	v39 =	vld [tilespmem:s13+$0x2B0];
	v32 =	vadd.f32 $0.0e+00, v32;
	v34 =	vmul.f32 v34, v10  }
0xe8: {  	v40 =	vld [tilespmem:s13+$0x320]  }
0xe9: {  	v12 =	vmul.f32 v12, v4;
	v33 =	vmul.f32 v33, v9;
	v41 =	vld [tilespmem:s13+$0x70];
	v32 =	vadd.f32 v34, v32  }
0xea: {  	v42 =	vmul.f32 v13, v4;
	v43 =	vmul.f32 v14, v5;
	v34 =	vld [tilespmem:s13+$0xE0]  }
0xeb: {  	v44 =	vmul.f32 v15, v4;
	v15 =	vmul.f32 v26, v8;
	v45 =	vld [tilespmem:s13+$0x300];
	v13 =	vadd.f32 v33, v32  }
0xec: {  	v16 =	vmul.f32 v16, v5;
	v32 =	vmul.f32 v17, v6;
	v26 =	vld [tilespmem:s13+$0x310]  }
0xed: {  	v14 =	vmul.f32 v18, v4;
	v21 =	vmul.f32 v21, v7;
	v18 =	vld [tilespmem:s13+$0x280];
	v17 =	vadd.f32 v15, v13  }
0xee: {  	v46 =	vmul.f32 v19, v5;
	v20 =	vmul.f32 v20, v6;
	v33 =	vld [tilespmem:s13+$0x150]  }
0xef: {  	v15 =	vmul.f32 v22, v4;
	v13 =	vmul.f32 v23, v5;
	v19 =	vld [tilespmem:s13+$0x290];
	v21 =	vadd.f32 v21, v17  }
0xf0: {  	v23 =	vmul.f32 v24, v6;
	v22 =	vld [tilespmem:s13+$0x1C0];
	v24 =	vmul.f32 v45, v11  }
0xf1: {  	v25 =	vmul.f32 v25, v7;
	v17 =	vmul.f32 v27, v4;
	v27 =	vld [tilespmem:s13+$0x2A0];
	v21 =	vadd.f32 v32, v21  }
0xf2: {  	v26 =	vmul.f32 v26, v10;
	v32 =	vld [tilespmem:s13+$0x230];
	v45 =	vmul.f32 v18, v11;
	v24 =	vadd.f32 $0.0e+00, v24  }
0xf3: {  	v18 =	vmul.f32 v28, v5;
	v28 =	vmul.f32 v40, v9;
	v47 =	vld [tilespmem:s13+$0xFFFFFFF0];
	v21 =	vadd.f32 v43, v21  }
0xf4: {  	v40 =	vld [tilespmem:s13+$0x60];
	v43 =	vadd.f32 $0.0e+00, v45;
	v19 =	vmul.f32 v19, v10;
	v24 =	vadd.f32 v26, v24  }
0xf5: {  	v29 =	vmul.f32 v29, v6;
	v26 =	vmul.f32 v31, v8;
	v45 =	vld [tilespmem:s13+$0xD0];
	v12 =	vadd.f32 v12, v21  }
0xf6: {  	v31 =	vld [tilespmem:s13+$0x140];
	v19 =	vadd.f32 v19, v43;
	v21 =	vmul.f32 v27, v9;
	v24 =	vadd.f32 v28, v24  }
0xf7: {  	v27 =	vmul.f32 v30, v7;
	v28 =	vld [tilespmem:s13+$0x1B0];
	v30 =	vperm.xlane v12, v0  }
0xf8: {  	v39 =	vmul.f32 v39, v8;
	v43 =	vld [tilespmem:s13+$0x200];
	v19 =	vadd.f32 v21, v19;
	v26 =	vadd.f32 v26, v24  }
0xf9: {  	v24 =	vmul.f32 v35, v4;
	v21 =	vmul.f32 v36, v5;
	v35 =	vld [tilespmem:s13+$0x220];
	v12 =	vadd.f32 v12, v30  }
0xfa: {  	v30 =	vmul.f32 v37, v6;
	v36 =	vld [tilespmem:s13+$0x210];
	v37 =	vadd.f32 v39, v19;
	v25 =	vadd.f32 v25, v26  }
0xfb: {  	v38 =	vmul.f32 v38, v7;
	v39 =	vld [tilespmem:s13+$0xFFFFFF70];
	v48 =	vperm.xlane v12, v1  }
0xfc: {  	v19 =	vmul.f32 v41, v4;
	v49 =	vld [tilespmem:s13+$0xFFFFFFE0];
	v37 =	vadd.f32 v27, v37;
	v20 =	vadd.f32 v20, v25  }
0xfd: {  	v26 =	vmul.f32 v34, v5;
	v41 =	vld [tilespmem:s13+$0x50];
	v25 =	vmul.f32 v43, v11;
	v12 =	vadd.f32 v12, v48  }
0xfe: {  	v27 =	vmul.f32 v33, v6;
	v33 =	vld [tilespmem:s13+$0x180];
	v23 =	vadd.f32 v23, v37;
	v16 =	vadd.f32 v16, v20  }
0xff: {  	v37 =	vmul.f32 v22, v7;
	v34 =	vld [tilespmem:s13+$0xC0];
	v20 =	vadd.f32 $0.0e+00, v25;
	v22 =	vmul.f32 v36, v10  }
0x100: {  	v25 =	vperm.xlane v12, v2;
	v36 =	vld [tilespmem:s13+$0x190];
	v23 =	vadd.f32 v46, v23;
	v16 =	vadd.f32 v42, v16  }
0x101: {  	v32 =	vmul.f32 v32, v8;
	v35 =	vmul.f32 v35, v9;
	v42 =	vld [tilespmem:s13+$0x130];
	v22 =	vadd.f32 v22, v20  }
0x102: {  	v12 =	vadd.f32 v12, v25;
	v43 =	vld [tilespmem:s13+$0x1A0];
	v23 =	vadd.f32 v44, v23;
	v44 =	vperm.xlane v16, v0  }
0x103: {  	v20 =	vmul.f32 v47, v4;
	v46 =	vld [tilespmem:s13+$0xFFFFFEF0];
	v33 =	vmul.f32 v33, v11;
	v22 =	vadd.f32 v35, v22  }
0x104: {  	v25 =	vmul.f32 v40, v5;
	v35 =	vld [tilespmem:s13+$0xFFFFFF60];
	v40 =	vperm.xlane v23, v0;
	v16 =	vadd.f32 v16, v44  }
0x105: {  	v44 =	vld [tilespmem:s13+$0xFFFFFFD0];
	v33 =	vadd.f32 $0.0e+00, v33;
	v36 =	vmul.f32 v36, v10;
	v22 =	vadd.f32 v32, v22  }
0x106: {  	v45 =	vmul.f32 v45, v6;
	v32 =	vld [tilespmem:s13+$0x40];
	v23 =	vadd.f32 v23, v40;
	v40 =	vperm.xlane v16, v1  }
0x107: {  	v47 =	vld [tilespmem:s13+$0xB0];
	v33 =	vadd.f32 v36, v33;
	v36 =	vmul.f32 v43, v9;
	v22 =	vadd.f32 v38, v22  }
0x108: {  	v31 =	vmul.f32 v31, v7;
	v38 =	vld [tilespmem:s13+$0x120];
	v43 =	vperm.xlane v23, v1;
	v16 =	vadd.f32 v16, v40  }
0x109: {  	v40 =	vld [tilespmem:s13+$0x100];
	v33 =	vadd.f32 v36, v33;
	v36 =	vmul.f32 v28, v8;
	v29 =	vadd.f32 v29, v22  }
0x10a: {  	v22 =	vmul.f32 v39, v4;
	v48 =	vld [tilespmem:s13+$0xFFFFFE70];
	v23 =	vadd.f32 v23, v43;
	v39 =	vperm.xlane v16, v2  }
0x10b: {  	v28 =	vmul.f32 v49, v5;
	v43 =	vld [tilespmem:s13+$0x110];
	v33 =	vadd.f32 v36, v33;
	v29 =	vadd.f32 v13, v29  }
0x10c: {  	v41 =	vmul.f32 v41, v6;
	v36 =	vld [tilespmem:s13+$0xFFFFFEE0];
	v49 =	vperm.xlane v23, v2;
	v13 =	vadd.f32 v16, v39  }
0x10d: {  	v34 =	vmul.f32 v34, v7;
	v39 =	vld [tilespmem:s13+$0x80];
	v33 =	vadd.f32 v37, v33;
	v37 =	vadd.f32 v14, v29  }
0x10e: {  	v42 =	vmul.f32 v42, v8;
	v50 =	vld [tilespmem:s13+$0xFFFFFF50];
	v40 =	vmul.f32 v40, v11;
	v14 =	vadd.f32 v23, v49  }
0x10f: {  	v16 =	vmul.f32 v46, v4;
	v23 =	vld [tilespmem:s13+$0x90];
	v33 =	vadd.f32 v30, v33;
	v46 =	vperm.xlane v37, v0  }
0x110: {  	v29 =	vmul.f32 v35, v5;
	v35 =	vld [tilespmem:s13+$0xFFFFFFC0];
	v40 =	vadd.f32 $0.0e+00, v40;
	v43 =	vmul.f32 v43, v10  }
0x111: {  	v30 =	vmul.f32 v44, v6;
	v44 =	vld [tilespmem:s13+$0xA0];
	v18 =	vadd.f32 v18, v33;
	v33 =	vadd.f32 v37, v46  }
0x112: {  	v38 =	vmul.f32 v38, v9;
	v37 =	vld [tilespmem:s13+$0x30];
	v39 =	vmul.f32 v39, v11;
	v40 =	vadd.f32 v43, v40  }
0x113: {  	v32 =	vmul.f32 v32, v7;
	v43 =	vld [tilespmem:s13+$0xFFFFFE60];
	v15 =	vadd.f32 v15, v18;
	v18 =	vperm.xlane v33, v1  }
0x114: {  	v46 =	vld [tilespmem:s13+$0x0];
	v39 =	vadd.f32 $0.0e+00, v39;
	v23 =	vmul.f32 v23, v10;
	v38 =	vadd.f32 v38, v40  }
0x115: {  	v47 =	vmul.f32 v47, v8;
	v40 =	vld [tilespmem:s13+$0xFFFFFED0];
	v49 =	vperm.xlane v15, v0;
	v33 =	vadd.f32 v33, v18  }
0x116: {  	v51 =	vld [tilespmem:s13+$0x10];
	v39 =	vadd.f32 v23, v39;
	v44 =	vmul.f32 v44, v9;
	v38 =	vadd.f32 v42, v38  }
0x117: {  	v18 =	vmul.f32 v48, v4;
	v42 =	vld [tilespmem:s13+$0xFFFFFF40];
	v48 =	vadd.f32 v15, v49;
	v15 =	vperm.xlane v33, v2  }
0x118: {  	v23 =	vmul.f32 v36, v5;
	v36 =	vld [tilespmem:s13+$0x20];
	v39 =	vadd.f32 v44, v39;
	v31 =	vadd.f32 v31, v38  }
0x119: {  	v38 =	vld [tilespmem:s13+$0xFFFFFFB0];
	v44 =	vmul.f32 v46, v11;
	v46 =	vperm.xlane v48, v1;
	v15 =	vadd.f32 v33, v15  }
0x11a: {  	v33 =	vmul.f32 v50, v6;
	v49 =	vld [tilespmem:s13+$0xFFFFFF80];
	v39 =	vadd.f32 v47, v39;
	v27 =	vadd.f32 v27, v31  }
0x11b: {  	v31 =	vld [tilespmem:s13+$0xFFFFFDE0];
	v44 =	vadd.f32 $0.0e+00, v44;
	v47 =	vmul.f32 v51, v10;
	v46 =	vadd.f32 v48, v46  }
0x11c: {  	v35 =	vmul.f32 v35, v7;
	v48 =	vld [tilespmem:s13+$0xFFFFFF90];
	v34 =	vadd.f32 v34, v39;
	v21 =	vadd.f32 v21, v27  }
0x11d: {  	v37 =	vmul.f32 v37, v8;
	v39 =	vld [tilespmem:s13+$0xFFFFFE50];
	v27 =	vadd.f32 v47, v44;
	v36 =	vmul.f32 v36, v9  }
0x11e: {  	v44 =	vld [tilespmem:s13+$0xFFFFFFA0];
	v34 =	vadd.f32 v45, v34;
	v17 =	vadd.f32 v17, v21;
	v45 =	vperm.xlane v46, v2  }
0x11f: {  	v21 =	vmul.f32 v43, v5;
	v43 =	vld [tilespmem:s13+$0xFFFFFF00];
	v47 =	vmul.f32 v49, v11;
	v36 =	vadd.f32 v36, v27  }
0x120: {  	v27 =	vmul.f32 v40, v6;
	v49 =	vld [tilespmem:s13+$0xFFFFFEC0];
	v26 =	vadd.f32 v26, v34;
	v34 =	vperm.xlane v17, v0  }
0x121: {  	v40 =	vld [tilespmem:s13+$0xFFFFFF10];
	v47 =	vadd.f32 $0.0e+00, v47;
	v48 =	vmul.f32 v48, v10;
	v36 =	vadd.f32 v37, v36  }
0x122: {  	v38 =	vmul.f32 v38, v8;
	v37 =	vld [tilespmem:s13+$0xFFFFFF30];
	v24 =	vadd.f32 v24, v26;
	v26 =	vadd.f32 v17, v34  }
0x123: {  	v34 =	vld [tilespmem:s13+$0xFFFFFF20];
	v47 =	vadd.f32 v48, v47;
	v44 =	vmul.f32 v44, v9;
	v32 =	vadd.f32 v32, v36  }
0x124: {  	v17 =	vadd.f32 v46, v45;
	v36 =	vld [tilespmem:s13+$0xFFFFFC70];
	v43 =	vmul.f32 v43, v11;
	v48 =	vperm.xlane v24, v0  }
0x125: {  	v45 =	vld [tilespmem:s13+$0xFFFFFDD0];
	v44 =	vadd.f32 v44, v47;
	v32 =	vadd.f32 v41, v32;
	v41 =	vperm.xlane v26, v1  }
0x126: {  	v46 =	vld [tilespmem:s13+$0xFFFFFE40];
	v43 =	vadd.f32 $0.0e+00, v43;
	v40 =	vmul.f32 v40, v10;
	v24 =	vadd.f32 v24, v48  }
0x127: {  	v42 =	vmul.f32 v42, v7;
	v47 =	vld [tilespmem:s13+$0xFFFFFEB0];
	v38 =	vadd.f32 v38, v44;
	v25 =	vadd.f32 v25, v32  }
0x128: {  	v26 =	vadd.f32 v26, v41;
	v44 =	vld [tilespmem:s13+$0xFFFFFC60];
	v32 =	vadd.f32 v40, v43;
	v34 =	vmul.f32 v34, v9  }
0x129: {  	v41 =	vld [tilespmem:s13+$0xFFFFFDC0];
	v35 =	vadd.f32 v35, v38;
	v38 =	vadd.f32 v19, v25;
	v19 =	vperm.xlane v24, v1  }
0x12a: {  	v48 =	vld [tilespmem:s13+$0xFFFFFE30];
	v32 =	vadd.f32 v34, v32;
	v34 =	vmul.f32 v37, v8;
	v37 =	vperm.xlane v26, v2  }
0x12b: {  	v40 =	vld [tilespmem:s13+$0xFFFFFEA0];
	v30 =	vadd.f32 v30, v35;
	v35 =	vperm.xlane v38, v0;
	v24 =	vadd.f32 v24, v19  }
0x12c: {  	v25 =	vmul.f32 v31, v5;
	v50 =	vld [tilespmem:s13+$0xFFFFFC50];
	v31 =	vadd.f32 v34, v32;
	v19 =	vadd.f32 v26, v37  }
0x12d: {  	v37 =	vld [tilespmem:s13+$0xFFFFFE80];
	v26 =	vadd.f32 v28, v30;
	v38 =	vadd.f32 v38, v35;
	v28 =	vperm.xlane v24, v2  }
0x12e: {  	v30 =	vmul.f32 v39, v6;
	v35 =	vmul.f32 v49, v7;
	v32 =	vld [tilespmem:s13+$0xFFFFFDB0];
	v31 =	vadd.f32 v42, v31  }
0x12f: {  	v39 =	vld [tilespmem:s13+$0xFFFFFE90];
	v42 =	vadd.f32 v20, v26;
	v43 =	vperm.xlane v38, v1;
	v20 =	vadd.f32 v24, v28  }
0x130: {  	v26 =	vmul.f32 v36, v4;
	v28 =	vmul.f32 v45, v6;
	v24 =	vld [tilespmem:s13+$0xFFFFFE00];
	v31 =	vadd.f32 v33, v31  }
0x131: {  	v34 =	vmul.f32 v46, v7;
	v33 =	vld [tilespmem:s13+$0xFFFFFE20];
	v45 =	vperm.xlane v42, v0;
	v43 =	vadd.f32 v38, v43  }
0x132: {  	v47 =	vmul.f32 v47, v8;
	v46 =	vld [tilespmem:s13+$0xFFFFFE10];
	v38 =	vmul.f32 v37, v11;
	v31 =	vadd.f32 v29, v31  }
0x133: {  	v29 =	vmul.f32 v44, v5;
	v36 =	vld [tilespmem:s13+$0xFFFFFC40];
	v42 =	vadd.f32 v42, v45;
	v44 =	vperm.xlane v43, v2  }
0x134: {  	v37 =	vld [tilespmem:s13+$0xFFFFFDA0];
	v45 =	vadd.f32 $0.0e+00, v38;
	v49 =	vmul.f32 v39, v10;
	v51 =	vadd.f32 v22, v31  }
0x135: {  	v38 =	vld [tilespmem:s13+$0xFFFFFC30];
	v24 =	vmul.f32 v24, v11;
	v31 =	vperm.xlane v42, v1;
	v22 =	vadd.f32 v43, v44  }
0x136: {  	v44 =	vmul.f32 v40, v9;
	v39 =	vld [tilespmem:s13+$0xFFFFFD90];
	v43 =	vadd.f32 v49, v45;
	v45 =	vperm.xlane v51, v0  }
.Ltmp0:
0x137: {  	v40 =	vld [tilespmem:s13+$0xFFFFFC20];
	v24 =	vadd.f32 $0.0e+00, v24;
	v46 =	vmul.f32 v46, v10;
	v52 =	vadd.f32 v42, v31;
	(pc) =	sbr.rel @p0 .LBB2_2-.Ltmp0, $4  }
0x138: {  	v31 =	vmul.f32 v41, v7;
	v42 =	vld [tilespmem:s13+$0xFFFFFD80];
	v44 =	vadd.f32 v44, v43;
	v45 =	vadd.f32 v51, v45  }
0x139: {  	v51 =	vmul.f32 v33, v9;
	v41 =	vld [tilespmem:s13+$0xFFFFFC10];
	v24 =	vadd.f32 v46, v24;
	v53 =	vperm.xlane v52, v2  }
0x13a: {  	v46 =	vmul.f32 v48, v8;
	v43 =	vld [tilespmem:s13+$0xFFFFFC00];
	v48 =	vadd.f32 v47, v44;
	v49 =	vperm.xlane v45, v1  }
0x13b: {  	s15 =	sadd.s32 $0x40, s15;
	v33 =	vmul.f32 v50, v6;
	v44 =	vld [tilespmem:s13+$0xFFFFFC80];
	v47 =	vadd.f32 v51, v24;
	v24 =	vadd.f32 v52, v53  }
0x13c: {  	v32 =	vmul.f32 v32, v8  }
0x13d: {  	v50 =	vld [tilespmem:s13+$0xFFFFFD00];
	v35 =	vadd.f32 v35, v48;
	v45 =	vadd.f32 v45, v49;
	v36 =	vmul.f32 v36, v7  }
0x13e: {  	v54 =	vld [tilespmem:s13+$0xFFFFFC90];
	v37 =	vmul.f32 v37, v9;
	v38 =	vmul.f32 v38, v8;
	v46 =	vadd.f32 v46, v47  }
0x13f: {  	v55 =	vld [tilespmem:s13+$0xFFFFFD10];
	v39 =	vmul.f32 v39, v10;
	v42 =	vmul.f32 v42, v11;
	v27 =	vadd.f32 v27, v35  }
0x140: {  	v56 =	vld [tilespmem:s13+$0xFFFFFCA0];
	v35 =	vmul.f32 v40, v9;
	v58 =	vmul.f32 v41, v10;
	v34 =	vadd.f32 v34, v46  }
0x141: {  	v57 =	vld [tilespmem:s13+$0xFFFFFD20];
	v43 =	vmul.f32 v43, v11;
	v42 =	vadd.f32 $0.0e+00, v42;
	v44 =	vmul.f32 v44, v11  }
0x142: {  	v41 =	vld [tilespmem:s13+$0xFFFFFCB0];
	v23 =	vadd.f32 v23, v27;
	v59 =	vmul.f32 v50, v11;
	v30 =	vadd.f32 v30, v34  }
0x143: {  	v63 =	vld [tilespmem:s13+$0xFFFFFD30];
	v60 =	vadd.f32 $0.0e+00, v43;
	v62 =	vmul.f32 v54, v10;
	v61 =	vadd.f32 $0.0e+00, v44  }
0x144: {  	v52 =	vld [tilespmem:s13+$0xFFFFFCC0];
	v53 =	vmul.f32 v55, v10;
	v16 =	vadd.f32 v16, v23;
	v11 =	vadd.f32 $0.0e+00, v59  }
0x145: {  	v40 =	vmul.f32 v56, v9;
	v55 =	vld [tilespmem:s13+$0xFFFFFD40];
	v27 =	vadd.f32 v58, v60;
	v54 =	vadd.f32 v62, v61  }
0x146: {  	v56 =	vld [tilespmem:s13+$0xFFFFFCD0];
	v57 =	vmul.f32 v57, v9;
	v58 =	vadd.f32 v39, v42;
	v10 =	vadd.f32 v53, v11  }
0x147: {  	v59 =	vmul.f32 v41, v8;
	v60 =	vld [tilespmem:s13+$0xFFFFFD50];
	v27 =	vadd.f32 v35, v27;
	v34 =	vadd.f32 v40, v54  }
0x148: {  	v61 =	vld [tilespmem:s13+$0xFFFFFCE0];
	v62 =	vmul.f32 v63, v8;
	v63 =	vadd.f32 v37, v58;
	v9 =	vadd.f32 v57, v10  }
0x149: {  	v47 =	vld [tilespmem:s13+$0xFFFFFD60];
	v46 =	vmul.f32 v52, v7;
	v41 =	vadd.f32 v38, v27;
	v42 =	vadd.f32 v59, v34  }
0x14a: {  	v48 =	vld [tilespmem:s13+$0xFFFFFCF0];
	v49 =	vmul.f32 v55, v7;
	v50 =	vadd.f32 v32, v63;
	v8 =	vadd.f32 v62, v9  }
0x14b: {  	v53 =	vmul.f32 v56, v6;
	v54 =	vld [tilespmem:s13+$0xFFFFFD70];
	v51 =	vadd.f32 v36, v41;
	v52 =	vadd.f32 v46, v42  }
0x14c: {  	v57 =	vld [tilespmem:s13+$0xFFFFFDF0];
	v55 =	vmul.f32 v60, v6;
	v56 =	vadd.f32 v31, v50;
	v7 =	vadd.f32 v49, v8  }
0x14d: {  	v58 =	vmul.f32 v61, v5;
	v10 =	vadd.f32 v33, v51;
	v11 =	vadd.f32 v53, v52  }
0x14e: {  	v5 =	vmul.f32 v47, v5;
	v59 =	vadd.f32 v28, v56;
	v6 =	vadd.f32 v55, v7  }
0x14f: {  	v62 =	vmul.f32 v48, v4;
	v60 =	vadd.f32 v29, v10;
	v61 =	vadd.f32 v58, v11  }
0x150: {  	v63 =	vmul.f32 v54, v4;
	v7 =	vadd.f32 v25, v59;
	v5 =	vadd.f32 v5, v6  }
0x151: {  	v4 =	vmul.f32 v57, v4;
	v8 =	vadd.f32 v26, v60;
	v10 =	vadd.f32 v62, v61  }
0x152: {  	v26 =	vadd.f32 v21, v30;
	v5 =	vadd.f32 v63, v5  }
0x153: {  	v4 =	vadd.f32 v4, v7;
	v28 =	vperm.xlane v8, v0;
	v29 =	vperm.xlane v10, v0  }
0x154: {  	v27 =	vperm.xlane v45, v2;
	v6 =	vadd.f32 v18, v26;
	v30 =	vperm.xlane v5, v0  }
0x155: {  	v31 =	vperm.xlane v4, v0;
	v8 =	vadd.f32 v8, v28;
	v10 =	vadd.f32 v10, v29  }
0x156: {  	v33 =	vperm.xlane v16, v0;
	v32 =	vperm.xlane v6, v0;
	v5 =	vadd.f32 v5, v30  }
0x157: {  	v4 =	vadd.f32 v4, v31;
	v34 =	vperm.xlane v8, v1;
	v35 =	vperm.xlane v10, v1  }
0x158: {  	v37 =	vadd.f32 v16, v33;
	v6 =	vadd.f32 v6, v32;
	v36 =	vperm.xlane v5, v1  }
0x159: {  	v38 =	vperm.xlane v4, v1;
	v8 =	vadd.f32 v8, v34;
	v10 =	vadd.f32 v10, v35  }
0x15a: {  	v18 =	vperm.xlane v37, v1;
	v39 =	vperm.xlane v6, v1;
	v5 =	vadd.f32 v5, v36  }
0x15b: {  	v4 =	vadd.f32 v4, v38;
	v21 =	vperm.xlane v8, v2;
	v23 =	vperm.xlane v10, v2  }
0x15c: {  	v7 =	vadd.f32 v37, v18;
	v6 =	vadd.f32 v6, v39;
	v40 =	vperm.xlane v5, v2  }
0x15d: {  	v41 =	vperm.xlane v4, v2;
	v8 =	vadd.f32 v8, v21;
	v10 =	vadd.f32 v10, v23  }
0x15e: {  	v18 =	vperm.xlane v7, v2;
	v42 =	vperm.xlane v6, v2;
	v5 =	vadd.f32 v5, v40  }
0x15f: {  	v4 =	vadd.f32 v4, v41;
	v21 =	vperm.xlane v8, v3;
	v23 =	vperm.xlane v10, v3  }
0x160: {  	v7 =	vadd.f32 v7, v18;
	v6 =	vadd.f32 v6, v42;
	v43 =	vperm.xlane v5, v3  }
0x161: {  	v44 =	vperm.xlane v4, v3;
	v8 =	vadd.f32 v8, v21;
	v10 =	vadd.f32 v10, v23  }
0x162: {  	v9 =	vadd.f32 v45, v27;
	v46 =	vperm.xlane v6, v3;
	v5 =	vadd.f32 v5, v43  }
0x163: {  	v47 =	vperm.xlane v7, v3;
	v4 =	vadd.f32 v4, v44;
	v8 =	vsel vm0, v8, v10  }
0x164: {  	v48 =	vperm.xlane v9, v3;
	v6 =	vadd.f32 v6, v46;
	v5 =	vsel vm1, v8, v5  }
0x165: {  	v49 =	vperm.xlane v24, v3;
	v4 =	vsel vm2, v5, v4;
	v5 =	vadd.f32 v7, v47  }
0x166: {  	v51 =	vperm.xlane v22, v3;
	v50 =	vadd.f32 v9, v48;
	v4 =	vsel vm3, v4, v6  }
0x167: {  	v52 =	vperm.xlane v20, v3;
	v4 =	vsel vm4, v4, v5;
	v5 =	vadd.f32 v24, v49  }
0x168: {  	v54 =	vperm.xlane v19, v3;
	v53 =	vadd.f32 v22, v51;
	v4 =	vsel vm5, v4, v50  }
0x169: {  	v55 =	vperm.xlane v17, v3;
	v4 =	vsel vm6, v4, v5;
	v5 =	vadd.f32 v20, v52  }
0x16a: {  	v57 =	vperm.xlane v15, v3;
	v56 =	vadd.f32 v19, v54;
	v4 =	vsel vm7, v4, v53  }
0x16b: {  	v58 =	vperm.xlane v14, v3;
	v4 =	vsel vm8, v4, v5;
	v5 =	vadd.f32 v17, v55  }
0x16c: {  	s31 =	sshra.s32 s14, $0x2;
	v59 =	vadd.f32 v15, v57;
	v60 =	vperm.xlane v13, v3;
	v4 =	vsel vm9, v4, v56  }
0x16d: {  	v61 =	vperm.xlane v12, v3;
	v62 =	vld [tilespmem:s31+$0x18080];
	v4 =	vsel vm10, v4, v5;
	v5 =	vadd.f32 v14, v58  }
0x16e: {  	v63 =	vadd.f32 v13, v60;
	v4 =	vsel vm11, v4, v59  }
0x16f: {  	v4 =	vsel vm12, v4, v5;
	v5 =	vadd.f32 v12, v61  }
0x170: {  	v4 =	vsel vm13, v4, v63  }
0x171: {  	v4 =	vsel vm14, v4, v5  }
0x172: {  	s12 =	sadd.s32 $0x1, s12;
	v4 =	vadd.f32 v4, v62  }
0x173: {  	p0 =	sne.s32 s12, s7  }
.Ltmp1:
0x174: {  	[tilespmem:s31+$0x18380] =	vst v4;
	(pc) =	sbr.rel @p0 .LBB2_1-.Ltmp1, $4  }
0x175: {  	[hbm4b:s6+s3] =	stream.linear.scatter [tilespmem:s11], [sflag:$0x1], $0x300, $0x38;
	[tilespmem:$0x18680] =	vst v63  }
0x176: {  	_ =	swait.ge [sflag:s9], $0x300  }
0x177: {  	[sflag:s9] =	ssyncset.done $0x0  }
0x178: {  	[sflag:s9] =	ssyncadd.s32 $0xFFFFFD00  }
0x179: {  	_ =	sfence.sel $0x180000  }
0x17a: {  	[bflag:$0x0] =	sbarrier.arrive $0xFFFF  }
0x17b: {  	p0 =	sne.s32 s1, $0x0;
	_ =	strace $0x90000047  }
0x17c: {  	s0 =	sadd.s32 @!p0 $0x100000, s2;
	[bflag:$0x2] =	sbarrier.arrive $0xFFFF  }
0x17d: {  	[sflag:s0] =	ssyncadd.tile.s32 @!p0 $0x1;
	_ =	shalt  }
.Lfunc_end2:
_tile_overlayer_lowered:
.L_overlay_start_2:
0x17e: {  	(tag) =	ssettag $0x2  }
0x17f: {  	s0 =	rddreg [dreg:$0x0];
	s2 =	stileid.u32  }
0x180: {  	s1 =	rddreg [dreg:$0x1];
	p0 =	sne.s32 s2, $0x0  }
0x181: {  	s3 =	rddreg [dreg:$0x2];
	[bflag:$0x3] =	sbarrier.arrive $0xFFFF;
	s2 =	simm.s32 @!p0 $0x1C01  }
0x182: {  	[timem:s3], [sflag:s2] =	dma.local @!p0 [hbm:s0], s1  }
0x183: {  	s0 =	simm.s32 @!p0 $0x1  }
0x184: {  	_ =	swait.ge @!p0 [sflag:s0], s1  }
0x185: {  	s1 =	ssub.s32 @!p0 $0x0, s1;
	[sflag:s0] =	ssyncset.done @!p0 $0x0  }
0x186: {  	[sflag:s0] =	ssyncadd.s32 @!p0 s1  }
0x187: {  	[bflag:$0x3] =	sbarrier.arrive $0xFFFF  }
0x188: {  	_ =	shalt  }

</sc_bundles>
